<compile_context>
chip_gen: v7x
topology: tpu7x:2x2x1
jax: 0.10.2.dev20260603
libtpu: 0.0.44.dev20260713+nightly
codegen_flags: <defaults>
</compile_context>

<pallas_src>
import functools

import jax
import jax.numpy as jnp
from jax import lax
from jax.experimental import pallas as pl
from jax.experimental.pallas import tpu as pltpu
from jax.experimental.pallas import tpu_sc as plsc

RADIUS2 = 0.0625
K = 16
NQ = 10000
NP = 10000
NPP = 10112
NB = NPP // 16
SB = 8
NSB = NB // SB
NW = 32
QPW = 320
NQPAD = NW * QPW

_mesh = plsc.VectorSubcoreMesh(core_axis_name="c", subcore_axis_name="s")


def _bf16_rtne(x_f32):
    t = x_f32 * jnp.float32(65537.0)
    return t - (t - x_f32)


def _vgather(v, idx):
    return lax.gather(
        v, idx[:, None],
        lax.GatherDimensionNumbers(offset_dims=(), collapsed_slice_dims=(0,),
                                   start_index_map=(0,)),
        (1,), mode=lax.GatherScatterMode.PROMISE_IN_BOUNDS)


def _vmin_all(v, iota):
    for s in (8, 4, 2, 1):
        v = jnp.minimum(v, _vgather(v, iota ^ s))
    return v


@functools.partial(
    pl.kernel,
    mesh=_mesh,
    out_type=[
        jax.ShapeDtypeStruct((NQPAD * K,), jnp.int32),
        jax.ShapeDtypeStruct((NQPAD * K,), jnp.float32),
        jax.ShapeDtypeStruct((NQPAD * K,), jnp.float32),
        jax.ShapeDtypeStruct((NQPAD * K,), jnp.float32),
    ],
    scratch_types=[
        pltpu.VMEM((NPP,), jnp.float32),
        pltpu.VMEM((NPP,), jnp.float32),
        pltpu.VMEM((NPP,), jnp.float32),
        pltpu.VMEM((NPP,), jnp.float32),
        pltpu.VMEM((NPP,), jnp.float32),
        pltpu.VMEM((NPP,), jnp.float32),
        pltpu.VMEM((NPP,), jnp.float32),
        pltpu.VMEM((QPW,), jnp.float32),
        pltpu.VMEM((QPW,), jnp.float32),
        pltpu.VMEM((QPW,), jnp.float32),
        pltpu.VMEM((QPW * K,), jnp.int32),
        pltpu.VMEM((QPW * K,), jnp.float32),
        pltpu.VMEM((QPW * K,), jnp.float32),
        pltpu.VMEM((QPW * K,), jnp.float32),
        pltpu.VMEM((16,), jnp.float32),
        pltpu.VMEM((16,), jnp.int32),
        pltpu.SMEM((1,), jnp.float32),
        pltpu.SemaphoreType.DMA,
    ],
)
def _ballq_kernel(qx_h, qy_h, qz_h, px_h, py_h, pz_h,
                  map_h, ox_h, oy_h, oz_h,
                  px_v, py_v, pz_v, pxr_v, pyr_v, pzr_v, sqp_v,
                  qx_v, qy_v, qz_v,
                  map_s, gx_s, gy_s, gz_s, cd2_s, cix_s, thr_s, sem):
    wid = lax.axis_index("s") * 2 + lax.axis_index("c")
    qbase = wid * QPW

    pltpu.sync_copy(px_h, px_v)
    pltpu.sync_copy(py_h, py_v)
    pltpu.sync_copy(pz_h, pz_v)
    pltpu.sync_copy(qx_h.at[pl.ds(qbase, QPW)], qx_v)
    pltpu.sync_copy(qy_h.at[pl.ds(qbase, QPW)], qy_v)
    pltpu.sync_copy(qz_h.at[pl.ds(qbase, QPW)], qz_v)

    iota = lax.iota(jnp.int32, 16)
    inf = jnp.full((16,), jnp.inf, jnp.float32)
    r2v = jnp.full((16,), RADIUS2, jnp.float32)

    def prolog(b, _):
        sl = pl.ds(b * 16, 16)
        x = px_v[sl]
        y = py_v[sl]
        z = pz_v[sl]
        sqp_v[sl] = (x * x + y * y) + z * z
        pxr_v[sl] = _bf16_rtne(x)
        pyr_v[sl] = _bf16_rtne(y)
        pzr_v[sl] = _bf16_rtne(z)
        return 0

    lax.fori_loop(0, NB, prolog, 0)

    def per_group(g, _):
        qxg = qx_v[pl.ds(g * 16, 16)]
        qyg = qy_v[pl.ds(g * 16, 16)]
        qzg = qz_v[pl.ds(g * 16, 16)]

        def per_query(l, _):
            lsel = jnp.full((16,), l, jnp.int32)
            qx = _vgather(qxg, lsel)
            qy = _vgather(qyg, lsel)
            qz = _vgather(qzg, lsel)
            sqq = (qx * qx + qy * qy) + qz * qz
            qxr = _bf16_rtne(qx)
            qyr = _bf16_rtne(qy)
            qzr = _bf16_rtne(qz)

            cd2_s[...] = inf
            cix_s[...] = jnp.full((16,), NP, jnp.int32)
            thr_s[0] = jnp.float32(RADIUS2)

            one = jnp.int32(1)
            zero = jnp.int32(0)

            def batch_key(base):
                sl = pl.ds(base, 16)
                dot = (qxr * pxr_v[sl] + qyr * pyr_v[sl]) + qzr * pzr_v[sl]
                return jnp.maximum((sqq + sqp_v[sl]) - 2.0 * dot, 0.0)

            def merge_batch(key, base, thr):
                bidx = iota + jnp.full((16,), base, jnp.int32)
                key2 = jnp.where(key <= jnp.full((16,), thr, jnp.float32),
                                 key, inf)
                prev = jnp.maximum(iota - 1, 0)
                onev = jnp.full((16,), 1, jnp.int32)

                def lane_step(l, st2):
                    cd2, cix = st2
                    lanev = jnp.full((16,), l, jnp.int32)
                    ckv = _vgather(key2, lanev)
                    civ = _vgather(bidx, lanev)
                    bltf = jnp.where(cd2 < ckv, jnp.float32(1.0),
                                     jnp.float32(0.0))
                    beqf = jnp.where(cd2 == ckv, jnp.float32(1.0),
                                     jnp.float32(0.0))
                    il = jnp.where(cix < civ, one, zero)
                    beats32 = bltf.astype(jnp.int32) | (beqf.astype(jnp.int32) & il)
                    sb = jnp.where(iota == 0, one, _vgather(beats32, prev))
                    ins32 = (onev - beats32) & sb
                    beatsf = beats32.astype(jnp.float32)
                    insf = ins32.astype(jnp.float32)
                    sd2 = _vgather(cd2, prev)
                    six = _vgather(cix, prev)
                    nd2 = jnp.where(beatsf > 0.0, cd2,
                                    jnp.where(insf > 0.0, ckv, sd2))
                    nix = jnp.where(beats32 > 0, cix,
                                    jnp.where(ins32 > 0, civ, six))
                    return (nd2, nix)

                def lane_step2(h, st2):
                    return lane_step(2 * h + 1, lane_step(2 * h, st2))

                cd2, cix = lax.fori_loop(
                    0, 8, lane_step2, (cd2_s[...], cix_s[...]))
                cd2_s[...] = cd2
                cix_s[...] = cix
                t16 = cd2[15]
                thr_s[0] = jnp.where(t16 == 0.0, jnp.float32(-1.0),
                                     jnp.minimum(t16, jnp.float32(RADIUS2)))

            def per_sb(s, _):
                sbase = s * (SB * 16)
                keys = [batch_key(sbase + j * 16) for j in range(SB)]
                kacc = keys[0]
                for kj in keys[1:]:
                    kacc = jnp.minimum(kacc, kj)
                kmin = _vmin_all(kacc, iota)[0]

                @pl.when(kmin <= thr_s[0])
                def hit_path():
                    for j in range(SB):
                        kb = keys[j]
                        bmin = _vmin_all(kb, iota)[0]
                        thr = thr_s[0]

                        @pl.when(bmin <= thr)
                        def do_merge(kb=kb, j=j, thr=thr):
                            merge_batch(kb, sbase + j * 16, thr)

                return 0

            lax.fori_loop(0, NSB, per_sb, 0)

            cur_d2 = cd2_s[...]
            cur_ix = cix_s[...]
            vmask = jnp.where(cur_d2 <= r2v, jnp.float32(1.0),
                              jnp.float32(0.0))
            vi = vmask.astype(jnp.int32)
            safe = jnp.where(vi > 0, cur_ix, jnp.full((16,), 0, jnp.int32))
            osl = pl.ds((g * 16 + l) * K, 16)
            map_s[osl] = jnp.where(vi > 0, cur_ix,
                                   jnp.full((16,), -1, jnp.int32))
            h1 = pltpu.async_copy(px_h.at[safe], gx_s.at[osl], sem)
            h2 = pltpu.async_copy(py_h.at[safe], gy_s.at[osl], sem)
            h3 = pltpu.async_copy(pz_h.at[safe], gz_s.at[osl], sem)
            h1.wait()
            h2.wait()
            h3.wait()
            gx_s[osl] = gx_s[osl] * vmask
            gy_s[osl] = gy_s[osl] * vmask
            gz_s[osl] = gz_s[osl] * vmask
            return 0

        lax.fori_loop(0, 16, per_query, 0)
        return 0

    lax.fori_loop(0, QPW // 16, per_group, 0)

    obase = qbase * K
    pltpu.sync_copy(map_s, map_h.at[pl.ds(obase, QPW * K)])
    pltpu.sync_copy(gx_s, ox_h.at[pl.ds(obase, QPW * K)])
    pltpu.sync_copy(gy_s, oy_h.at[pl.ds(obase, QPW * K)])
    pltpu.sync_copy(gz_s, oz_h.at[pl.ds(obase, QPW * K)])


def kernel(pc1, pc2):
    q = pc1[0]
    p = pc2[0]
    qx = jnp.zeros((NQPAD,), jnp.float32).at[:NQ].set(q[:, 0])
    qy = jnp.zeros((NQPAD,), jnp.float32).at[:NQ].set(q[:, 1])
    qz = jnp.zeros((NQPAD,), jnp.float32).at[:NQ].set(q[:, 2])
    px = jnp.full((NPP,), 1000.0, jnp.float32).at[:NP].set(p[:, 0])
    py = jnp.full((NPP,), 1000.0, jnp.float32).at[:NP].set(p[:, 1])
    pz = jnp.full((NPP,), 1000.0, jnp.float32).at[:NP].set(p[:, 2])
    mapf, ox, oy, oz = _ballq_kernel(qx, qy, qz, px, py, pz)
    mapping = mapf.reshape(NQPAD, K)[:NQ][None]
    outputs = jnp.stack([ox, oy, oz], axis=-1).reshape(NQPAD, K, 3)[:NQ][None]
    return (mapping, outputs)

# --- scband reference (transcript-rebuilt; emitter-appended) ---
"""Pipeline reference for scband-ball-query-14456859919013 (READ-ONLY COPY).

The authoritative reference and input builder live on the scoring server;
editing this copy changes nothing except your own understanding.
"""

import jax, jax.numpy as jnp
import numpy as np

RADIUS = 0.25
K = 16


def radius_search(queries, points, radius, k):
    # queries: [Nq, 3+], points: [Np, 3+]; only first 3 dims are coordinates
    q = queries[:, :3]
    p = points[:, :3]
    # squared pairwise distances via matmul expansion (avoids [Nq,Np,3] temp)
    d2 = (jnp.sum(q * q, axis=1)[:, None]
          + jnp.sum(p * p, axis=1)[None, :]
          - 2.0 * (q @ p.T))
    d2 = jnp.maximum(d2, 0.0)
    within = d2 <= (radius * radius)
    score = jnp.where(within, -d2, -jnp.inf)
    top_scores, idx = jax.lax.top_k(score, k)  # nearest-first among in-radius
    valid = jnp.isfinite(top_scores)
    mapping = jnp.where(valid, idx, -1)
    safe_idx = jnp.where(valid, idx, 0)
    out = jnp.take(p, safe_idx, axis=0)  # [Nq, k, 3]
    out = jnp.where(valid[..., None], out, 0.0)
    return mapping, out


def setup_inputs(seed: int = 0) -> dict:
    key = jax.random.key(seed)
    k1, k2 = jax.random.split(key)
    pc1 = jax.random.uniform(k1, (1, 10000, 3), dtype=jnp.float32)
    pc2 = jax.random.uniform(k2, (1, 10000, 3), dtype=jnp.float32)
    return {"pc1": pc1, "pc2": pc2}


def reference(pc1, pc2):
    # reverse_mapping=True branch: find pc2 points near pc1 points
    mapping, outputs = radius_search(pc1[0], pc2[0], RADIUS, K)
    mapping = mapping[None]   # [1, Nq, K]
    outputs = outputs[None]   # [1, Nq, K, 3]
    return (mapping, outputs)

if __name__ == "__main__":
    import jax
    _d = setup_inputs()
    print(jax.jit(kernel)(*tuple(_d.values())))

</pallas_src>

<mosaic_0001>
#map = affine_map<(d0, d1) -> (0)>
module attributes {stable_mosaic.version = 14 : i64} {
  func.func @_ballq_kernel(%arg0: i32, %arg1: i32, %arg2: memref<10240xf32, #tpu.memory_space<hbm>>, %arg3: memref<10240xf32, #tpu.memory_space<hbm>>, %arg4: memref<10240xf32, #tpu.memory_space<hbm>>, %arg5: memref<10112xf32, #tpu.memory_space<hbm>>, %arg6: memref<10112xf32, #tpu.memory_space<hbm>>, %arg7: memref<10112xf32, #tpu.memory_space<hbm>>, %arg8: memref<163840xi32, #tpu.memory_space<hbm>>, %arg9: memref<163840xf32, #tpu.memory_space<hbm>>, %arg10: memref<163840xf32, #tpu.memory_space<hbm>>, %arg11: memref<163840xf32, #tpu.memory_space<hbm>>, %arg12: memref<10112xf32, #tpu.memory_space<vmem>>, %arg13: memref<10112xf32, #tpu.memory_space<vmem>>, %arg14: memref<10112xf32, #tpu.memory_space<vmem>>, %arg15: memref<10112xf32, #tpu.memory_space<vmem>>, %arg16: memref<10112xf32, #tpu.memory_space<vmem>>, %arg17: memref<10112xf32, #tpu.memory_space<vmem>>, %arg18: memref<10112xf32, #tpu.memory_space<vmem>>, %arg19: memref<320xf32, #tpu.memory_space<vmem>>, %arg20: memref<320xf32, #tpu.memory_space<vmem>>, %arg21: memref<320xf32, #tpu.memory_space<vmem>>, %arg22: memref<5120xi32, #tpu.memory_space<vmem>>, %arg23: memref<5120xf32, #tpu.memory_space<vmem>>, %arg24: memref<5120xf32, #tpu.memory_space<vmem>>, %arg25: memref<5120xf32, #tpu.memory_space<vmem>>, %arg26: memref<16xf32, #tpu.memory_space<vmem>>, %arg27: memref<16xi32, #tpu.memory_space<vmem>>, %arg28: memref<1xf32, #tpu.memory_space<smem>>, %arg29: memref<!tpu.dma_semaphore, #tpu.memory_space<semaphore_mem>>) attributes {dimension_semantics = [#tpu.dimension_semantics<core_parallel>, #tpu.dimension_semantics<subcore_parallel>], iteration_bounds = array<i64: 2, 16>, scalar_prefetch = 0 : i64, scratch_operands = 18 : i64, tpu.core_type = #tpu.core_type<sc_vector_subcore>, window_params = [{transform_indices = #map}, {transform_indices = #map}, {transform_indices = #map}, {transform_indices = #map}, {transform_indices = #map}, {transform_indices = #map}, {transform_indices = #map}, {transform_indices = #map}, {transform_indices = #map}, {transform_indices = #map}]} {
    %mul3A = arith.constant 2 : i32
    %mul3A_0 = arith.muli %arg1, %mul3A : i32
    %add3A = arith.addi %mul3A_0, %arg0 : i32
    %mul3A_1 = arith.constant 320 : i32
    %mul3A_2 = arith.muli %add3A, %mul3A_1 : i32
    "tpu.region"() ({
      %run_scoped3A = tpu.sem_alloc : memref<!tpu.dma_semaphore, #tpu.memory_space<semaphore_mem>>
      tpu.enqueue_dma source(%arg5 : memref<10112xf32, #tpu.memory_space<hbm>>) target(%arg12 : memref<10112xf32, #tpu.memory_space<vmem>>) target_semaphore(%run_scoped3A : memref<!tpu.dma_semaphore, #tpu.memory_space<semaphore_mem>>)
      tpu.wait_dma2 semaphore(%run_scoped3A : memref<!tpu.dma_semaphore, #tpu.memory_space<semaphore_mem>>) src(%arg5 : memref<10112xf32, #tpu.memory_space<hbm>>) dst(%arg12 : memref<10112xf32, #tpu.memory_space<vmem>>)
      tpu.yield
    }) : () -> ()
    "tpu.region"() ({
      %run_scoped3A = tpu.sem_alloc : memref<!tpu.dma_semaphore, #tpu.memory_space<semaphore_mem>>
      tpu.enqueue_dma source(%arg6 : memref<10112xf32, #tpu.memory_space<hbm>>) target(%arg13 : memref<10112xf32, #tpu.memory_space<vmem>>) target_semaphore(%run_scoped3A : memref<!tpu.dma_semaphore, #tpu.memory_space<semaphore_mem>>)
      tpu.wait_dma2 semaphore(%run_scoped3A : memref<!tpu.dma_semaphore, #tpu.memory_space<semaphore_mem>>) src(%arg6 : memref<10112xf32, #tpu.memory_space<hbm>>) dst(%arg13 : memref<10112xf32, #tpu.memory_space<vmem>>)
      tpu.yield
    }) : () -> ()
    "tpu.region"() ({
      %run_scoped3A = tpu.sem_alloc : memref<!tpu.dma_semaphore, #tpu.memory_space<semaphore_mem>>
      tpu.enqueue_dma source(%arg7 : memref<10112xf32, #tpu.memory_space<hbm>>) target(%arg14 : memref<10112xf32, #tpu.memory_space<vmem>>) target_semaphore(%run_scoped3A : memref<!tpu.dma_semaphore, #tpu.memory_space<semaphore_mem>>)
      tpu.wait_dma2 semaphore(%run_scoped3A : memref<!tpu.dma_semaphore, #tpu.memory_space<semaphore_mem>>) src(%arg7 : memref<10112xf32, #tpu.memory_space<hbm>>) dst(%arg14 : memref<10112xf32, #tpu.memory_space<vmem>>)
      tpu.yield
    }) : () -> ()
    "tpu.region"() ({
      %run_scoped3A = tpu.sem_alloc : memref<!tpu.dma_semaphore, #tpu.memory_space<semaphore_mem>>
      %dma_start3A = tpu.memref_slice %arg2[%mul3A_2] : memref<10240xf32, #tpu.memory_space<hbm>> -> memref<320xf32, #tpu.memory_space<hbm>>
      %dma_start3A_21 = tpu.memref_slice %arg2[%mul3A_2] : memref<10240xf32, #tpu.memory_space<hbm>> -> memref<320xf32, #tpu.memory_space<hbm>>
      tpu.enqueue_dma source(%dma_start3A_21 : memref<320xf32, #tpu.memory_space<hbm>>) target(%arg19 : memref<320xf32, #tpu.memory_space<vmem>>) target_semaphore(%run_scoped3A : memref<!tpu.dma_semaphore, #tpu.memory_space<semaphore_mem>>)
      %dma_wait3A = tpu.memref_slice %arg2[%mul3A_2] : memref<10240xf32, #tpu.memory_space<hbm>> -> memref<320xf32, #tpu.memory_space<hbm>>
      %dma_wait3A_22 = tpu.memref_slice %arg2[%mul3A_2] : memref<10240xf32, #tpu.memory_space<hbm>> -> memref<320xf32, #tpu.memory_space<hbm>>
      tpu.wait_dma2 semaphore(%run_scoped3A : memref<!tpu.dma_semaphore, #tpu.memory_space<semaphore_mem>>) src(%dma_wait3A_22 : memref<320xf32, #tpu.memory_space<hbm>>) dst(%arg19 : memref<320xf32, #tpu.memory_space<vmem>>)
      tpu.yield
    }) : () -> ()
    "tpu.region"() ({
      %run_scoped3A = tpu.sem_alloc : memref<!tpu.dma_semaphore, #tpu.memory_space<semaphore_mem>>
      %dma_start3A = tpu.memref_slice %arg3[%mul3A_2] : memref<10240xf32, #tpu.memory_space<hbm>> -> memref<320xf32, #tpu.memory_space<hbm>>
      %dma_start3A_21 = tpu.memref_slice %arg3[%mul3A_2] : memref<10240xf32, #tpu.memory_space<hbm>> -> memref<320xf32, #tpu.memory_space<hbm>>
      tpu.enqueue_dma source(%dma_start3A_21 : memref<320xf32, #tpu.memory_space<hbm>>) target(%arg20 : memref<320xf32, #tpu.memory_space<vmem>>) target_semaphore(%run_scoped3A : memref<!tpu.dma_semaphore, #tpu.memory_space<semaphore_mem>>)
      %dma_wait3A = tpu.memref_slice %arg3[%mul3A_2] : memref<10240xf32, #tpu.memory_space<hbm>> -> memref<320xf32, #tpu.memory_space<hbm>>
      %dma_wait3A_22 = tpu.memref_slice %arg3[%mul3A_2] : memref<10240xf32, #tpu.memory_space<hbm>> -> memref<320xf32, #tpu.memory_space<hbm>>
      tpu.wait_dma2 semaphore(%run_scoped3A : memref<!tpu.dma_semaphore, #tpu.memory_space<semaphore_mem>>) src(%dma_wait3A_22 : memref<320xf32, #tpu.memory_space<hbm>>) dst(%arg20 : memref<320xf32, #tpu.memory_space<vmem>>)
      tpu.yield
    }) : () -> ()
    "tpu.region"() ({
      %run_scoped3A = tpu.sem_alloc : memref<!tpu.dma_semaphore, #tpu.memory_space<semaphore_mem>>
      %dma_start3A = tpu.memref_slice %arg4[%mul3A_2] : memref<10240xf32, #tpu.memory_space<hbm>> -> memref<320xf32, #tpu.memory_space<hbm>>
      %dma_start3A_21 = tpu.memref_slice %arg4[%mul3A_2] : memref<10240xf32, #tpu.memory_space<hbm>> -> memref<320xf32, #tpu.memory_space<hbm>>
      tpu.enqueue_dma source(%dma_start3A_21 : memref<320xf32, #tpu.memory_space<hbm>>) target(%arg21 : memref<320xf32, #tpu.memory_space<vmem>>) target_semaphore(%run_scoped3A : memref<!tpu.dma_semaphore, #tpu.memory_space<semaphore_mem>>)
      %dma_wait3A = tpu.memref_slice %arg4[%mul3A_2] : memref<10240xf32, #tpu.memory_space<hbm>> -> memref<320xf32, #tpu.memory_space<hbm>>
      %dma_wait3A_22 = tpu.memref_slice %arg4[%mul3A_2] : memref<10240xf32, #tpu.memory_space<hbm>> -> memref<320xf32, #tpu.memory_space<hbm>>
      tpu.wait_dma2 semaphore(%run_scoped3A : memref<!tpu.dma_semaphore, #tpu.memory_space<semaphore_mem>>) src(%dma_wait3A_22 : memref<320xf32, #tpu.memory_space<hbm>>) dst(%arg21 : memref<320xf32, #tpu.memory_space<vmem>>)
      tpu.yield
    }) : () -> ()
    %iota3A = tpu.iota {dimensions = array<i32: 0>} : vector<16xi32>
    %broadcast_in_dim3A = arith.constant 0x7F800000 : f32
    %broadcast_in_dim3A_3 = vector.broadcast %broadcast_in_dim3A : f32 to vector<16xf32>
    %broadcast_in_dim3A_4 = arith.constant 6.250000e-02 : f32
    %broadcast_in_dim3A_5 = vector.broadcast %broadcast_in_dim3A_4 : f32 to vector<16xf32>
    %scan3A = arith.constant 0 : i32
    %scan3A_6 = arith.constant 0 : i32
    %scan3A_7 = arith.constant 632 : i32
    %scan3A_8 = arith.addi %scan3A_6, %scan3A_7 : i32
    %scan3A_9 = arith.constant 1 : i32
    %scan3A_10 = scf.for %scan3A_21 = %scan3A_6 to %scan3A_8 step %scan3A_9 iter_args(%scan3A_22 = %scan3A) -> (i32)  : i32 {
      %mul3A_23 = arith.constant 16 : i32
      %mul3A_24 = arith.muli %scan3A_21, %mul3A_23 : i32
      %get3A = arith.index_cast %mul3A_24 : i32 to index
      %get3A_25 = tpu.vector_load %arg12[%get3A] {strides = array<i32>} : memref<10112xf32, #tpu.memory_space<vmem>>, vector<16xf32>,
      %get3A_26 = vector.shape_cast %get3A_25 : vector<16xf32> to vector<16xf32>
      %get3A_27 = arith.index_cast %mul3A_24 : i32 to index
      %get3A_28 = tpu.vector_load %arg13[%get3A_27] {strides = array<i32>} : memref<10112xf32, #tpu.memory_space<vmem>>, vector<16xf32>,
      %get3A_29 = vector.shape_cast %get3A_28 : vector<16xf32> to vector<16xf32>
      %get3A_30 = arith.index_cast %mul3A_24 : i32 to index
      %get3A_31 = tpu.vector_load %arg14[%get3A_30] {strides = array<i32>} : memref<10112xf32, #tpu.memory_space<vmem>>, vector<16xf32>,
      %get3A_32 = vector.shape_cast %get3A_31 : vector<16xf32> to vector<16xf32>
      %mul3A_33 = arith.mulf %get3A_26, %get3A_26 : vector<16xf32>
      %mul3A_34 = arith.mulf %get3A_29, %get3A_29 : vector<16xf32>
      %add3A_35 = arith.addf %mul3A_33, %mul3A_34 : vector<16xf32>
      %mul3A_36 = arith.mulf %get3A_32, %get3A_32 : vector<16xf32>
      %add3A_37 = arith.addf %add3A_35, %mul3A_36 : vector<16xf32>
      %swap3A = arith.index_cast %mul3A_24 : i32 to index
      %swap3A_38 = tpu.vector_load %arg18[%swap3A] {strides = array<i32>} : memref<10112xf32, #tpu.memory_space<vmem>>, vector<16xf32>,
      %swap3A_39 = vector.shape_cast %swap3A_38 : vector<16xf32> to vector<16xf32>
      %swap3A_40 = vector.shape_cast %add3A_37 : vector<16xf32> to vector<16xf32>
      tpu.vector_store %arg18[%swap3A], %swap3A_40 {strides = array<i32>} : memref<10112xf32, #tpu.memory_space<vmem>>, vector<16xf32>,
      %mul3A_41 = arith.constant 6.553700e+04 : f32
      %mul3A_42 = vector.broadcast %mul3A_41 : f32 to vector<16xf32>
      %mul3A_43 = arith.mulf %get3A_26, %mul3A_42 : vector<16xf32>
      %sub3A = arith.subf %mul3A_43, %get3A_26 : vector<16xf32>
      %sub3A_44 = arith.subf %mul3A_43, %sub3A : vector<16xf32>
      %swap3A_45 = arith.index_cast %mul3A_24 : i32 to index
      %swap3A_46 = tpu.vector_load %arg15[%swap3A_45] {strides = array<i32>} : memref<10112xf32, #tpu.memory_space<vmem>>, vector<16xf32>,
      %swap3A_47 = vector.shape_cast %swap3A_46 : vector<16xf32> to vector<16xf32>
      %swap3A_48 = vector.shape_cast %sub3A_44 : vector<16xf32> to vector<16xf32>
      tpu.vector_store %arg15[%swap3A_45], %swap3A_48 {strides = array<i32>} : memref<10112xf32, #tpu.memory_space<vmem>>, vector<16xf32>,
      %mul3A_49 = arith.constant 6.553700e+04 : f32
      %mul3A_50 = vector.broadcast %mul3A_49 : f32 to vector<16xf32>
      %mul3A_51 = arith.mulf %get3A_29, %mul3A_50 : vector<16xf32>
      %sub3A_52 = arith.subf %mul3A_51, %get3A_29 : vector<16xf32>
      %sub3A_53 = arith.subf %mul3A_51, %sub3A_52 : vector<16xf32>
      %swap3A_54 = arith.index_cast %mul3A_24 : i32 to index
      %swap3A_55 = tpu.vector_load %arg16[%swap3A_54] {strides = array<i32>} : memref<10112xf32, #tpu.memory_space<vmem>>, vector<16xf32>,
      %swap3A_56 = vector.shape_cast %swap3A_55 : vector<16xf32> to vector<16xf32>
      %swap3A_57 = vector.shape_cast %sub3A_53 : vector<16xf32> to vector<16xf32>
      tpu.vector_store %arg16[%swap3A_54], %swap3A_57 {strides = array<i32>} : memref<10112xf32, #tpu.memory_space<vmem>>, vector<16xf32>,
      %mul3A_58 = arith.constant 6.553700e+04 : f32
      %mul3A_59 = vector.broadcast %mul3A_58 : f32 to vector<16xf32>
      %mul3A_60 = arith.mulf %get3A_32, %mul3A_59 : vector<16xf32>
      %sub3A_61 = arith.subf %mul3A_60, %get3A_32 : vector<16xf32>
      %sub3A_62 = arith.subf %mul3A_60, %sub3A_61 : vector<16xf32>
      %swap3A_63 = arith.index_cast %mul3A_24 : i32 to index
      %swap3A_64 = tpu.vector_load %arg17[%swap3A_63] {strides = array<i32>} : memref<10112xf32, #tpu.memory_space<vmem>>, vector<16xf32>,
      %swap3A_65 = vector.shape_cast %swap3A_64 : vector<16xf32> to vector<16xf32>
      %swap3A_66 = vector.shape_cast %sub3A_62 : vector<16xf32> to vector<16xf32>
      tpu.vector_store %arg17[%swap3A_63], %swap3A_66 {strides = array<i32>} : memref<10112xf32, #tpu.memory_space<vmem>>, vector<16xf32>,
      %scan3A_67 = arith.constant 0 : i32
      scf.yield %scan3A_67 : i32
    }
    %scan3A_11 = arith.constant 632 : i32
    %scan3A_12 = arith.constant 0 : i32
    %scan3A_13 = arith.constant 0 : i32
    %scan3A_14 = arith.constant 20 : i32
    %scan3A_15 = arith.addi %scan3A_13, %scan3A_14 : i32
    %scan3A_16 = arith.constant 1 : i32
    %scan3A_17 = scf.for %scan3A_21 = %scan3A_13 to %scan3A_15 step %scan3A_16 iter_args(%scan3A_22 = %scan3A_12) -> (i32)  : i32 {
      %mul3A_23 = arith.constant 16 : i32
      %mul3A_24 = arith.muli %scan3A_21, %mul3A_23 : i32
      %get3A = arith.index_cast %mul3A_24 : i32 to index
      %get3A_25 = tpu.vector_load %arg19[%get3A] {strides = array<i32>} : memref<320xf32, #tpu.memory_space<vmem>>, vector<16xf32>,
      %get3A_26 = vector.shape_cast %get3A_25 : vector<16xf32> to vector<16xf32>
      %mul3A_27 = arith.constant 16 : i32
      %mul3A_28 = arith.muli %scan3A_21, %mul3A_27 : i32
      %get3A_29 = arith.index_cast %mul3A_28 : i32 to index
      %get3A_30 = tpu.vector_load %arg20[%get3A_29] {strides = array<i32>} : memref<320xf32, #tpu.memory_space<vmem>>, vector<16xf32>,
      %get3A_31 = vector.shape_cast %get3A_30 : vector<16xf32> to vector<16xf32>
      %mul3A_32 = arith.constant 16 : i32
      %mul3A_33 = arith.muli %scan3A_21, %mul3A_32 : i32
      %get3A_34 = arith.index_cast %mul3A_33 : i32 to index
      %get3A_35 = tpu.vector_load %arg21[%get3A_34] {strides = array<i32>} : memref<320xf32, #tpu.memory_space<vmem>>, vector<16xf32>,
      %get3A_36 = vector.shape_cast %get3A_35 : vector<16xf32> to vector<16xf32>
      %scan3A_37 = arith.constant 0 : i32
      %scan3A_38 = arith.constant 0 : i32
      %scan3A_39 = arith.constant 16 : i32
      %scan3A_40 = arith.addi %scan3A_38, %scan3A_39 : i32
      %scan3A_41 = arith.constant 1 : i32
      %scan3A_42 = scf.for %scan3A_45 = %scan3A_38 to %scan3A_40 step %scan3A_41 iter_args(%scan3A_46 = %scan3A_37) -> (i32)  : i32 {
        %broadcast_in_dim3A_47 = vector.broadcast %scan3A_45 : i32 to vector<16xi32>
        %broadcast_in_dim3A_48 = vector.shape_cast %broadcast_in_dim3A_47 : vector<16xi32> to vector<16x1xi32>
        %gather3A = vector.shape_cast %broadcast_in_dim3A_48 : vector<16x1xi32> to vector<16xi32>
        %gather3A_49 = tpu.dynamic_gather %get3A_26[%gather3A] in [0] : vector<16xf32>, vector<16xi32> -> vector<16xf32>
        %broadcast_in_dim3A_50 = vector.shape_cast %broadcast_in_dim3A_47 : vector<16xi32> to vector<16x1xi32>
        %gather3A_51 = vector.shape_cast %broadcast_in_dim3A_50 : vector<16x1xi32> to vector<16xi32>
        %gather3A_52 = tpu.dynamic_gather %get3A_31[%gather3A_51] in [0] : vector<16xf32>, vector<16xi32> -> vector<16xf32>
        %broadcast_in_dim3A_53 = vector.shape_cast %broadcast_in_dim3A_47 : vector<16xi32> to vector<16x1xi32>
        %gather3A_54 = vector.shape_cast %broadcast_in_dim3A_53 : vector<16x1xi32> to vector<16xi32>
        %gather3A_55 = tpu.dynamic_gather %get3A_36[%gather3A_54] in [0] : vector<16xf32>, vector<16xi32> -> vector<16xf32>
        %mul3A_56 = arith.mulf %gather3A_49, %gather3A_49 : vector<16xf32>
        %mul3A_57 = arith.mulf %gather3A_52, %gather3A_52 : vector<16xf32>
        %add3A_58 = arith.addf %mul3A_56, %mul3A_57 : vector<16xf32>
        %mul3A_59 = arith.mulf %gather3A_55, %gather3A_55 : vector<16xf32>
        %add3A_60 = arith.addf %add3A_58, %mul3A_59 : vector<16xf32>
        %mul3A_61 = arith.constant 6.553700e+04 : f32
        %mul3A_62 = vector.broadcast %mul3A_61 : f32 to vector<16xf32>
        %mul3A_63 = arith.mulf %gather3A_49, %mul3A_62 : vector<16xf32>
        %sub3A = arith.subf %mul3A_63, %gather3A_49 : vector<16xf32>
        %sub3A_64 = arith.subf %mul3A_63, %sub3A : vector<16xf32>
        %mul3A_65 = arith.constant 6.553700e+04 : f32
        %mul3A_66 = vector.broadcast %mul3A_65 : f32 to vector<16xf32>
        %mul3A_67 = arith.mulf %gather3A_52, %mul3A_66 : vector<16xf32>
        %sub3A_68 = arith.subf %mul3A_67, %gather3A_52 : vector<16xf32>
        %sub3A_69 = arith.subf %mul3A_67, %sub3A_68 : vector<16xf32>
        %mul3A_70 = arith.constant 6.553700e+04 : f32
        %mul3A_71 = vector.broadcast %mul3A_70 : f32 to vector<16xf32>
        %mul3A_72 = arith.mulf %gather3A_55, %mul3A_71 : vector<16xf32>
        %sub3A_73 = arith.subf %mul3A_72, %gather3A_55 : vector<16xf32>
        %sub3A_74 = arith.subf %mul3A_72, %sub3A_73 : vector<16xf32>
        %swap3A = arith.constant 0 : index
        %swap3A_75 = tpu.vector_load %arg26[%swap3A] {strides = array<i32>} : memref<16xf32, #tpu.memory_space<vmem>>, vector<16xf32>,
        %swap3A_76 = vector.shape_cast %swap3A_75 : vector<16xf32> to vector<16xf32>
        %swap3A_77 = vector.shape_cast %broadcast_in_dim3A_3 : vector<16xf32> to vector<16xf32>
        tpu.vector_store %arg26[%swap3A], %swap3A_77 {strides = array<i32>} : memref<16xf32, #tpu.memory_space<vmem>>, vector<16xf32>,
        %broadcast_in_dim3A_78 = arith.constant 10000 : i32
        %broadcast_in_dim3A_79 = vector.broadcast %broadcast_in_dim3A_78 : i32 to vector<16xi32>
        %swap3A_80 = arith.constant 0 : index
        %swap3A_81 = tpu.vector_load %arg27[%swap3A_80] {strides = array<i32>} : memref<16xi32, #tpu.memory_space<vmem>>, vector<16xi32>,
        %swap3A_82 = vector.shape_cast %swap3A_81 : vector<16xi32> to vector<16xi32>
        %swap3A_83 = vector.shape_cast %broadcast_in_dim3A_79 : vector<16xi32> to vector<16xi32>
        tpu.vector_store %arg27[%swap3A_80], %swap3A_83 {strides = array<i32>} : memref<16xi32, #tpu.memory_space<vmem>>, vector<16xi32>,
        %swap3A_84 = arith.constant 6.250000e-02 : f32
        %swap3A_85 = arith.constant 0 : i32
        %swap3A_86 = arith.index_cast %swap3A_85 : i32 to index
        %swap3A_87 = memref.load %arg28[%swap3A_86] : memref<1xf32, #tpu.memory_space<smem>>
        memref.store %swap3A_84, %arg28[%swap3A_86] : memref<1xf32, #tpu.memory_space<smem>>
        %scan3A_88 = arith.constant 1 : i32
        %scan3A_89 = arith.constant 0 : i32
        %scan3A_90 = arith.constant 0 : i32
        %scan3A_91 = arith.constant 0 : i32
        %scan3A_92 = arith.constant 79 : i32
        %scan3A_93 = arith.addi %scan3A_91, %scan3A_92 : i32
        %scan3A_94 = arith.constant 1 : i32
        %scan3A_95 = scf.for %scan3A_167 = %scan3A_91 to %scan3A_93 step %scan3A_94 iter_args(%scan3A_168 = %scan3A_90) -> (i32)  : i32 {
          %mul3A_169 = arith.constant 128 : i32
          %mul3A_170 = arith.muli %scan3A_167, %mul3A_169 : i32
          %add3A_171 = arith.constant 0 : i32
          %add3A_172 = arith.addi %mul3A_170, %add3A_171 : i32
          %get3A_173 = arith.index_cast %add3A_172 : i32 to index
          %get3A_174 = tpu.vector_load %arg15[%get3A_173] {strides = array<i32>} : memref<10112xf32, #tpu.memory_space<vmem>>, vector<16xf32>,
          %get3A_175 = vector.shape_cast %get3A_174 : vector<16xf32> to vector<16xf32>
          %mul3A_176 = arith.mulf %sub3A_64, %get3A_175 : vector<16xf32>
          %get3A_177 = arith.index_cast %add3A_172 : i32 to index
          %get3A_178 = tpu.vector_load %arg16[%get3A_177] {strides = array<i32>} : memref<10112xf32, #tpu.memory_space<vmem>>, vector<16xf32>,
          %get3A_179 = vector.shape_cast %get3A_178 : vector<16xf32> to vector<16xf32>
          %mul3A_180 = arith.mulf %sub3A_69, %get3A_179 : vector<16xf32>
          %add3A_181 = arith.addf %mul3A_176, %mul3A_180 : vector<16xf32>
          %get3A_182 = arith.index_cast %add3A_172 : i32 to index
          %get3A_183 = tpu.vector_load %arg17[%get3A_182] {strides = array<i32>} : memref<10112xf32, #tpu.memory_space<vmem>>, vector<16xf32>,
          %get3A_184 = vector.shape_cast %get3A_183 : vector<16xf32> to vector<16xf32>
          %mul3A_185 = arith.mulf %sub3A_74, %get3A_184 : vector<16xf32>
          %add3A_186 = arith.addf %add3A_181, %mul3A_185 : vector<16xf32>
          %get3A_187 = arith.index_cast %add3A_172 : i32 to index
          %get3A_188 = tpu.vector_load %arg18[%get3A_187] {strides = array<i32>} : memref<10112xf32, #tpu.memory_space<vmem>>, vector<16xf32>,
          %get3A_189 = vector.shape_cast %get3A_188 : vector<16xf32> to vector<16xf32>
          %add3A_190 = arith.addf %add3A_60, %get3A_189 : vector<16xf32>
          %mul3A_191 = arith.constant 2.000000e+00 : f32
          %mul3A_192 = vector.broadcast %mul3A_191 : f32 to vector<16xf32>
          %mul3A_193 = arith.mulf %mul3A_192, %add3A_186 : vector<16xf32>
          %sub3A_194 = arith.subf %add3A_190, %mul3A_193 : vector<16xf32>
          %max3A = arith.constant 0.000000e+00 : f32
          %max3A_195 = vector.broadcast %max3A : f32 to vector<16xf32>
          %max3A_196 = arith.maximumf %sub3A_194, %max3A_195 : vector<16xf32>
          %add3A_197 = arith.constant 16 : i32
          %add3A_198 = arith.addi %mul3A_170, %add3A_197 : i32
          %get3A_199 = arith.index_cast %add3A_198 : i32 to index
          %get3A_200 = tpu.vector_load %arg15[%get3A_199] {strides = array<i32>} : memref<10112xf32, #tpu.memory_space<vmem>>, vector<16xf32>,
          %get3A_201 = vector.shape_cast %get3A_200 : vector<16xf32> to vector<16xf32>
          %mul3A_202 = arith.mulf %sub3A_64, %get3A_201 : vector<16xf32>
          %get3A_203 = arith.index_cast %add3A_198 : i32 to index
          %get3A_204 = tpu.vector_load %arg16[%get3A_203] {strides = array<i32>} : memref<10112xf32, #tpu.memory_space<vmem>>, vector<16xf32>,
          %get3A_205 = vector.shape_cast %get3A_204 : vector<16xf32> to vector<16xf32>
          %mul3A_206 = arith.mulf %sub3A_69, %get3A_205 : vector<16xf32>
          %add3A_207 = arith.addf %mul3A_202, %mul3A_206 : vector<16xf32>
          %get3A_208 = arith.index_cast %add3A_198 : i32 to index
          %get3A_209 = tpu.vector_load %arg17[%get3A_208] {strides = array<i32>} : memref<10112xf32, #tpu.memory_space<vmem>>, vector<16xf32>,
          %get3A_210 = vector.shape_cast %get3A_209 : vector<16xf32> to vector<16xf32>
          %mul3A_211 = arith.mulf %sub3A_74, %get3A_210 : vector<16xf32>
          %add3A_212 = arith.addf %add3A_207, %mul3A_211 : vector<16xf32>
          %get3A_213 = arith.index_cast %add3A_198 : i32 to index
          %get3A_214 = tpu.vector_load %arg18[%get3A_213] {strides = array<i32>} : memref<10112xf32, #tpu.memory_space<vmem>>, vector<16xf32>,
          %get3A_215 = vector.shape_cast %get3A_214 : vector<16xf32> to vector<16xf32>
          %add3A_216 = arith.addf %add3A_60, %get3A_215 : vector<16xf32>
          %mul3A_217 = arith.constant 2.000000e+00 : f32
          %mul3A_218 = vector.broadcast %mul3A_217 : f32 to vector<16xf32>
          %mul3A_219 = arith.mulf %mul3A_218, %add3A_212 : vector<16xf32>
          %sub3A_220 = arith.subf %add3A_216, %mul3A_219 : vector<16xf32>
          %max3A_221 = arith.constant 0.000000e+00 : f32
          %max3A_222 = vector.broadcast %max3A_221 : f32 to vector<16xf32>
          %max3A_223 = arith.maximumf %sub3A_220, %max3A_222 : vector<16xf32>
          %add3A_224 = arith.constant 32 : i32
          %add3A_225 = arith.addi %mul3A_170, %add3A_224 : i32
          %get3A_226 = arith.index_cast %add3A_225 : i32 to index
          %get3A_227 = tpu.vector_load %arg15[%get3A_226] {strides = array<i32>} : memref<10112xf32, #tpu.memory_space<vmem>>, vector<16xf32>,
          %get3A_228 = vector.shape_cast %get3A_227 : vector<16xf32> to vector<16xf32>
          %mul3A_229 = arith.mulf %sub3A_64, %get3A_228 : vector<16xf32>
          %get3A_230 = arith.index_cast %add3A_225 : i32 to index
          %get3A_231 = tpu.vector_load %arg16[%get3A_230] {strides = array<i32>} : memref<10112xf32, #tpu.memory_space<vmem>>, vector<16xf32>,
          %get3A_232 = vector.shape_cast %get3A_231 : vector<16xf32> to vector<16xf32>
          %mul3A_233 = arith.mulf %sub3A_69, %get3A_232 : vector<16xf32>
          %add3A_234 = arith.addf %mul3A_229, %mul3A_233 : vector<16xf32>
          %get3A_235 = arith.index_cast %add3A_225 : i32 to index
          %get3A_236 = tpu.vector_load %arg17[%get3A_235] {strides = array<i32>} : memref<10112xf32, #tpu.memory_space<vmem>>, vector<16xf32>,
          %get3A_237 = vector.shape_cast %get3A_236 : vector<16xf32> to vector<16xf32>
          %mul3A_238 = arith.mulf %sub3A_74, %get3A_237 : vector<16xf32>
          %add3A_239 = arith.addf %add3A_234, %mul3A_238 : vector<16xf32>
          %get3A_240 = arith.index_cast %add3A_225 : i32 to index
          %get3A_241 = tpu.vector_load %arg18[%get3A_240] {strides = array<i32>} : memref<10112xf32, #tpu.memory_space<vmem>>, vector<16xf32>,
          %get3A_242 = vector.shape_cast %get3A_241 : vector<16xf32> to vector<16xf32>
          %add3A_243 = arith.addf %add3A_60, %get3A_242 : vector<16xf32>
          %mul3A_244 = arith.constant 2.000000e+00 : f32
          %mul3A_245 = vector.broadcast %mul3A_244 : f32 to vector<16xf32>
          %mul3A_246 = arith.mulf %mul3A_245, %add3A_239 : vector<16xf32>
          %sub3A_247 = arith.subf %add3A_243, %mul3A_246 : vector<16xf32>
          %max3A_248 = arith.constant 0.000000e+00 : f32
          %max3A_249 = vector.broadcast %max3A_248 : f32 to vector<16xf32>
          %max3A_250 = arith.maximumf %sub3A_247, %max3A_249 : vector<16xf32>
          %add3A_251 = arith.constant 48 : i32
          %add3A_252 = arith.addi %mul3A_170, %add3A_251 : i32
          %get3A_253 = arith.index_cast %add3A_252 : i32 to index
          %get3A_254 = tpu.vector_load %arg15[%get3A_253] {strides = array<i32>} : memref<10112xf32, #tpu.memory_space<vmem>>, vector<16xf32>,
          %get3A_255 = vector.shape_cast %get3A_254 : vector<16xf32> to vector<16xf32>
          %mul3A_256 = arith.mulf %sub3A_64, %get3A_255 : vector<16xf32>
          %get3A_257 = arith.index_cast %add3A_252 : i32 to index
          %get3A_258 = tpu.vector_load %arg16[%get3A_257] {strides = array<i32>} : memref<10112xf32, #tpu.memory_space<vmem>>, vector<16xf32>,
          %get3A_259 = vector.shape_cast %get3A_258 : vector<16xf32> to vector<16xf32>
          %mul3A_260 = arith.mulf %sub3A_69, %get3A_259 : vector<16xf32>
          %add3A_261 = arith.addf %mul3A_256, %mul3A_260 : vector<16xf32>
          %get3A_262 = arith.index_cast %add3A_252 : i32 to index
          %get3A_263 = tpu.vector_load %arg17[%get3A_262] {strides = array<i32>} : memref<10112xf32, #tpu.memory_space<vmem>>, vector<16xf32>,
          %get3A_264 = vector.shape_cast %get3A_263 : vector<16xf32> to vector<16xf32>
          %mul3A_265 = arith.mulf %sub3A_74, %get3A_264 : vector<16xf32>
          %add3A_266 = arith.addf %add3A_261, %mul3A_265 : vector<16xf32>
          %get3A_267 = arith.index_cast %add3A_252 : i32 to index
          %get3A_268 = tpu.vector_load %arg18[%get3A_267] {strides = array<i32>} : memref<10112xf32, #tpu.memory_space<vmem>>, vector<16xf32>,
          %get3A_269 = vector.shape_cast %get3A_268 : vector<16xf32> to vector<16xf32>
          %add3A_270 = arith.addf %add3A_60, %get3A_269 : vector<16xf32>
          %mul3A_271 = arith.constant 2.000000e+00 : f32
          %mul3A_272 = vector.broadcast %mul3A_271 : f32 to vector<16xf32>
          %mul3A_273 = arith.mulf %mul3A_272, %add3A_266 : vector<16xf32>
          %sub3A_274 = arith.subf %add3A_270, %mul3A_273 : vector<16xf32>
          %max3A_275 = arith.constant 0.000000e+00 : f32
          %max3A_276 = vector.broadcast %max3A_275 : f32 to vector<16xf32>
          %max3A_277 = arith.maximumf %sub3A_274, %max3A_276 : vector<16xf32>
          %add3A_278 = arith.constant 64 : i32
          %add3A_279 = arith.addi %mul3A_170, %add3A_278 : i32
          %get3A_280 = arith.index_cast %add3A_279 : i32 to index
          %get3A_281 = tpu.vector_load %arg15[%get3A_280] {strides = array<i32>} : memref<10112xf32, #tpu.memory_space<vmem>>, vector<16xf32>,
          %get3A_282 = vector.shape_cast %get3A_281 : vector<16xf32> to vector<16xf32>
          %mul3A_283 = arith.mulf %sub3A_64, %get3A_282 : vector<16xf32>
          %get3A_284 = arith.index_cast %add3A_279 : i32 to index
          %get3A_285 = tpu.vector_load %arg16[%get3A_284] {strides = array<i32>} : memref<10112xf32, #tpu.memory_space<vmem>>, vector<16xf32>,
          %get3A_286 = vector.shape_cast %get3A_285 : vector<16xf32> to vector<16xf32>
          %mul3A_287 = arith.mulf %sub3A_69, %get3A_286 : vector<16xf32>
          %add3A_288 = arith.addf %mul3A_283, %mul3A_287 : vector<16xf32>
          %get3A_289 = arith.index_cast %add3A_279 : i32 to index
          %get3A_290 = tpu.vector_load %arg17[%get3A_289] {strides = array<i32>} : memref<10112xf32, #tpu.memory_space<vmem>>, vector<16xf32>,
          %get3A_291 = vector.shape_cast %get3A_290 : vector<16xf32> to vector<16xf32>
          %mul3A_292 = arith.mulf %sub3A_74, %get3A_291 : vector<16xf32>
          %add3A_293 = arith.addf %add3A_288, %mul3A_292 : vector<16xf32>
          %get3A_294 = arith.index_cast %add3A_279 : i32 to index
          %get3A_295 = tpu.vector_load %arg18[%get3A_294] {strides = array<i32>} : memref<10112xf32, #tpu.memory_space<vmem>>, vector<16xf32>,
          %get3A_296 = vector.shape_cast %get3A_295 : vector<16xf32> to vector<16xf32>
          %add3A_297 = arith.addf %add3A_60, %get3A_296 : vector<16xf32>
          %mul3A_298 = arith.constant 2.000000e+00 : f32
          %mul3A_299 = vector.broadcast %mul3A_298 : f32 to vector<16xf32>
          %mul3A_300 = arith.mulf %mul3A_299, %add3A_293 : vector<16xf32>
          %sub3A_301 = arith.subf %add3A_297, %mul3A_300 : vector<16xf32>
          %max3A_302 = arith.constant 0.000000e+00 : f32
          %max3A_303 = vector.broadcast %max3A_302 : f32 to vector<16xf32>
          %max3A_304 = arith.maximumf %sub3A_301, %max3A_303 : vector<16xf32>
          %add3A_305 = arith.constant 80 : i32
          %add3A_306 = arith.addi %mul3A_170, %add3A_305 : i32
          %get3A_307 = arith.index_cast %add3A_306 : i32 to index
          %get3A_308 = tpu.vector_load %arg15[%get3A_307] {strides = array<i32>} : memref<10112xf32, #tpu.memory_space<vmem>>, vector<16xf32>,
          %get3A_309 = vector.shape_cast %get3A_308 : vector<16xf32> to vector<16xf32>
          %mul3A_310 = arith.mulf %sub3A_64, %get3A_309 : vector<16xf32>
          %get3A_311 = arith.index_cast %add3A_306 : i32 to index
          %get3A_312 = tpu.vector_load %arg16[%get3A_311] {strides = array<i32>} : memref<10112xf32, #tpu.memory_space<vmem>>, vector<16xf32>,
          %get3A_313 = vector.shape_cast %get3A_312 : vector<16xf32> to vector<16xf32>
          %mul3A_314 = arith.mulf %sub3A_69, %get3A_313 : vector<16xf32>
          %add3A_315 = arith.addf %mul3A_310, %mul3A_314 : vector<16xf32>
          %get3A_316 = arith.index_cast %add3A_306 : i32 to index
          %get3A_317 = tpu.vector_load %arg17[%get3A_316] {strides = array<i32>} : memref<10112xf32, #tpu.memory_space<vmem>>, vector<16xf32>,
          %get3A_318 = vector.shape_cast %get3A_317 : vector<16xf32> to vector<16xf32>
          %mul3A_319 = arith.mulf %sub3A_74, %get3A_318 : vector<16xf32>
          %add3A_320 = arith.addf %add3A_315, %mul3A_319 : vector<16xf32>
          %get3A_321 = arith.index_cast %add3A_306 : i32 to index
          %get3A_322 = tpu.vector_load %arg18[%get3A_321] {strides = array<i32>} : memref<10112xf32, #tpu.memory_space<vmem>>, vector<16xf32>,
          %get3A_323 = vector.shape_cast %get3A_322 : vector<16xf32> to vector<16xf32>
          %add3A_324 = arith.addf %add3A_60, %get3A_323 : vector<16xf32>
          %mul3A_325 = arith.constant 2.000000e+00 : f32
          %mul3A_326 = vector.broadcast %mul3A_325 : f32 to vector<16xf32>
          %mul3A_327 = arith.mulf %mul3A_326, %add3A_320 : vector<16xf32>
          %sub3A_328 = arith.subf %add3A_324, %mul3A_327 : vector<16xf32>
          %max3A_329 = arith.constant 0.000000e+00 : f32
          %max3A_330 = vector.broadcast %max3A_329 : f32 to vector<16xf32>
          %max3A_331 = arith.maximumf %sub3A_328, %max3A_330 : vector<16xf32>
          %add3A_332 = arith.constant 96 : i32
          %add3A_333 = arith.addi %mul3A_170, %add3A_332 : i32
          %get3A_334 = arith.index_cast %add3A_333 : i32 to index
          %get3A_335 = tpu.vector_load %arg15[%get3A_334] {strides = array<i32>} : memref<10112xf32, #tpu.memory_space<vmem>>, vector<16xf32>,
          %get3A_336 = vector.shape_cast %get3A_335 : vector<16xf32> to vector<16xf32>
          %mul3A_337 = arith.mulf %sub3A_64, %get3A_336 : vector<16xf32>
          %get3A_338 = arith.index_cast %add3A_333 : i32 to index
          %get3A_339 = tpu.vector_load %arg16[%get3A_338] {strides = array<i32>} : memref<10112xf32, #tpu.memory_space<vmem>>, vector<16xf32>,
          %get3A_340 = vector.shape_cast %get3A_339 : vector<16xf32> to vector<16xf32>
          %mul3A_341 = arith.mulf %sub3A_69, %get3A_340 : vector<16xf32>
          %add3A_342 = arith.addf %mul3A_337, %mul3A_341 : vector<16xf32>
          %get3A_343 = arith.index_cast %add3A_333 : i32 to index
          %get3A_344 = tpu.vector_load %arg17[%get3A_343] {strides = array<i32>} : memref<10112xf32, #tpu.memory_space<vmem>>, vector<16xf32>,
          %get3A_345 = vector.shape_cast %get3A_344 : vector<16xf32> to vector<16xf32>
          %mul3A_346 = arith.mulf %sub3A_74, %get3A_345 : vector<16xf32>
          %add3A_347 = arith.addf %add3A_342, %mul3A_346 : vector<16xf32>
          %get3A_348 = arith.index_cast %add3A_333 : i32 to index
          %get3A_349 = tpu.vector_load %arg18[%get3A_348] {strides = array<i32>} : memref<10112xf32, #tpu.memory_space<vmem>>, vector<16xf32>,
          %get3A_350 = vector.shape_cast %get3A_349 : vector<16xf32> to vector<16xf32>
          %add3A_351 = arith.addf %add3A_60, %get3A_350 : vector<16xf32>
          %mul3A_352 = arith.constant 2.000000e+00 : f32
          %mul3A_353 = vector.broadcast %mul3A_352 : f32 to vector<16xf32>
          %mul3A_354 = arith.mulf %mul3A_353, %add3A_347 : vector<16xf32>
          %sub3A_355 = arith.subf %add3A_351, %mul3A_354 : vector<16xf32>
          %max3A_356 = arith.constant 0.000000e+00 : f32
          %max3A_357 = vector.broadcast %max3A_356 : f32 to vector<16xf32>
          %max3A_358 = arith.maximumf %sub3A_355, %max3A_357 : vector<16xf32>
          %add3A_359 = arith.constant 112 : i32
          %add3A_360 = arith.addi %mul3A_170, %add3A_359 : i32
          %get3A_361 = arith.index_cast %add3A_360 : i32 to index
          %get3A_362 = tpu.vector_load %arg15[%get3A_361] {strides = array<i32>} : memref<10112xf32, #tpu.memory_space<vmem>>, vector<16xf32>,
          %get3A_363 = vector.shape_cast %get3A_362 : vector<16xf32> to vector<16xf32>
          %mul3A_364 = arith.mulf %sub3A_64, %get3A_363 : vector<16xf32>
          %get3A_365 = arith.index_cast %add3A_360 : i32 to index
          %get3A_366 = tpu.vector_load %arg16[%get3A_365] {strides = array<i32>} : memref<10112xf32, #tpu.memory_space<vmem>>, vector<16xf32>,
          %get3A_367 = vector.shape_cast %get3A_366 : vector<16xf32> to vector<16xf32>
          %mul3A_368 = arith.mulf %sub3A_69, %get3A_367 : vector<16xf32>
          %add3A_369 = arith.addf %mul3A_364, %mul3A_368 : vector<16xf32>
          %get3A_370 = arith.index_cast %add3A_360 : i32 to index
          %get3A_371 = tpu.vector_load %arg17[%get3A_370] {strides = array<i32>} : memref<10112xf32, #tpu.memory_space<vmem>>, vector<16xf32>,
          %get3A_372 = vector.shape_cast %get3A_371 : vector<16xf32> to vector<16xf32>
          %mul3A_373 = arith.mulf %sub3A_74, %get3A_372 : vector<16xf32>
          %add3A_374 = arith.addf %add3A_369, %mul3A_373 : vector<16xf32>
          %get3A_375 = arith.index_cast %add3A_360 : i32 to index
          %get3A_376 = tpu.vector_load %arg18[%get3A_375] {strides = array<i32>} : memref<10112xf32, #tpu.memory_space<vmem>>, vector<16xf32>,
          %get3A_377 = vector.shape_cast %get3A_376 : vector<16xf32> to vector<16xf32>
          %add3A_378 = arith.addf %add3A_60, %get3A_377 : vector<16xf32>
          %mul3A_379 = arith.constant 2.000000e+00 : f32
          %mul3A_380 = vector.broadcast %mul3A_379 : f32 to vector<16xf32>
          %mul3A_381 = arith.mulf %mul3A_380, %add3A_374 : vector<16xf32>
          %sub3A_382 = arith.subf %add3A_378, %mul3A_381 : vector<16xf32>
          %max3A_383 = arith.constant 0.000000e+00 : f32
          %max3A_384 = vector.broadcast %max3A_383 : f32 to vector<16xf32>
          %max3A_385 = arith.maximumf %sub3A_382, %max3A_384 : vector<16xf32>
          %min3A = arith.minimumf %max3A_196, %max3A_223 : vector<16xf32>
          %min3A_386 = arith.minimumf %min3A, %max3A_250 : vector<16xf32>
          %min3A_387 = arith.minimumf %min3A_386, %max3A_277 : vector<16xf32>
          %min3A_388 = arith.minimumf %min3A_387, %max3A_304 : vector<16xf32>
          %min3A_389 = arith.minimumf %min3A_388, %max3A_331 : vector<16xf32>
          %min3A_390 = arith.minimumf %min3A_389, %max3A_358 : vector<16xf32>
          %min3A_391 = arith.minimumf %min3A_390, %max3A_385 : vector<16xf32>
          %xor3A = arith.constant 8 : i32
          %xor3A_392 = vector.broadcast %xor3A : i32 to vector<16xi32>
          %xor3A_393 = arith.xori %iota3A, %xor3A_392 : vector<16xi32>
          %broadcast_in_dim3A_394 = vector.shape_cast %xor3A_393 : vector<16xi32> to vector<16x1xi32>
          %gather3A_395 = vector.shape_cast %broadcast_in_dim3A_394 : vector<16x1xi32> to vector<16xi32>
          %gather3A_396 = tpu.dynamic_gather %min3A_391[%gather3A_395] in [0] : vector<16xf32>, vector<16xi32> -> vector<16xf32>
          %min3A_397 = arith.minimumf %min3A_391, %gather3A_396 : vector<16xf32>
          %xor3A_398 = arith.constant 4 : i32
          %xor3A_399 = vector.broadcast %xor3A_398 : i32 to vector<16xi32>
          %xor3A_400 = arith.xori %iota3A, %xor3A_399 : vector<16xi32>
          %broadcast_in_dim3A_401 = vector.shape_cast %xor3A_400 : vector<16xi32> to vector<16x1xi32>
          %gather3A_402 = vector.shape_cast %broadcast_in_dim3A_401 : vector<16x1xi32> to vector<16xi32>
          %gather3A_403 = tpu.dynamic_gather %min3A_397[%gather3A_402] in [0] : vector<16xf32>, vector<16xi32> -> vector<16xf32>
          %min3A_404 = arith.minimumf %min3A_397, %gather3A_403 : vector<16xf32>
          %xor3A_405 = arith.constant 2 : i32
          %xor3A_406 = vector.broadcast %xor3A_405 : i32 to vector<16xi32>
          %xor3A_407 = arith.xori %iota3A, %xor3A_406 : vector<16xi32>
          %broadcast_in_dim3A_408 = vector.shape_cast %xor3A_407 : vector<16xi32> to vector<16x1xi32>
          %gather3A_409 = vector.shape_cast %broadcast_in_dim3A_408 : vector<16x1xi32> to vector<16xi32>
          %gather3A_410 = tpu.dynamic_gather %min3A_404[%gather3A_409] in [0] : vector<16xf32>, vector<16xi32> -> vector<16xf32>
          %min3A_411 = arith.minimumf %min3A_404, %gather3A_410 : vector<16xf32>
          %xor3A_412 = arith.constant 1 : i32
          %xor3A_413 = vector.broadcast %xor3A_412 : i32 to vector<16xi32>
          %xor3A_414 = arith.xori %iota3A, %xor3A_413 : vector<16xi32>
          %broadcast_in_dim3A_415 = vector.shape_cast %xor3A_414 : vector<16xi32> to vector<16x1xi32>
          %gather3A_416 = vector.shape_cast %broadcast_in_dim3A_415 : vector<16x1xi32> to vector<16xi32>
          %gather3A_417 = tpu.dynamic_gather %min3A_411[%gather3A_416] in [0] : vector<16xf32>, vector<16xi32> -> vector<16xf32>
          %min3A_418 = arith.minimumf %min3A_411, %gather3A_417 : vector<16xf32>
          %slice3A = vector.extract_strided_slice %min3A_418 {offsets = [0], sizes = [1], strides = [1]} : vector<16xf32> to vector<1xf32>
          %squeeze3A = vector.extract %slice3A[0] : f32 from vector<1xf32>
          %get3A_419 = arith.constant 0 : i32
          %get3A_420 = arith.index_cast %get3A_419 : i32 to index
          %get3A_421 = memref.load %arg28[%get3A_420] : memref<1xf32, #tpu.memory_space<smem>>
          %le3A_422 = arith.cmpf ole, %squeeze3A, %get3A_421 : f32
          %convert_element_type3A_423 = arith.extui %le3A_422 : i1 to i32
          %cond3A = arith.constant 0 : i32
          %cond3A_424 = arith.cmpi ne, %convert_element_type3A_423, %cond3A : i32
          scf.if %cond3A_424 {
            %xor3A_426 = arith.constant 8 : i32
            %xor3A_427 = vector.broadcast %xor3A_426 : i32 to vector<16xi32>
            %xor3A_428 = arith.xori %iota3A, %xor3A_427 : vector<16xi32>
            %broadcast_in_dim3A_429 = vector.shape_cast %xor3A_428 : vector<16xi32> to vector<16x1xi32>
            %gather3A_430 = vector.shape_cast %broadcast_in_dim3A_429 : vector<16x1xi32> to vector<16xi32>
            %gather3A_431 = tpu.dynamic_gather %max3A_196[%gather3A_430] in [0] : vector<16xf32>, vector<16xi32> -> vector<16xf32>
            %min3A_432 = arith.minimumf %max3A_196, %gather3A_431 : vector<16xf32>
            %xor3A_433 = arith.constant 4 : i32
            %xor3A_434 = vector.broadcast %xor3A_433 : i32 to vector<16xi32>
            %xor3A_435 = arith.xori %iota3A, %xor3A_434 : vector<16xi32>
            %broadcast_in_dim3A_436 = vector.shape_cast %xor3A_435 : vector<16xi32> to vector<16x1xi32>
            %gather3A_437 = vector.shape_cast %broadcast_in_dim3A_436 : vector<16x1xi32> to vector<16xi32>
            %gather3A_438 = tpu.dynamic_gather %min3A_432[%gather3A_437] in [0] : vector<16xf32>, vector<16xi32> -> vector<16xf32>
            %min3A_439 = arith.minimumf %min3A_432, %gather3A_438 : vector<16xf32>
            %xor3A_440 = arith.constant 2 : i32
            %xor3A_441 = vector.broadcast %xor3A_440 : i32 to vector<16xi32>
            %xor3A_442 = arith.xori %iota3A, %xor3A_441 : vector<16xi32>
            %broadcast_in_dim3A_443 = vector.shape_cast %xor3A_442 : vector<16xi32> to vector<16x1xi32>
            %gather3A_444 = vector.shape_cast %broadcast_in_dim3A_443 : vector<16x1xi32> to vector<16xi32>
            %gather3A_445 = tpu.dynamic_gather %min3A_439[%gather3A_444] in [0] : vector<16xf32>, vector<16xi32> -> vector<16xf32>
            %min3A_446 = arith.minimumf %min3A_439, %gather3A_445 : vector<16xf32>
            %xor3A_447 = arith.constant 1 : i32
            %xor3A_448 = vector.broadcast %xor3A_447 : i32 to vector<16xi32>
            %xor3A_449 = arith.xori %iota3A, %xor3A_448 : vector<16xi32>
            %broadcast_in_dim3A_450 = vector.shape_cast %xor3A_449 : vector<16xi32> to vector<16x1xi32>
            %gather3A_451 = vector.shape_cast %broadcast_in_dim3A_450 : vector<16x1xi32> to vector<16xi32>
            %gather3A_452 = tpu.dynamic_gather %min3A_446[%gather3A_451] in [0] : vector<16xf32>, vector<16xi32> -> vector<16xf32>
            %min3A_453 = arith.minimumf %min3A_446, %gather3A_452 : vector<16xf32>
            %slice3A_454 = vector.extract_strided_slice %min3A_453 {offsets = [0], sizes = [1], strides = [1]} : vector<16xf32> to vector<1xf32>
            %squeeze3A_455 = vector.extract %slice3A_454[0] : f32 from vector<1xf32>
            %get3A_456 = arith.constant 0 : i32
            %get3A_457 = arith.index_cast %get3A_456 : i32 to index
            %get3A_458 = memref.load %arg28[%get3A_457] : memref<1xf32, #tpu.memory_space<smem>>
            %le3A_459 = arith.cmpf ole, %squeeze3A_455, %get3A_458 : f32
            %convert_element_type3A_460 = arith.extui %le3A_459 : i1 to i32
            %cond3A_461 = arith.constant 0 : i32
            %cond3A_462 = arith.cmpi ne, %convert_element_type3A_460, %cond3A_461 : i32
            scf.if %cond3A_462 {
              %add3A_722 = arith.constant 0 : i32
              %add3A_723 = arith.addi %mul3A_170, %add3A_722 : i32
              %broadcast_in_dim3A_724 = vector.broadcast %add3A_723 : i32 to vector<16xi32>
              %add3A_725 = arith.addi %iota3A, %broadcast_in_dim3A_724 : vector<16xi32>
              %broadcast_in_dim3A_726 = vector.broadcast %get3A_458 : f32 to vector<16xf32>
              %le3A_727 = arith.cmpf ole, %max3A_196, %broadcast_in_dim3A_726 : vector<16xf32>
              %select_n3A_728 = arith.select %le3A_727, %max3A_196, %broadcast_in_dim3A_3 : vector<16xi1>, vector<16xf32>
              %sub3A_729 = arith.constant 1 : i32
              %sub3A_730 = vector.broadcast %sub3A_729 : i32 to vector<16xi32>
              %sub3A_731 = arith.subi %iota3A, %sub3A_730 : vector<16xi32>
              %max3A_732 = arith.constant 0 : i32
              %max3A_733 = vector.broadcast %max3A_732 : i32 to vector<16xi32>
              %max3A_734 = arith.maxsi %sub3A_731, %max3A_733 : vector<16xi32>
              %broadcast_in_dim3A_735 = arith.constant 1 : i32
              %broadcast_in_dim3A_736 = vector.broadcast %broadcast_in_dim3A_735 : i32 to vector<16xi32>
              %get3A_737 = arith.constant 0 : index
              %get3A_738 = tpu.vector_load %arg26[%get3A_737] {strides = array<i32>} : memref<16xf32, #tpu.memory_space<vmem>>, vector<16xf32>,
              %get3A_739 = vector.shape_cast %get3A_738 : vector<16xf32> to vector<16xf32>
              %get3A_740 = arith.constant 0 : index
              %get3A_741 = tpu.vector_load %arg27[%get3A_740] {strides = array<i32>} : memref<16xi32, #tpu.memory_space<vmem>>, vector<16xi32>,
              %get3A_742 = vector.shape_cast %get3A_741 : vector<16xi32> to vector<16xi32>
              %scan3A_743 = arith.constant 0 : i32
              %scan3A_744 = arith.constant 8 : i32
              %scan3A_745 = arith.addi %scan3A_743, %scan3A_744 : i32
              %scan3A_746 = arith.constant 1 : i32
              %scan3A_747:2 = scf.for %scan3A_767 = %scan3A_743 to %scan3A_745 step %scan3A_746 iter_args(%scan3A_768 = %get3A_739, %scan3A_769 = %get3A_742) -> (vector<16xf32>, vector<16xi32>)  : i32 {
                %mul3A_770 = arith.constant 2 : i32
                %mul3A_771 = arith.muli %mul3A_770, %scan3A_767 : i32
                %add3A_772 = arith.constant 1 : i32
                %add3A_773 = arith.addi %mul3A_771, %add3A_772 : i32
                %mul3A_774 = arith.constant 2 : i32
                %mul3A_775 = arith.muli %mul3A_774, %scan3A_767 : i32
                %broadcast_in_dim3A_776 = vector.broadcast %mul3A_775 : i32 to vector<16xi32>
                %broadcast_in_dim3A_777 = vector.shape_cast %broadcast_in_dim3A_776 : vector<16xi32> to vector<16x1xi32>
                %gather3A_778 = vector.shape_cast %broadcast_in_dim3A_777 : vector<16x1xi32> to vector<16xi32>
                %gather3A_779 = tpu.dynamic_gather %select_n3A_728[%gather3A_778] in [0] : vector<16xf32>, vector<16xi32> -> vector<16xf32>
                %broadcast_in_dim3A_780 = vector.shape_cast %broadcast_in_dim3A_776 : vector<16xi32> to vector<16x1xi32>
                %gather3A_781 = vector.shape_cast %broadcast_in_dim3A_780 : vector<16x1xi32> to vector<16xi32>
                %gather3A_782 = tpu.dynamic_gather %add3A_725[%gather3A_781] in [0] : vector<16xi32>, vector<16xi32> -> vector<16xi32>
                %lt3A = arith.cmpf olt, %scan3A_768, %gather3A_779 : vector<16xf32>
                %jit3A_783 = arith.constant 1.000000e+00 : f32
                %jit3A_784 = arith.constant 0.000000e+00 : f32
                %broadcast_in_dim3A_785 = vector.broadcast %jit3A_783 : f32 to vector<16xf32>
                %broadcast_in_dim3A_786 = vector.broadcast %jit3A_784 : f32 to vector<16xf32>
                %select_n3A_787 = arith.select %lt3A, %broadcast_in_dim3A_785, %broadcast_in_dim3A_786 : vector<16xi1>, vector<16xf32>
                %eq3A_788 = arith.cmpf oeq, %scan3A_768, %gather3A_779 : vector<16xf32>
                %jit3A_789 = arith.constant 1.000000e+00 : f32
                %jit3A_790 = arith.constant 0.000000e+00 : f32
                %broadcast_in_dim3A_791 = vector.broadcast %jit3A_789 : f32 to vector<16xf32>
                %broadcast_in_dim3A_792 = vector.broadcast %jit3A_790 : f32 to vector<16xf32>
                %select_n3A_793 = arith.select %eq3A_788, %broadcast_in_dim3A_791, %broadcast_in_dim3A_792 : vector<16xi1>, vector<16xf32>
                %lt3A_794 = arith.cmpi slt, %scan3A_769, %gather3A_782 : vector<16xi32>
                %broadcast_in_dim3A_795 = vector.broadcast %scan3A_88 : i32 to vector<16xi32>
                %broadcast_in_dim3A_796 = vector.broadcast %scan3A_89 : i32 to vector<16xi32>
                %select_n3A_797 = arith.select %lt3A_794, %broadcast_in_dim3A_795, %broadcast_in_dim3A_796 : vector<16xi1>, vector<16xi32>
                %convert_element_type3A_798 = arith.fptosi %select_n3A_787 : vector<16xf32> to vector<16xi32>
                %convert_element_type3A_799 = arith.fptosi %select_n3A_793 : vector<16xf32> to vector<16xi32>
                %and3A = arith.andi %convert_element_type3A_799, %select_n3A_797 : vector<16xi32>
                %or3A = arith.ori %convert_element_type3A_798, %and3A : vector<16xi32>
                %eq3A_800 = arith.constant 0 : i32
                %eq3A_801 = vector.broadcast %eq3A_800 : i32 to vector<16xi32>
                %eq3A_802 = arith.cmpi eq, %iota3A, %eq3A_801 : vector<16xi32>
                %broadcast_in_dim3A_803 = vector.shape_cast %max3A_734 : vector<16xi32> to vector<16x1xi32>
                %gather3A_804 = vector.shape_cast %broadcast_in_dim3A_803 : vector<16x1xi32> to vector<16xi32>
                %gather3A_805 = tpu.dynamic_gather %or3A[%gather3A_804] in [0] : vector<16xi32>, vector<16xi32> -> vector<16xi32>
                %broadcast_in_dim3A_806 = vector.broadcast %scan3A_88 : i32 to vector<16xi32>
                %select_n3A_807 = arith.select %eq3A_802, %broadcast_in_dim3A_806, %gather3A_805 : vector<16xi1>, vector<16xi32>
                %sub3A_808 = arith.subi %broadcast_in_dim3A_736, %or3A : vector<16xi32>
                %and3A_809 = arith.andi %sub3A_808, %select_n3A_807 : vector<16xi32>
                %convert_element_type3A_810 = arith.sitofp %or3A : vector<16xi32> to vector<16xf32>
                %convert_element_type3A_811 = arith.sitofp %and3A_809 : vector<16xi32> to vector<16xf32>
                %broadcast_in_dim3A_812 = vector.shape_cast %max3A_734 : vector<16xi32> to vector<16x1xi32>
                %gather3A_813 = vector.shape_cast %broadcast_in_dim3A_812 : vector<16x1xi32> to vector<16xi32>
                %gather3A_814 = tpu.dynamic_gather %scan3A_768[%gather3A_813] in [0] : vector<16xf32>, vector<16xi32> -> vector<16xf32>
                %broadcast_in_dim3A_815 = vector.shape_cast %max3A_734 : vector<16xi32> to vector<16x1xi32>
                %gather3A_816 = vector.shape_cast %broadcast_in_dim3A_815 : vector<16x1xi32> to vector<16xi32>
                %gather3A_817 = tpu.dynamic_gather %scan3A_769[%gather3A_816] in [0] : vector<16xi32>, vector<16xi32> -> vector<16xi32>
                %gt3A_818 = arith.constant 0.000000e+00 : f32
                %gt3A_819 = vector.broadcast %gt3A_818 : f32 to vector<16xf32>
                %gt3A_820 = arith.cmpf ogt, %convert_element_type3A_810, %gt3A_819 : vector<16xf32>
                %gt3A_821 = arith.constant 0.000000e+00 : f32
                %gt3A_822 = vector.broadcast %gt3A_821 : f32 to vector<16xf32>
                %gt3A_823 = arith.cmpf ogt, %convert_element_type3A_811, %gt3A_822 : vector<16xf32>
                %select_n3A_824 = arith.select %gt3A_823, %gather3A_779, %gather3A_814 : vector<16xi1>, vector<16xf32>
                %select_n3A_825 = arith.select %gt3A_820, %scan3A_768, %select_n3A_824 : vector<16xi1>, vector<16xf32>
                %gt3A_826 = arith.constant 0 : i32
                %gt3A_827 = vector.broadcast %gt3A_826 : i32 to vector<16xi32>
                %gt3A_828 = arith.cmpi sgt, %or3A, %gt3A_827 : vector<16xi32>
                %gt3A_829 = arith.constant 0 : i32
                %gt3A_830 = vector.broadcast %gt3A_829 : i32 to vector<16xi32>
                %gt3A_831 = arith.cmpi sgt, %and3A_809, %gt3A_830 : vector<16xi32>
                %select_n3A_832 = arith.select %gt3A_831, %gather3A_782, %gather3A_817 : vector<16xi1>, vector<16xi32>
                %select_n3A_833 = arith.select %gt3A_828, %scan3A_769, %select_n3A_832 : vector<16xi1>, vector<16xi32>
                %broadcast_in_dim3A_834 = vector.broadcast %add3A_773 : i32 to vector<16xi32>
                %broadcast_in_dim3A_835 = vector.shape_cast %broadcast_in_dim3A_834 : vector<16xi32> to vector<16x1xi32>
                %gather3A_836 = vector.shape_cast %broadcast_in_dim3A_835 : vector<16x1xi32> to vector<16xi32>
                %gather3A_837 = tpu.dynamic_gather %select_n3A_728[%gather3A_836] in [0] : vector<16xf32>, vector<16xi32> -> vector<16xf32>
                %broadcast_in_dim3A_838 = vector.shape_cast %broadcast_in_dim3A_834 : vector<16xi32> to vector<16x1xi32>
                %gather3A_839 = vector.shape_cast %broadcast_in_dim3A_838 : vector<16x1xi32> to vector<16xi32>
                %gather3A_840 = tpu.dynamic_gather %add3A_725[%gather3A_839] in [0] : vector<16xi32>, vector<16xi32> -> vector<16xi32>
                %lt3A_841 = arith.cmpf olt, %select_n3A_825, %gather3A_837 : vector<16xf32>
                %jit3A_842 = arith.constant 1.000000e+00 : f32
                %jit3A_843 = arith.constant 0.000000e+00 : f32
                %broadcast_in_dim3A_844 = vector.broadcast %jit3A_842 : f32 to vector<16xf32>
                %broadcast_in_dim3A_845 = vector.broadcast %jit3A_843 : f32 to vector<16xf32>
                %select_n3A_846 = arith.select %lt3A_841, %broadcast_in_dim3A_844, %broadcast_in_dim3A_845 : vector<16xi1>, vector<16xf32>
                %eq3A_847 = arith.cmpf oeq, %select_n3A_825, %gather3A_837 : vector<16xf32>
                %jit3A_848 = arith.constant 1.000000e+00 : f32
                %jit3A_849 = arith.constant 0.000000e+00 : f32
                %broadcast_in_dim3A_850 = vector.broadcast %jit3A_848 : f32 to vector<16xf32>
                %broadcast_in_dim3A_851 = vector.broadcast %jit3A_849 : f32 to vector<16xf32>
                %select_n3A_852 = arith.select %eq3A_847, %broadcast_in_dim3A_850, %broadcast_in_dim3A_851 : vector<16xi1>, vector<16xf32>
                %lt3A_853 = arith.cmpi slt, %select_n3A_833, %gather3A_840 : vector<16xi32>
                %broadcast_in_dim3A_854 = vector.broadcast %scan3A_88 : i32 to vector<16xi32>
                %broadcast_in_dim3A_855 = vector.broadcast %scan3A_89 : i32 to vector<16xi32>
                %select_n3A_856 = arith.select %lt3A_853, %broadcast_in_dim3A_854, %broadcast_in_dim3A_855 : vector<16xi1>, vector<16xi32>
                %convert_element_type3A_857 = arith.fptosi %select_n3A_846 : vector<16xf32> to vector<16xi32>
                %convert_element_type3A_858 = arith.fptosi %select_n3A_852 : vector<16xf32> to vector<16xi32>
                %and3A_859 = arith.andi %convert_element_type3A_858, %select_n3A_856 : vector<16xi32>
                %or3A_860 = arith.ori %convert_element_type3A_857, %and3A_859 : vector<16xi32>
                %eq3A_861 = arith.constant 0 : i32
                %eq3A_862 = vector.broadcast %eq3A_861 : i32 to vector<16xi32>
                %eq3A_863 = arith.cmpi eq, %iota3A, %eq3A_862 : vector<16xi32>
                %broadcast_in_dim3A_864 = vector.shape_cast %max3A_734 : vector<16xi32> to vector<16x1xi32>
                %gather3A_865 = vector.shape_cast %broadcast_in_dim3A_864 : vector<16x1xi32> to vector<16xi32>
                %gather3A_866 = tpu.dynamic_gather %or3A_860[%gather3A_865] in [0] : vector<16xi32>, vector<16xi32> -> vector<16xi32>
                %broadcast_in_dim3A_867 = vector.broadcast %scan3A_88 : i32 to vector<16xi32>
                %select_n3A_868 = arith.select %eq3A_863, %broadcast_in_dim3A_867, %gather3A_866 : vector<16xi1>, vector<16xi32>
                %sub3A_869 = arith.subi %broadcast_in_dim3A_736, %or3A_860 : vector<16xi32>
                %and3A_870 = arith.andi %sub3A_869, %select_n3A_868 : vector<16xi32>
                %convert_element_type3A_871 = arith.sitofp %or3A_860 : vector<16xi32> to vector<16xf32>
                %convert_element_type3A_872 = arith.sitofp %and3A_870 : vector<16xi32> to vector<16xf32>
                %broadcast_in_dim3A_873 = vector.shape_cast %max3A_734 : vector<16xi32> to vector<16x1xi32>
                %gather3A_874 = vector.shape_cast %broadcast_in_dim3A_873 : vector<16x1xi32> to vector<16xi32>
                %gather3A_875 = tpu.dynamic_gather %select_n3A_825[%gather3A_874] in [0] : vector<16xf32>, vector<16xi32> -> vector<16xf32>
                %broadcast_in_dim3A_876 = vector.shape_cast %max3A_734 : vector<16xi32> to vector<16x1xi32>
                %gather3A_877 = vector.shape_cast %broadcast_in_dim3A_876 : vector<16x1xi32> to vector<16xi32>
                %gather3A_878 = tpu.dynamic_gather %select_n3A_833[%gather3A_877] in [0] : vector<16xi32>, vector<16xi32> -> vector<16xi32>
                %gt3A_879 = arith.constant 0.000000e+00 : f32
                %gt3A_880 = vector.broadcast %gt3A_879 : f32 to vector<16xf32>
                %gt3A_881 = arith.cmpf ogt, %convert_element_type3A_871, %gt3A_880 : vector<16xf32>
                %gt3A_882 = arith.constant 0.000000e+00 : f32
                %gt3A_883 = vector.broadcast %gt3A_882 : f32 to vector<16xf32>
                %gt3A_884 = arith.cmpf ogt, %convert_element_type3A_872, %gt3A_883 : vector<16xf32>
                %select_n3A_885 = arith.select %gt3A_884, %gather3A_837, %gather3A_875 : vector<16xi1>, vector<16xf32>
                %select_n3A_886 = arith.select %gt3A_881, %select_n3A_825, %select_n3A_885 : vector<16xi1>, vector<16xf32>
                %gt3A_887 = arith.constant 0 : i32
                %gt3A_888 = vector.broadcast %gt3A_887 : i32 to vector<16xi32>
                %gt3A_889 = arith.cmpi sgt, %or3A_860, %gt3A_888 : vector<16xi32>
                %gt3A_890 = arith.constant 0 : i32
                %gt3A_891 = vector.broadcast %gt3A_890 : i32 to vector<16xi32>
                %gt3A_892 = arith.cmpi sgt, %and3A_870, %gt3A_891 : vector<16xi32>
                %select_n3A_893 = arith.select %gt3A_892, %gather3A_840, %gather3A_878 : vector<16xi1>, vector<16xi32>
                %select_n3A_894 = arith.select %gt3A_889, %select_n3A_833, %select_n3A_893 : vector<16xi1>, vector<16xi32>
                scf.yield %select_n3A_886, %select_n3A_894 : vector<16xf32>, vector<16xi32>
              }
              %scan3A_748 = arith.constant 8 : i32
              %swap3A_749 = arith.constant 0 : index
              %swap3A_750 = tpu.vector_load %arg26[%swap3A_749] {strides = array<i32>} : memref<16xf32, #tpu.memory_space<vmem>>, vector<16xf32>,
              %swap3A_751 = vector.shape_cast %swap3A_750 : vector<16xf32> to vector<16xf32>
              %swap3A_752 = vector.shape_cast %scan3A_747#0 : vector<16xf32> to vector<16xf32>
              tpu.vector_store %arg26[%swap3A_749], %swap3A_752 {strides = array<i32>} : memref<16xf32, #tpu.memory_space<vmem>>, vector<16xf32>,
              %swap3A_753 = arith.constant 0 : index
              %swap3A_754 = tpu.vector_load %arg27[%swap3A_753] {strides = array<i32>} : memref<16xi32, #tpu.memory_space<vmem>>, vector<16xi32>,
              %swap3A_755 = vector.shape_cast %swap3A_754 : vector<16xi32> to vector<16xi32>
              %swap3A_756 = vector.shape_cast %scan3A_747#1 : vector<16xi32> to vector<16xi32>
              tpu.vector_store %arg27[%swap3A_753], %swap3A_756 {strides = array<i32>} : memref<16xi32, #tpu.memory_space<vmem>>, vector<16xi32>,
              %slice3A_757 = vector.extract_strided_slice %scan3A_747#0 {offsets = [15], sizes = [1], strides = [1]} : vector<16xf32> to vector<1xf32>
              %squeeze3A_758 = vector.extract %slice3A_757[0] : f32 from vector<1xf32>
              %eq3A = arith.constant 0.000000e+00 : f32
              %eq3A_759 = arith.cmpf oeq, %squeeze3A_758, %eq3A : f32
              %min3A_760 = arith.constant 6.250000e-02 : f32
              %min3A_761 = arith.minimumf %squeeze3A_758, %min3A_760 : f32
              %jit3A_762 = arith.constant -1.000000e+00 : f32
              %select_n3A_763 = arith.select %eq3A_759, %jit3A_762, %min3A_761 : f32
              %swap3A_764 = arith.constant 0 : i32
              %swap3A_765 = arith.index_cast %swap3A_764 : i32 to index
              %swap3A_766 = memref.load %arg28[%swap3A_765] : memref<1xf32, #tpu.memory_space<smem>>
              memref.store %select_n3A_763, %arg28[%swap3A_765] : memref<1xf32, #tpu.memory_space<smem>>
            } else {
            }
            %xor3A_463 = arith.constant 8 : i32
            %xor3A_464 = vector.broadcast %xor3A_463 : i32 to vector<16xi32>
            %xor3A_465 = arith.xori %iota3A, %xor3A_464 : vector<16xi32>
            %broadcast_in_dim3A_466 = vector.shape_cast %xor3A_465 : vector<16xi32> to vector<16x1xi32>
            %gather3A_467 = vector.shape_cast %broadcast_in_dim3A_466 : vector<16x1xi32> to vector<16xi32>
            %gather3A_468 = tpu.dynamic_gather %max3A_223[%gather3A_467] in [0] : vector<16xf32>, vector<16xi32> -> vector<16xf32>
            %min3A_469 = arith.minimumf %max3A_223, %gather3A_468 : vector<16xf32>
            %xor3A_470 = arith.constant 4 : i32
            %xor3A_471 = vector.broadcast %xor3A_470 : i32 to vector<16xi32>
            %xor3A_472 = arith.xori %iota3A, %xor3A_471 : vector<16xi32>
            %broadcast_in_dim3A_473 = vector.shape_cast %xor3A_472 : vector<16xi32> to vector<16x1xi32>
            %gather3A_474 = vector.shape_cast %broadcast_in_dim3A_473 : vector<16x1xi32> to vector<16xi32>
            %gather3A_475 = tpu.dynamic_gather %min3A_469[%gather3A_474] in [0] : vector<16xf32>, vector<16xi32> -> vector<16xf32>
            %min3A_476 = arith.minimumf %min3A_469, %gather3A_475 : vector<16xf32>
            %xor3A_477 = arith.constant 2 : i32
            %xor3A_478 = vector.broadcast %xor3A_477 : i32 to vector<16xi32>
            %xor3A_479 = arith.xori %iota3A, %xor3A_478 : vector<16xi32>
            %broadcast_in_dim3A_480 = vector.shape_cast %xor3A_479 : vector<16xi32> to vector<16x1xi32>
            %gather3A_481 = vector.shape_cast %broadcast_in_dim3A_480 : vector<16x1xi32> to vector<16xi32>
            %gather3A_482 = tpu.dynamic_gather %min3A_476[%gather3A_481] in [0] : vector<16xf32>, vector<16xi32> -> vector<16xf32>
            %min3A_483 = arith.minimumf %min3A_476, %gather3A_482 : vector<16xf32>
            %xor3A_484 = arith.constant 1 : i32
            %xor3A_485 = vector.broadcast %xor3A_484 : i32 to vector<16xi32>
            %xor3A_486 = arith.xori %iota3A, %xor3A_485 : vector<16xi32>
            %broadcast_in_dim3A_487 = vector.shape_cast %xor3A_486 : vector<16xi32> to vector<16x1xi32>
            %gather3A_488 = vector.shape_cast %broadcast_in_dim3A_487 : vector<16x1xi32> to vector<16xi32>
            %gather3A_489 = tpu.dynamic_gather %min3A_483[%gather3A_488] in [0] : vector<16xf32>, vector<16xi32> -> vector<16xf32>
            %min3A_490 = arith.minimumf %min3A_483, %gather3A_489 : vector<16xf32>
            %slice3A_491 = vector.extract_strided_slice %min3A_490 {offsets = [0], sizes = [1], strides = [1]} : vector<16xf32> to vector<1xf32>
            %squeeze3A_492 = vector.extract %slice3A_491[0] : f32 from vector<1xf32>
            %get3A_493 = arith.constant 0 : i32
            %get3A_494 = arith.index_cast %get3A_493 : i32 to index
            %get3A_495 = memref.load %arg28[%get3A_494] : memref<1xf32, #tpu.memory_space<smem>>
            %le3A_496 = arith.cmpf ole, %squeeze3A_492, %get3A_495 : f32
            %convert_element_type3A_497 = arith.extui %le3A_496 : i1 to i32
            %cond3A_498 = arith.constant 0 : i32
            %cond3A_499 = arith.cmpi ne, %convert_element_type3A_497, %cond3A_498 : i32
            scf.if %cond3A_499 {
              %add3A_722 = arith.constant 16 : i32
              %add3A_723 = arith.addi %mul3A_170, %add3A_722 : i32
              %broadcast_in_dim3A_724 = vector.broadcast %add3A_723 : i32 to vector<16xi32>
              %add3A_725 = arith.addi %iota3A, %broadcast_in_dim3A_724 : vector<16xi32>
              %broadcast_in_dim3A_726 = vector.broadcast %get3A_495 : f32 to vector<16xf32>
              %le3A_727 = arith.cmpf ole, %max3A_223, %broadcast_in_dim3A_726 : vector<16xf32>
              %select_n3A_728 = arith.select %le3A_727, %max3A_223, %broadcast_in_dim3A_3 : vector<16xi1>, vector<16xf32>
              %sub3A_729 = arith.constant 1 : i32
              %sub3A_730 = vector.broadcast %sub3A_729 : i32 to vector<16xi32>
              %sub3A_731 = arith.subi %iota3A, %sub3A_730 : vector<16xi32>
              %max3A_732 = arith.constant 0 : i32
              %max3A_733 = vector.broadcast %max3A_732 : i32 to vector<16xi32>
              %max3A_734 = arith.maxsi %sub3A_731, %max3A_733 : vector<16xi32>
              %broadcast_in_dim3A_735 = arith.constant 1 : i32
              %broadcast_in_dim3A_736 = vector.broadcast %broadcast_in_dim3A_735 : i32 to vector<16xi32>
              %get3A_737 = arith.constant 0 : index
              %get3A_738 = tpu.vector_load %arg26[%get3A_737] {strides = array<i32>} : memref<16xf32, #tpu.memory_space<vmem>>, vector<16xf32>,
              %get3A_739 = vector.shape_cast %get3A_738 : vector<16xf32> to vector<16xf32>
              %get3A_740 = arith.constant 0 : index
              %get3A_741 = tpu.vector_load %arg27[%get3A_740] {strides = array<i32>} : memref<16xi32, #tpu.memory_space<vmem>>, vector<16xi32>,
              %get3A_742 = vector.shape_cast %get3A_741 : vector<16xi32> to vector<16xi32>
              %scan3A_743 = arith.constant 0 : i32
              %scan3A_744 = arith.constant 8 : i32
              %scan3A_745 = arith.addi %scan3A_743, %scan3A_744 : i32
              %scan3A_746 = arith.constant 1 : i32
              %scan3A_747:2 = scf.for %scan3A_767 = %scan3A_743 to %scan3A_745 step %scan3A_746 iter_args(%scan3A_768 = %get3A_739, %scan3A_769 = %get3A_742) -> (vector<16xf32>, vector<16xi32>)  : i32 {
                %mul3A_770 = arith.constant 2 : i32
                %mul3A_771 = arith.muli %mul3A_770, %scan3A_767 : i32
                %add3A_772 = arith.constant 1 : i32
                %add3A_773 = arith.addi %mul3A_771, %add3A_772 : i32
                %mul3A_774 = arith.constant 2 : i32
                %mul3A_775 = arith.muli %mul3A_774, %scan3A_767 : i32
                %broadcast_in_dim3A_776 = vector.broadcast %mul3A_775 : i32 to vector<16xi32>
                %broadcast_in_dim3A_777 = vector.shape_cast %broadcast_in_dim3A_776 : vector<16xi32> to vector<16x1xi32>
                %gather3A_778 = vector.shape_cast %broadcast_in_dim3A_777 : vector<16x1xi32> to vector<16xi32>
                %gather3A_779 = tpu.dynamic_gather %select_n3A_728[%gather3A_778] in [0] : vector<16xf32>, vector<16xi32> -> vector<16xf32>
                %broadcast_in_dim3A_780 = vector.shape_cast %broadcast_in_dim3A_776 : vector<16xi32> to vector<16x1xi32>
                %gather3A_781 = vector.shape_cast %broadcast_in_dim3A_780 : vector<16x1xi32> to vector<16xi32>
                %gather3A_782 = tpu.dynamic_gather %add3A_725[%gather3A_781] in [0] : vector<16xi32>, vector<16xi32> -> vector<16xi32>
                %lt3A = arith.cmpf olt, %scan3A_768, %gather3A_779 : vector<16xf32>
                %jit3A_783 = arith.constant 1.000000e+00 : f32
                %jit3A_784 = arith.constant 0.000000e+00 : f32
                %broadcast_in_dim3A_785 = vector.broadcast %jit3A_783 : f32 to vector<16xf32>
                %broadcast_in_dim3A_786 = vector.broadcast %jit3A_784 : f32 to vector<16xf32>
                %select_n3A_787 = arith.select %lt3A, %broadcast_in_dim3A_785, %broadcast_in_dim3A_786 : vector<16xi1>, vector<16xf32>
                %eq3A_788 = arith.cmpf oeq, %scan3A_768, %gather3A_779 : vector<16xf32>
                %jit3A_789 = arith.constant 1.000000e+00 : f32
                %jit3A_790 = arith.constant 0.000000e+00 : f32
                %broadcast_in_dim3A_791 = vector.broadcast %jit3A_789 : f32 to vector<16xf32>
                %broadcast_in_dim3A_792 = vector.broadcast %jit3A_790 : f32 to vector<16xf32>
                %select_n3A_793 = arith.select %eq3A_788, %broadcast_in_dim3A_791, %broadcast_in_dim3A_792 : vector<16xi1>, vector<16xf32>
                %lt3A_794 = arith.cmpi slt, %scan3A_769, %gather3A_782 : vector<16xi32>
                %broadcast_in_dim3A_795 = vector.broadcast %scan3A_88 : i32 to vector<16xi32>
                %broadcast_in_dim3A_796 = vector.broadcast %scan3A_89 : i32 to vector<16xi32>
                %select_n3A_797 = arith.select %lt3A_794, %broadcast_in_dim3A_795, %broadcast_in_dim3A_796 : vector<16xi1>, vector<16xi32>
                %convert_element_type3A_798 = arith.fptosi %select_n3A_787 : vector<16xf32> to vector<16xi32>
                %convert_element_type3A_799 = arith.fptosi %select_n3A_793 : vector<16xf32> to vector<16xi32>
                %and3A = arith.andi %convert_element_type3A_799, %select_n3A_797 : vector<16xi32>
                %or3A = arith.ori %convert_element_type3A_798, %and3A : vector<16xi32>
                %eq3A_800 = arith.constant 0 : i32
                %eq3A_801 = vector.broadcast %eq3A_800 : i32 to vector<16xi32>
                %eq3A_802 = arith.cmpi eq, %iota3A, %eq3A_801 : vector<16xi32>
                %broadcast_in_dim3A_803 = vector.shape_cast %max3A_734 : vector<16xi32> to vector<16x1xi32>
                %gather3A_804 = vector.shape_cast %broadcast_in_dim3A_803 : vector<16x1xi32> to vector<16xi32>
                %gather3A_805 = tpu.dynamic_gather %or3A[%gather3A_804] in [0] : vector<16xi32>, vector<16xi32> -> vector<16xi32>
                %broadcast_in_dim3A_806 = vector.broadcast %scan3A_88 : i32 to vector<16xi32>
                %select_n3A_807 = arith.select %eq3A_802, %broadcast_in_dim3A_806, %gather3A_805 : vector<16xi1>, vector<16xi32>
                %sub3A_808 = arith.subi %broadcast_in_dim3A_736, %or3A : vector<16xi32>
                %and3A_809 = arith.andi %sub3A_808, %select_n3A_807 : vector<16xi32>
                %convert_element_type3A_810 = arith.sitofp %or3A : vector<16xi32> to vector<16xf32>
                %convert_element_type3A_811 = arith.sitofp %and3A_809 : vector<16xi32> to vector<16xf32>
                %broadcast_in_dim3A_812 = vector.shape_cast %max3A_734 : vector<16xi32> to vector<16x1xi32>
                %gather3A_813 = vector.shape_cast %broadcast_in_dim3A_812 : vector<16x1xi32> to vector<16xi32>
                %gather3A_814 = tpu.dynamic_gather %scan3A_768[%gather3A_813] in [0] : vector<16xf32>, vector<16xi32> -> vector<16xf32>
                %broadcast_in_dim3A_815 = vector.shape_cast %max3A_734 : vector<16xi32> to vector<16x1xi32>
                %gather3A_816 = vector.shape_cast %broadcast_in_dim3A_815 : vector<16x1xi32> to vector<16xi32>
                %gather3A_817 = tpu.dynamic_gather %scan3A_769[%gather3A_816] in [0] : vector<16xi32>, vector<16xi32> -> vector<16xi32>
                %gt3A_818 = arith.constant 0.000000e+00 : f32
                %gt3A_819 = vector.broadcast %gt3A_818 : f32 to vector<16xf32>
                %gt3A_820 = arith.cmpf ogt, %convert_element_type3A_810, %gt3A_819 : vector<16xf32>
                %gt3A_821 = arith.constant 0.000000e+00 : f32
                %gt3A_822 = vector.broadcast %gt3A_821 : f32 to vector<16xf32>
                %gt3A_823 = arith.cmpf ogt, %convert_element_type3A_811, %gt3A_822 : vector<16xf32>
                %select_n3A_824 = arith.select %gt3A_823, %gather3A_779, %gather3A_814 : vector<16xi1>, vector<16xf32>
                %select_n3A_825 = arith.select %gt3A_820, %scan3A_768, %select_n3A_824 : vector<16xi1>, vector<16xf32>
                %gt3A_826 = arith.constant 0 : i32
                %gt3A_827 = vector.broadcast %gt3A_826 : i32 to vector<16xi32>
                %gt3A_828 = arith.cmpi sgt, %or3A, %gt3A_827 : vector<16xi32>
                %gt3A_829 = arith.constant 0 : i32
                %gt3A_830 = vector.broadcast %gt3A_829 : i32 to vector<16xi32>
                %gt3A_831 = arith.cmpi sgt, %and3A_809, %gt3A_830 : vector<16xi32>
                %select_n3A_832 = arith.select %gt3A_831, %gather3A_782, %gather3A_817 : vector<16xi1>, vector<16xi32>
                %select_n3A_833 = arith.select %gt3A_828, %scan3A_769, %select_n3A_832 : vector<16xi1>, vector<16xi32>
                %broadcast_in_dim3A_834 = vector.broadcast %add3A_773 : i32 to vector<16xi32>
                %broadcast_in_dim3A_835 = vector.shape_cast %broadcast_in_dim3A_834 : vector<16xi32> to vector<16x1xi32>
                %gather3A_836 = vector.shape_cast %broadcast_in_dim3A_835 : vector<16x1xi32> to vector<16xi32>
                %gather3A_837 = tpu.dynamic_gather %select_n3A_728[%gather3A_836] in [0] : vector<16xf32>, vector<16xi32> -> vector<16xf32>
                %broadcast_in_dim3A_838 = vector.shape_cast %broadcast_in_dim3A_834 : vector<16xi32> to vector<16x1xi32>
                %gather3A_839 = vector.shape_cast %broadcast_in_dim3A_838 : vector<16x1xi32> to vector<16xi32>
                %gather3A_840 = tpu.dynamic_gather %add3A_725[%gather3A_839] in [0] : vector<16xi32>, vector<16xi32> -> vector<16xi32>
                %lt3A_841 = arith.cmpf olt, %select_n3A_825, %gather3A_837 : vector<16xf32>
                %jit3A_842 = arith.constant 1.000000e+00 : f32
                %jit3A_843 = arith.constant 0.000000e+00 : f32
                %broadcast_in_dim3A_844 = vector.broadcast %jit3A_842 : f32 to vector<16xf32>
                %broadcast_in_dim3A_845 = vector.broadcast %jit3A_843 : f32 to vector<16xf32>
                %select_n3A_846 = arith.select %lt3A_841, %broadcast_in_dim3A_844, %broadcast_in_dim3A_845 : vector<16xi1>, vector<16xf32>
                %eq3A_847 = arith.cmpf oeq, %select_n3A_825, %gather3A_837 : vector<16xf32>
                %jit3A_848 = arith.constant 1.000000e+00 : f32
                %jit3A_849 = arith.constant 0.000000e+00 : f32
                %broadcast_in_dim3A_850 = vector.broadcast %jit3A_848 : f32 to vector<16xf32>
                %broadcast_in_dim3A_851 = vector.broadcast %jit3A_849 : f32 to vector<16xf32>
                %select_n3A_852 = arith.select %eq3A_847, %broadcast_in_dim3A_850, %broadcast_in_dim3A_851 : vector<16xi1>, vector<16xf32>
                %lt3A_853 = arith.cmpi slt, %select_n3A_833, %gather3A_840 : vector<16xi32>
                %broadcast_in_dim3A_854 = vector.broadcast %scan3A_88 : i32 to vector<16xi32>
                %broadcast_in_dim3A_855 = vector.broadcast %scan3A_89 : i32 to vector<16xi32>
                %select_n3A_856 = arith.select %lt3A_853, %broadcast_in_dim3A_854, %broadcast_in_dim3A_855 : vector<16xi1>, vector<16xi32>
                %convert_element_type3A_857 = arith.fptosi %select_n3A_846 : vector<16xf32> to vector<16xi32>
                %convert_element_type3A_858 = arith.fptosi %select_n3A_852 : vector<16xf32> to vector<16xi32>
                %and3A_859 = arith.andi %convert_element_type3A_858, %select_n3A_856 : vector<16xi32>
                %or3A_860 = arith.ori %convert_element_type3A_857, %and3A_859 : vector<16xi32>
                %eq3A_861 = arith.constant 0 : i32
                %eq3A_862 = vector.broadcast %eq3A_861 : i32 to vector<16xi32>
                %eq3A_863 = arith.cmpi eq, %iota3A, %eq3A_862 : vector<16xi32>
                %broadcast_in_dim3A_864 = vector.shape_cast %max3A_734 : vector<16xi32> to vector<16x1xi32>
                %gather3A_865 = vector.shape_cast %broadcast_in_dim3A_864 : vector<16x1xi32> to vector<16xi32>
                %gather3A_866 = tpu.dynamic_gather %or3A_860[%gather3A_865] in [0] : vector<16xi32>, vector<16xi32> -> vector<16xi32>
                %broadcast_in_dim3A_867 = vector.broadcast %scan3A_88 : i32 to vector<16xi32>
                %select_n3A_868 = arith.select %eq3A_863, %broadcast_in_dim3A_867, %gather3A_866 : vector<16xi1>, vector<16xi32>
                %sub3A_869 = arith.subi %broadcast_in_dim3A_736, %or3A_860 : vector<16xi32>
                %and3A_870 = arith.andi %sub3A_869, %select_n3A_868 : vector<16xi32>
                %convert_element_type3A_871 = arith.sitofp %or3A_860 : vector<16xi32> to vector<16xf32>
                %convert_element_type3A_872 = arith.sitofp %and3A_870 : vector<16xi32> to vector<16xf32>
                %broadcast_in_dim3A_873 = vector.shape_cast %max3A_734 : vector<16xi32> to vector<16x1xi32>
                %gather3A_874 = vector.shape_cast %broadcast_in_dim3A_873 : vector<16x1xi32> to vector<16xi32>
                %gather3A_875 = tpu.dynamic_gather %select_n3A_825[%gather3A_874] in [0] : vector<16xf32>, vector<16xi32> -> vector<16xf32>
                %broadcast_in_dim3A_876 = vector.shape_cast %max3A_734 : vector<16xi32> to vector<16x1xi32>
                %gather3A_877 = vector.shape_cast %broadcast_in_dim3A_876 : vector<16x1xi32> to vector<16xi32>
                %gather3A_878 = tpu.dynamic_gather %select_n3A_833[%gather3A_877] in [0] : vector<16xi32>, vector<16xi32> -> vector<16xi32>
                %gt3A_879 = arith.constant 0.000000e+00 : f32
                %gt3A_880 = vector.broadcast %gt3A_879 : f32 to vector<16xf32>
                %gt3A_881 = arith.cmpf ogt, %convert_element_type3A_871, %gt3A_880 : vector<16xf32>
                %gt3A_882 = arith.constant 0.000000e+00 : f32
                %gt3A_883 = vector.broadcast %gt3A_882 : f32 to vector<16xf32>
                %gt3A_884 = arith.cmpf ogt, %convert_element_type3A_872, %gt3A_883 : vector<16xf32>
                %select_n3A_885 = arith.select %gt3A_884, %gather3A_837, %gather3A_875 : vector<16xi1>, vector<16xf32>
                %select_n3A_886 = arith.select %gt3A_881, %select_n3A_825, %select_n3A_885 : vector<16xi1>, vector<16xf32>
                %gt3A_887 = arith.constant 0 : i32
                %gt3A_888 = vector.broadcast %gt3A_887 : i32 to vector<16xi32>
                %gt3A_889 = arith.cmpi sgt, %or3A_860, %gt3A_888 : vector<16xi32>
                %gt3A_890 = arith.constant 0 : i32
                %gt3A_891 = vector.broadcast %gt3A_890 : i32 to vector<16xi32>
                %gt3A_892 = arith.cmpi sgt, %and3A_870, %gt3A_891 : vector<16xi32>
                %select_n3A_893 = arith.select %gt3A_892, %gather3A_840, %gather3A_878 : vector<16xi1>, vector<16xi32>
                %select_n3A_894 = arith.select %gt3A_889, %select_n3A_833, %select_n3A_893 : vector<16xi1>, vector<16xi32>
                scf.yield %select_n3A_886, %select_n3A_894 : vector<16xf32>, vector<16xi32>
              }
              %scan3A_748 = arith.constant 8 : i32
              %swap3A_749 = arith.constant 0 : index
              %swap3A_750 = tpu.vector_load %arg26[%swap3A_749] {strides = array<i32>} : memref<16xf32, #tpu.memory_space<vmem>>, vector<16xf32>,
              %swap3A_751 = vector.shape_cast %swap3A_750 : vector<16xf32> to vector<16xf32>
              %swap3A_752 = vector.shape_cast %scan3A_747#0 : vector<16xf32> to vector<16xf32>
              tpu.vector_store %arg26[%swap3A_749], %swap3A_752 {strides = array<i32>} : memref<16xf32, #tpu.memory_space<vmem>>, vector<16xf32>,
              %swap3A_753 = arith.constant 0 : index
              %swap3A_754 = tpu.vector_load %arg27[%swap3A_753] {strides = array<i32>} : memref<16xi32, #tpu.memory_space<vmem>>, vector<16xi32>,
              %swap3A_755 = vector.shape_cast %swap3A_754 : vector<16xi32> to vector<16xi32>
              %swap3A_756 = vector.shape_cast %scan3A_747#1 : vector<16xi32> to vector<16xi32>
              tpu.vector_store %arg27[%swap3A_753], %swap3A_756 {strides = array<i32>} : memref<16xi32, #tpu.memory_space<vmem>>, vector<16xi32>,
              %slice3A_757 = vector.extract_strided_slice %scan3A_747#0 {offsets = [15], sizes = [1], strides = [1]} : vector<16xf32> to vector<1xf32>
              %squeeze3A_758 = vector.extract %slice3A_757[0] : f32 from vector<1xf32>
              %eq3A = arith.constant 0.000000e+00 : f32
              %eq3A_759 = arith.cmpf oeq, %squeeze3A_758, %eq3A : f32
              %min3A_760 = arith.constant 6.250000e-02 : f32
              %min3A_761 = arith.minimumf %squeeze3A_758, %min3A_760 : f32
              %jit3A_762 = arith.constant -1.000000e+00 : f32
              %select_n3A_763 = arith.select %eq3A_759, %jit3A_762, %min3A_761 : f32
              %swap3A_764 = arith.constant 0 : i32
              %swap3A_765 = arith.index_cast %swap3A_764 : i32 to index
              %swap3A_766 = memref.load %arg28[%swap3A_765] : memref<1xf32, #tpu.memory_space<smem>>
              memref.store %select_n3A_763, %arg28[%swap3A_765] : memref<1xf32, #tpu.memory_space<smem>>
            } else {
            }
            %xor3A_500 = arith.constant 8 : i32
            %xor3A_501 = vector.broadcast %xor3A_500 : i32 to vector<16xi32>
            %xor3A_502 = arith.xori %iota3A, %xor3A_501 : vector<16xi32>
            %broadcast_in_dim3A_503 = vector.shape_cast %xor3A_502 : vector<16xi32> to vector<16x1xi32>
            %gather3A_504 = vector.shape_cast %broadcast_in_dim3A_503 : vector<16x1xi32> to vector<16xi32>
            %gather3A_505 = tpu.dynamic_gather %max3A_250[%gather3A_504] in [0] : vector<16xf32>, vector<16xi32> -> vector<16xf32>
            %min3A_506 = arith.minimumf %max3A_250, %gather3A_505 : vector<16xf32>
            %xor3A_507 = arith.constant 4 : i32
            %xor3A_508 = vector.broadcast %xor3A_507 : i32 to vector<16xi32>
            %xor3A_509 = arith.xori %iota3A, %xor3A_508 : vector<16xi32>
            %broadcast_in_dim3A_510 = vector.shape_cast %xor3A_509 : vector<16xi32> to vector<16x1xi32>
            %gather3A_511 = vector.shape_cast %broadcast_in_dim3A_510 : vector<16x1xi32> to vector<16xi32>
            %gather3A_512 = tpu.dynamic_gather %min3A_506[%gather3A_511] in [0] : vector<16xf32>, vector<16xi32> -> vector<16xf32>
            %min3A_513 = arith.minimumf %min3A_506, %gather3A_512 : vector<16xf32>
            %xor3A_514 = arith.constant 2 : i32
            %xor3A_515 = vector.broadcast %xor3A_514 : i32 to vector<16xi32>
            %xor3A_516 = arith.xori %iota3A, %xor3A_515 : vector<16xi32>
            %broadcast_in_dim3A_517 = vector.shape_cast %xor3A_516 : vector<16xi32> to vector<16x1xi32>
            %gather3A_518 = vector.shape_cast %broadcast_in_dim3A_517 : vector<16x1xi32> to vector<16xi32>
            %gather3A_519 = tpu.dynamic_gather %min3A_513[%gather3A_518] in [0] : vector<16xf32>, vector<16xi32> -> vector<16xf32>
            %min3A_520 = arith.minimumf %min3A_513, %gather3A_519 : vector<16xf32>
            %xor3A_521 = arith.constant 1 : i32
            %xor3A_522 = vector.broadcast %xor3A_521 : i32 to vector<16xi32>
            %xor3A_523 = arith.xori %iota3A, %xor3A_522 : vector<16xi32>
            %broadcast_in_dim3A_524 = vector.shape_cast %xor3A_523 : vector<16xi32> to vector<16x1xi32>
            %gather3A_525 = vector.shape_cast %broadcast_in_dim3A_524 : vector<16x1xi32> to vector<16xi32>
            %gather3A_526 = tpu.dynamic_gather %min3A_520[%gather3A_525] in [0] : vector<16xf32>, vector<16xi32> -> vector<16xf32>
            %min3A_527 = arith.minimumf %min3A_520, %gather3A_526 : vector<16xf32>
            %slice3A_528 = vector.extract_strided_slice %min3A_527 {offsets = [0], sizes = [1], strides = [1]} : vector<16xf32> to vector<1xf32>
            %squeeze3A_529 = vector.extract %slice3A_528[0] : f32 from vector<1xf32>
            %get3A_530 = arith.constant 0 : i32
            %get3A_531 = arith.index_cast %get3A_530 : i32 to index
            %get3A_532 = memref.load %arg28[%get3A_531] : memref<1xf32, #tpu.memory_space<smem>>
            %le3A_533 = arith.cmpf ole, %squeeze3A_529, %get3A_532 : f32
            %convert_element_type3A_534 = arith.extui %le3A_533 : i1 to i32
            %cond3A_535 = arith.constant 0 : i32
            %cond3A_536 = arith.cmpi ne, %convert_element_type3A_534, %cond3A_535 : i32
            scf.if %cond3A_536 {
              %add3A_722 = arith.constant 32 : i32
              %add3A_723 = arith.addi %mul3A_170, %add3A_722 : i32
              %broadcast_in_dim3A_724 = vector.broadcast %add3A_723 : i32 to vector<16xi32>
              %add3A_725 = arith.addi %iota3A, %broadcast_in_dim3A_724 : vector<16xi32>
              %broadcast_in_dim3A_726 = vector.broadcast %get3A_532 : f32 to vector<16xf32>
              %le3A_727 = arith.cmpf ole, %max3A_250, %broadcast_in_dim3A_726 : vector<16xf32>
              %select_n3A_728 = arith.select %le3A_727, %max3A_250, %broadcast_in_dim3A_3 : vector<16xi1>, vector<16xf32>
              %sub3A_729 = arith.constant 1 : i32
              %sub3A_730 = vector.broadcast %sub3A_729 : i32 to vector<16xi32>
              %sub3A_731 = arith.subi %iota3A, %sub3A_730 : vector<16xi32>
              %max3A_732 = arith.constant 0 : i32
              %max3A_733 = vector.broadcast %max3A_732 : i32 to vector<16xi32>
              %max3A_734 = arith.maxsi %sub3A_731, %max3A_733 : vector<16xi32>
              %broadcast_in_dim3A_735 = arith.constant 1 : i32
              %broadcast_in_dim3A_736 = vector.broadcast %broadcast_in_dim3A_735 : i32 to vector<16xi32>
              %get3A_737 = arith.constant 0 : index
              %get3A_738 = tpu.vector_load %arg26[%get3A_737] {strides = array<i32>} : memref<16xf32, #tpu.memory_space<vmem>>, vector<16xf32>,
              %get3A_739 = vector.shape_cast %get3A_738 : vector<16xf32> to vector<16xf32>
              %get3A_740 = arith.constant 0 : index
              %get3A_741 = tpu.vector_load %arg27[%get3A_740] {strides = array<i32>} : memref<16xi32, #tpu.memory_space<vmem>>, vector<16xi32>,
              %get3A_742 = vector.shape_cast %get3A_741 : vector<16xi32> to vector<16xi32>
              %scan3A_743 = arith.constant 0 : i32
              %scan3A_744 = arith.constant 8 : i32
              %scan3A_745 = arith.addi %scan3A_743, %scan3A_744 : i32
              %scan3A_746 = arith.constant 1 : i32
              %scan3A_747:2 = scf.for %scan3A_767 = %scan3A_743 to %scan3A_745 step %scan3A_746 iter_args(%scan3A_768 = %get3A_739, %scan3A_769 = %get3A_742) -> (vector<16xf32>, vector<16xi32>)  : i32 {
                %mul3A_770 = arith.constant 2 : i32
                %mul3A_771 = arith.muli %mul3A_770, %scan3A_767 : i32
                %add3A_772 = arith.constant 1 : i32
                %add3A_773 = arith.addi %mul3A_771, %add3A_772 : i32
                %mul3A_774 = arith.constant 2 : i32
                %mul3A_775 = arith.muli %mul3A_774, %scan3A_767 : i32
                %broadcast_in_dim3A_776 = vector.broadcast %mul3A_775 : i32 to vector<16xi32>
                %broadcast_in_dim3A_777 = vector.shape_cast %broadcast_in_dim3A_776 : vector<16xi32> to vector<16x1xi32>
                %gather3A_778 = vector.shape_cast %broadcast_in_dim3A_777 : vector<16x1xi32> to vector<16xi32>
                %gather3A_779 = tpu.dynamic_gather %select_n3A_728[%gather3A_778] in [0] : vector<16xf32>, vector<16xi32> -> vector<16xf32>
                %broadcast_in_dim3A_780 = vector.shape_cast %broadcast_in_dim3A_776 : vector<16xi32> to vector<16x1xi32>
                %gather3A_781 = vector.shape_cast %broadcast_in_dim3A_780 : vector<16x1xi32> to vector<16xi32>
                %gather3A_782 = tpu.dynamic_gather %add3A_725[%gather3A_781] in [0] : vector<16xi32>, vector<16xi32> -> vector<16xi32>
                %lt3A = arith.cmpf olt, %scan3A_768, %gather3A_779 : vector<16xf32>
                %jit3A_783 = arith.constant 1.000000e+00 : f32
                %jit3A_784 = arith.constant 0.000000e+00 : f32
                %broadcast_in_dim3A_785 = vector.broadcast %jit3A_783 : f32 to vector<16xf32>
                %broadcast_in_dim3A_786 = vector.broadcast %jit3A_784 : f32 to vector<16xf32>
                %select_n3A_787 = arith.select %lt3A, %broadcast_in_dim3A_785, %broadcast_in_dim3A_786 : vector<16xi1>, vector<16xf32>
                %eq3A_788 = arith.cmpf oeq, %scan3A_768, %gather3A_779 : vector<16xf32>
                %jit3A_789 = arith.constant 1.000000e+00 : f32
                %jit3A_790 = arith.constant 0.000000e+00 : f32
                %broadcast_in_dim3A_791 = vector.broadcast %jit3A_789 : f32 to vector<16xf32>
                %broadcast_in_dim3A_792 = vector.broadcast %jit3A_790 : f32 to vector<16xf32>
                %select_n3A_793 = arith.select %eq3A_788, %broadcast_in_dim3A_791, %broadcast_in_dim3A_792 : vector<16xi1>, vector<16xf32>
                %lt3A_794 = arith.cmpi slt, %scan3A_769, %gather3A_782 : vector<16xi32>
                %broadcast_in_dim3A_795 = vector.broadcast %scan3A_88 : i32 to vector<16xi32>
                %broadcast_in_dim3A_796 = vector.broadcast %scan3A_89 : i32 to vector<16xi32>
                %select_n3A_797 = arith.select %lt3A_794, %broadcast_in_dim3A_795, %broadcast_in_dim3A_796 : vector<16xi1>, vector<16xi32>
                %convert_element_type3A_798 = arith.fptosi %select_n3A_787 : vector<16xf32> to vector<16xi32>
                %convert_element_type3A_799 = arith.fptosi %select_n3A_793 : vector<16xf32> to vector<16xi32>
                %and3A = arith.andi %convert_element_type3A_799, %select_n3A_797 : vector<16xi32>
                %or3A = arith.ori %convert_element_type3A_798, %and3A : vector<16xi32>
                %eq3A_800 = arith.constant 0 : i32
                %eq3A_801 = vector.broadcast %eq3A_800 : i32 to vector<16xi32>
                %eq3A_802 = arith.cmpi eq, %iota3A, %eq3A_801 : vector<16xi32>
                %broadcast_in_dim3A_803 = vector.shape_cast %max3A_734 : vector<16xi32> to vector<16x1xi32>
                %gather3A_804 = vector.shape_cast %broadcast_in_dim3A_803 : vector<16x1xi32> to vector<16xi32>
                %gather3A_805 = tpu.dynamic_gather %or3A[%gather3A_804] in [0] : vector<16xi32>, vector<16xi32> -> vector<16xi32>
                %broadcast_in_dim3A_806 = vector.broadcast %scan3A_88 : i32 to vector<16xi32>
                %select_n3A_807 = arith.select %eq3A_802, %broadcast_in_dim3A_806, %gather3A_805 : vector<16xi1>, vector<16xi32>
                %sub3A_808 = arith.subi %broadcast_in_dim3A_736, %or3A : vector<16xi32>
                %and3A_809 = arith.andi %sub3A_808, %select_n3A_807 : vector<16xi32>
                %convert_element_type3A_810 = arith.sitofp %or3A : vector<16xi32> to vector<16xf32>
                %convert_element_type3A_811 = arith.sitofp %and3A_809 : vector<16xi32> to vector<16xf32>
                %broadcast_in_dim3A_812 = vector.shape_cast %max3A_734 : vector<16xi32> to vector<16x1xi32>
                %gather3A_813 = vector.shape_cast %broadcast_in_dim3A_812 : vector<16x1xi32> to vector<16xi32>
                %gather3A_814 = tpu.dynamic_gather %scan3A_768[%gather3A_813] in [0] : vector<16xf32>, vector<16xi32> -> vector<16xf32>
                %broadcast_in_dim3A_815 = vector.shape_cast %max3A_734 : vector<16xi32> to vector<16x1xi32>
                %gather3A_816 = vector.shape_cast %broadcast_in_dim3A_815 : vector<16x1xi32> to vector<16xi32>
                %gather3A_817 = tpu.dynamic_gather %scan3A_769[%gather3A_816] in [0] : vector<16xi32>, vector<16xi32> -> vector<16xi32>
                %gt3A_818 = arith.constant 0.000000e+00 : f32
                %gt3A_819 = vector.broadcast %gt3A_818 : f32 to vector<16xf32>
                %gt3A_820 = arith.cmpf ogt, %convert_element_type3A_810, %gt3A_819 : vector<16xf32>
                %gt3A_821 = arith.constant 0.000000e+00 : f32
                %gt3A_822 = vector.broadcast %gt3A_821 : f32 to vector<16xf32>
                %gt3A_823 = arith.cmpf ogt, %convert_element_type3A_811, %gt3A_822 : vector<16xf32>
                %select_n3A_824 = arith.select %gt3A_823, %gather3A_779, %gather3A_814 : vector<16xi1>, vector<16xf32>
                %select_n3A_825 = arith.select %gt3A_820, %scan3A_768, %select_n3A_824 : vector<16xi1>, vector<16xf32>
                %gt3A_826 = arith.constant 0 : i32
                %gt3A_827 = vector.broadcast %gt3A_826 : i32 to vector<16xi32>
                %gt3A_828 = arith.cmpi sgt, %or3A, %gt3A_827 : vector<16xi32>
                %gt3A_829 = arith.constant 0 : i32
                %gt3A_830 = vector.broadcast %gt3A_829 : i32 to vector<16xi32>
                %gt3A_831 = arith.cmpi sgt, %and3A_809, %gt3A_830 : vector<16xi32>
                %select_n3A_832 = arith.select %gt3A_831, %gather3A_782, %gather3A_817 : vector<16xi1>, vector<16xi32>
                %select_n3A_833 = arith.select %gt3A_828, %scan3A_769, %select_n3A_832 : vector<16xi1>, vector<16xi32>
                %broadcast_in_dim3A_834 = vector.broadcast %add3A_773 : i32 to vector<16xi32>
                %broadcast_in_dim3A_835 = vector.shape_cast %broadcast_in_dim3A_834 : vector<16xi32> to vector<16x1xi32>
                %gather3A_836 = vector.shape_cast %broadcast_in_dim3A_835 : vector<16x1xi32> to vector<16xi32>
                %gather3A_837 = tpu.dynamic_gather %select_n3A_728[%gather3A_836] in [0] : vector<16xf32>, vector<16xi32> -> vector<16xf32>
                %broadcast_in_dim3A_838 = vector.shape_cast %broadcast_in_dim3A_834 : vector<16xi32> to vector<16x1xi32>
                %gather3A_839 = vector.shape_cast %broadcast_in_dim3A_838 : vector<16x1xi32> to vector<16xi32>
                %gather3A_840 = tpu.dynamic_gather %add3A_725[%gather3A_839] in [0] : vector<16xi32>, vector<16xi32> -> vector<16xi32>
                %lt3A_841 = arith.cmpf olt, %select_n3A_825, %gather3A_837 : vector<16xf32>
                %jit3A_842 = arith.constant 1.000000e+00 : f32
                %jit3A_843 = arith.constant 0.000000e+00 : f32
                %broadcast_in_dim3A_844 = vector.broadcast %jit3A_842 : f32 to vector<16xf32>
                %broadcast_in_dim3A_845 = vector.broadcast %jit3A_843 : f32 to vector<16xf32>
                %select_n3A_846 = arith.select %lt3A_841, %broadcast_in_dim3A_844, %broadcast_in_dim3A_845 : vector<16xi1>, vector<16xf32>
                %eq3A_847 = arith.cmpf oeq, %select_n3A_825, %gather3A_837 : vector<16xf32>
                %jit3A_848 = arith.constant 1.000000e+00 : f32
                %jit3A_849 = arith.constant 0.000000e+00 : f32
                %broadcast_in_dim3A_850 = vector.broadcast %jit3A_848 : f32 to vector<16xf32>
                %broadcast_in_dim3A_851 = vector.broadcast %jit3A_849 : f32 to vector<16xf32>
                %select_n3A_852 = arith.select %eq3A_847, %broadcast_in_dim3A_850, %broadcast_in_dim3A_851 : vector<16xi1>, vector<16xf32>
                %lt3A_853 = arith.cmpi slt, %select_n3A_833, %gather3A_840 : vector<16xi32>
                %broadcast_in_dim3A_854 = vector.broadcast %scan3A_88 : i32 to vector<16xi32>
                %broadcast_in_dim3A_855 = vector.broadcast %scan3A_89 : i32 to vector<16xi32>
                %select_n3A_856 = arith.select %lt3A_853, %broadcast_in_dim3A_854, %broadcast_in_dim3A_855 : vector<16xi1>, vector<16xi32>
                %convert_element_type3A_857 = arith.fptosi %select_n3A_846 : vector<16xf32> to vector<16xi32>
                %convert_element_type3A_858 = arith.fptosi %select_n3A_852 : vector<16xf32> to vector<16xi32>
                %and3A_859 = arith.andi %convert_element_type3A_858, %select_n3A_856 : vector<16xi32>
                %or3A_860 = arith.ori %convert_element_type3A_857, %and3A_859 : vector<16xi32>
                %eq3A_861 = arith.constant 0 : i32
                %eq3A_862 = vector.broadcast %eq3A_861 : i32 to vector<16xi32>
                %eq3A_863 = arith.cmpi eq, %iota3A, %eq3A_862 : vector<16xi32>
                %broadcast_in_dim3A_864 = vector.shape_cast %max3A_734 : vector<16xi32> to vector<16x1xi32>
                %gather3A_865 = vector.shape_cast %broadcast_in_dim3A_864 : vector<16x1xi32> to vector<16xi32>
                %gather3A_866 = tpu.dynamic_gather %or3A_860[%gather3A_865] in [0] : vector<16xi32>, vector<16xi32> -> vector<16xi32>
                %broadcast_in_dim3A_867 = vector.broadcast %scan3A_88 : i32 to vector<16xi32>
                %select_n3A_868 = arith.select %eq3A_863, %broadcast_in_dim3A_867, %gather3A_866 : vector<16xi1>, vector<16xi32>
                %sub3A_869 = arith.subi %broadcast_in_dim3A_736, %or3A_860 : vector<16xi32>
                %and3A_870 = arith.andi %sub3A_869, %select_n3A_868 : vector<16xi32>
                %convert_element_type3A_871 = arith.sitofp %or3A_860 : vector<16xi32> to vector<16xf32>
                %convert_element_type3A_872 = arith.sitofp %and3A_870 : vector<16xi32> to vector<16xf32>
                %broadcast_in_dim3A_873 = vector.shape_cast %max3A_734 : vector<16xi32> to vector<16x1xi32>
                %gather3A_874 = vector.shape_cast %broadcast_in_dim3A_873 : vector<16x1xi32> to vector<16xi32>
                %gather3A_875 = tpu.dynamic_gather %select_n3A_825[%gather3A_874] in [0] : vector<16xf32>, vector<16xi32> -> vector<16xf32>
                %broadcast_in_dim3A_876 = vector.shape_cast %max3A_734 : vector<16xi32> to vector<16x1xi32>
                %gather3A_877 = vector.shape_cast %broadcast_in_dim3A_876 : vector<16x1xi32> to vector<16xi32>
                %gather3A_878 = tpu.dynamic_gather %select_n3A_833[%gather3A_877] in [0] : vector<16xi32>, vector<16xi32> -> vector<16xi32>
                %gt3A_879 = arith.constant 0.000000e+00 : f32
                %gt3A_880 = vector.broadcast %gt3A_879 : f32 to vector<16xf32>
                %gt3A_881 = arith.cmpf ogt, %convert_element_type3A_871, %gt3A_880 : vector<16xf32>
                %gt3A_882 = arith.constant 0.000000e+00 : f32
                %gt3A_883 = vector.broadcast %gt3A_882 : f32 to vector<16xf32>
                %gt3A_884 = arith.cmpf ogt, %convert_element_type3A_872, %gt3A_883 : vector<16xf32>
                %select_n3A_885 = arith.select %gt3A_884, %gather3A_837, %gather3A_875 : vector<16xi1>, vector<16xf32>
                %select_n3A_886 = arith.select %gt3A_881, %select_n3A_825, %select_n3A_885 : vector<16xi1>, vector<16xf32>
                %gt3A_887 = arith.constant 0 : i32
                %gt3A_888 = vector.broadcast %gt3A_887 : i32 to vector<16xi32>
                %gt3A_889 = arith.cmpi sgt, %or3A_860, %gt3A_888 : vector<16xi32>
                %gt3A_890 = arith.constant 0 : i32
                %gt3A_891 = vector.broadcast %gt3A_890 : i32 to vector<16xi32>
                %gt3A_892 = arith.cmpi sgt, %and3A_870, %gt3A_891 : vector<16xi32>
                %select_n3A_893 = arith.select %gt3A_892, %gather3A_840, %gather3A_878 : vector<16xi1>, vector<16xi32>
                %select_n3A_894 = arith.select %gt3A_889, %select_n3A_833, %select_n3A_893 : vector<16xi1>, vector<16xi32>
                scf.yield %select_n3A_886, %select_n3A_894 : vector<16xf32>, vector<16xi32>
              }
              %scan3A_748 = arith.constant 8 : i32
              %swap3A_749 = arith.constant 0 : index
              %swap3A_750 = tpu.vector_load %arg26[%swap3A_749] {strides = array<i32>} : memref<16xf32, #tpu.memory_space<vmem>>, vector<16xf32>,
              %swap3A_751 = vector.shape_cast %swap3A_750 : vector<16xf32> to vector<16xf32>
              %swap3A_752 = vector.shape_cast %scan3A_747#0 : vector<16xf32> to vector<16xf32>
              tpu.vector_store %arg26[%swap3A_749], %swap3A_752 {strides = array<i32>} : memref<16xf32, #tpu.memory_space<vmem>>, vector<16xf32>,
              %swap3A_753 = arith.constant 0 : index
              %swap3A_754 = tpu.vector_load %arg27[%swap3A_753] {strides = array<i32>} : memref<16xi32, #tpu.memory_space<vmem>>, vector<16xi32>,
              %swap3A_755 = vector.shape_cast %swap3A_754 : vector<16xi32> to vector<16xi32>
              %swap3A_756 = vector.shape_cast %scan3A_747#1 : vector<16xi32> to vector<16xi32>
              tpu.vector_store %arg27[%swap3A_753], %swap3A_756 {strides = array<i32>} : memref<16xi32, #tpu.memory_space<vmem>>, vector<16xi32>,
              %slice3A_757 = vector.extract_strided_slice %scan3A_747#0 {offsets = [15], sizes = [1], strides = [1]} : vector<16xf32> to vector<1xf32>
              %squeeze3A_758 = vector.extract %slice3A_757[0] : f32 from vector<1xf32>
              %eq3A = arith.constant 0.000000e+00 : f32
              %eq3A_759 = arith.cmpf oeq, %squeeze3A_758, %eq3A : f32
              %min3A_760 = arith.constant 6.250000e-02 : f32
              %min3A_761 = arith.minimumf %squeeze3A_758, %min3A_760 : f32
              %jit3A_762 = arith.constant -1.000000e+00 : f32
              %select_n3A_763 = arith.select %eq3A_759, %jit3A_762, %min3A_761 : f32
              %swap3A_764 = arith.constant 0 : i32
              %swap3A_765 = arith.index_cast %swap3A_764 : i32 to index
              %swap3A_766 = memref.load %arg28[%swap3A_765] : memref<1xf32, #tpu.memory_space<smem>>
              memref.store %select_n3A_763, %arg28[%swap3A_765] : memref<1xf32, #tpu.memory_space<smem>>
            } else {
            }
            %xor3A_537 = arith.constant 8 : i32
            %xor3A_538 = vector.broadcast %xor3A_537 : i32 to vector<16xi32>
            %xor3A_539 = arith.xori %iota3A, %xor3A_538 : vector<16xi32>
            %broadcast_in_dim3A_540 = vector.shape_cast %xor3A_539 : vector<16xi32> to vector<16x1xi32>
            %gather3A_541 = vector.shape_cast %broadcast_in_dim3A_540 : vector<16x1xi32> to vector<16xi32>
            %gather3A_542 = tpu.dynamic_gather %max3A_277[%gather3A_541] in [0] : vector<16xf32>, vector<16xi32> -> vector<16xf32>
            %min3A_543 = arith.minimumf %max3A_277, %gather3A_542 : vector<16xf32>
            %xor3A_544 = arith.constant 4 : i32
            %xor3A_545 = vector.broadcast %xor3A_544 : i32 to vector<16xi32>
            %xor3A_546 = arith.xori %iota3A, %xor3A_545 : vector<16xi32>
            %broadcast_in_dim3A_547 = vector.shape_cast %xor3A_546 : vector<16xi32> to vector<16x1xi32>
            %gather3A_548 = vector.shape_cast %broadcast_in_dim3A_547 : vector<16x1xi32> to vector<16xi32>
            %gather3A_549 = tpu.dynamic_gather %min3A_543[%gather3A_548] in [0] : vector<16xf32>, vector<16xi32> -> vector<16xf32>
            %min3A_550 = arith.minimumf %min3A_543, %gather3A_549 : vector<16xf32>
            %xor3A_551 = arith.constant 2 : i32
            %xor3A_552 = vector.broadcast %xor3A_551 : i32 to vector<16xi32>
            %xor3A_553 = arith.xori %iota3A, %xor3A_552 : vector<16xi32>
            %broadcast_in_dim3A_554 = vector.shape_cast %xor3A_553 : vector<16xi32> to vector<16x1xi32>
            %gather3A_555 = vector.shape_cast %broadcast_in_dim3A_554 : vector<16x1xi32> to vector<16xi32>
            %gather3A_556 = tpu.dynamic_gather %min3A_550[%gather3A_555] in [0] : vector<16xf32>, vector<16xi32> -> vector<16xf32>
            %min3A_557 = arith.minimumf %min3A_550, %gather3A_556 : vector<16xf32>
            %xor3A_558 = arith.constant 1 : i32
            %xor3A_559 = vector.broadcast %xor3A_558 : i32 to vector<16xi32>
            %xor3A_560 = arith.xori %iota3A, %xor3A_559 : vector<16xi32>
            %broadcast_in_dim3A_561 = vector.shape_cast %xor3A_560 : vector<16xi32> to vector<16x1xi32>
            %gather3A_562 = vector.shape_cast %broadcast_in_dim3A_561 : vector<16x1xi32> to vector<16xi32>
            %gather3A_563 = tpu.dynamic_gather %min3A_557[%gather3A_562] in [0] : vector<16xf32>, vector<16xi32> -> vector<16xf32>
            %min3A_564 = arith.minimumf %min3A_557, %gather3A_563 : vector<16xf32>
            %slice3A_565 = vector.extract_strided_slice %min3A_564 {offsets = [0], sizes = [1], strides = [1]} : vector<16xf32> to vector<1xf32>
            %squeeze3A_566 = vector.extract %slice3A_565[0] : f32 from vector<1xf32>
            %get3A_567 = arith.constant 0 : i32
            %get3A_568 = arith.index_cast %get3A_567 : i32 to index
            %get3A_569 = memref.load %arg28[%get3A_568] : memref<1xf32, #tpu.memory_space<smem>>
            %le3A_570 = arith.cmpf ole, %squeeze3A_566, %get3A_569 : f32
            %convert_element_type3A_571 = arith.extui %le3A_570 : i1 to i32
            %cond3A_572 = arith.constant 0 : i32
            %cond3A_573 = arith.cmpi ne, %convert_element_type3A_571, %cond3A_572 : i32
            scf.if %cond3A_573 {
              %add3A_722 = arith.constant 48 : i32
              %add3A_723 = arith.addi %mul3A_170, %add3A_722 : i32
              %broadcast_in_dim3A_724 = vector.broadcast %add3A_723 : i32 to vector<16xi32>
              %add3A_725 = arith.addi %iota3A, %broadcast_in_dim3A_724 : vector<16xi32>
              %broadcast_in_dim3A_726 = vector.broadcast %get3A_569 : f32 to vector<16xf32>
              %le3A_727 = arith.cmpf ole, %max3A_277, %broadcast_in_dim3A_726 : vector<16xf32>
              %select_n3A_728 = arith.select %le3A_727, %max3A_277, %broadcast_in_dim3A_3 : vector<16xi1>, vector<16xf32>
              %sub3A_729 = arith.constant 1 : i32
              %sub3A_730 = vector.broadcast %sub3A_729 : i32 to vector<16xi32>
              %sub3A_731 = arith.subi %iota3A, %sub3A_730 : vector<16xi32>
              %max3A_732 = arith.constant 0 : i32
              %max3A_733 = vector.broadcast %max3A_732 : i32 to vector<16xi32>
              %max3A_734 = arith.maxsi %sub3A_731, %max3A_733 : vector<16xi32>
              %broadcast_in_dim3A_735 = arith.constant 1 : i32
              %broadcast_in_dim3A_736 = vector.broadcast %broadcast_in_dim3A_735 : i32 to vector<16xi32>
              %get3A_737 = arith.constant 0 : index
              %get3A_738 = tpu.vector_load %arg26[%get3A_737] {strides = array<i32>} : memref<16xf32, #tpu.memory_space<vmem>>, vector<16xf32>,
              %get3A_739 = vector.shape_cast %get3A_738 : vector<16xf32> to vector<16xf32>
              %get3A_740 = arith.constant 0 : index
              %get3A_741 = tpu.vector_load %arg27[%get3A_740] {strides = array<i32>} : memref<16xi32, #tpu.memory_space<vmem>>, vector<16xi32>,
              %get3A_742 = vector.shape_cast %get3A_741 : vector<16xi32> to vector<16xi32>
              %scan3A_743 = arith.constant 0 : i32
              %scan3A_744 = arith.constant 8 : i32
              %scan3A_745 = arith.addi %scan3A_743, %scan3A_744 : i32
              %scan3A_746 = arith.constant 1 : i32
              %scan3A_747:2 = scf.for %scan3A_767 = %scan3A_743 to %scan3A_745 step %scan3A_746 iter_args(%scan3A_768 = %get3A_739, %scan3A_769 = %get3A_742) -> (vector<16xf32>, vector<16xi32>)  : i32 {
                %mul3A_770 = arith.constant 2 : i32
                %mul3A_771 = arith.muli %mul3A_770, %scan3A_767 : i32
                %add3A_772 = arith.constant 1 : i32
                %add3A_773 = arith.addi %mul3A_771, %add3A_772 : i32
                %mul3A_774 = arith.constant 2 : i32
                %mul3A_775 = arith.muli %mul3A_774, %scan3A_767 : i32
                %broadcast_in_dim3A_776 = vector.broadcast %mul3A_775 : i32 to vector<16xi32>
                %broadcast_in_dim3A_777 = vector.shape_cast %broadcast_in_dim3A_776 : vector<16xi32> to vector<16x1xi32>
                %gather3A_778 = vector.shape_cast %broadcast_in_dim3A_777 : vector<16x1xi32> to vector<16xi32>
                %gather3A_779 = tpu.dynamic_gather %select_n3A_728[%gather3A_778] in [0] : vector<16xf32>, vector<16xi32> -> vector<16xf32>
                %broadcast_in_dim3A_780 = vector.shape_cast %broadcast_in_dim3A_776 : vector<16xi32> to vector<16x1xi32>
                %gather3A_781 = vector.shape_cast %broadcast_in_dim3A_780 : vector<16x1xi32> to vector<16xi32>
                %gather3A_782 = tpu.dynamic_gather %add3A_725[%gather3A_781] in [0] : vector<16xi32>, vector<16xi32> -> vector<16xi32>
                %lt3A = arith.cmpf olt, %scan3A_768, %gather3A_779 : vector<16xf32>
                %jit3A_783 = arith.constant 1.000000e+00 : f32
                %jit3A_784 = arith.constant 0.000000e+00 : f32
                %broadcast_in_dim3A_785 = vector.broadcast %jit3A_783 : f32 to vector<16xf32>
                %broadcast_in_dim3A_786 = vector.broadcast %jit3A_784 : f32 to vector<16xf32>
                %select_n3A_787 = arith.select %lt3A, %broadcast_in_dim3A_785, %broadcast_in_dim3A_786 : vector<16xi1>, vector<16xf32>
                %eq3A_788 = arith.cmpf oeq, %scan3A_768, %gather3A_779 : vector<16xf32>
                %jit3A_789 = arith.constant 1.000000e+00 : f32
                %jit3A_790 = arith.constant 0.000000e+00 : f32
                %broadcast_in_dim3A_791 = vector.broadcast %jit3A_789 : f32 to vector<16xf32>
                %broadcast_in_dim3A_792 = vector.broadcast %jit3A_790 : f32 to vector<16xf32>
                %select_n3A_793 = arith.select %eq3A_788, %broadcast_in_dim3A_791, %broadcast_in_dim3A_792 : vector<16xi1>, vector<16xf32>
                %lt3A_794 = arith.cmpi slt, %scan3A_769, %gather3A_782 : vector<16xi32>
                %broadcast_in_dim3A_795 = vector.broadcast %scan3A_88 : i32 to vector<16xi32>
                %broadcast_in_dim3A_796 = vector.broadcast %scan3A_89 : i32 to vector<16xi32>
                %select_n3A_797 = arith.select %lt3A_794, %broadcast_in_dim3A_795, %broadcast_in_dim3A_796 : vector<16xi1>, vector<16xi32>
                %convert_element_type3A_798 = arith.fptosi %select_n3A_787 : vector<16xf32> to vector<16xi32>
                %convert_element_type3A_799 = arith.fptosi %select_n3A_793 : vector<16xf32> to vector<16xi32>
                %and3A = arith.andi %convert_element_type3A_799, %select_n3A_797 : vector<16xi32>
                %or3A = arith.ori %convert_element_type3A_798, %and3A : vector<16xi32>
                %eq3A_800 = arith.constant 0 : i32
                %eq3A_801 = vector.broadcast %eq3A_800 : i32 to vector<16xi32>
                %eq3A_802 = arith.cmpi eq, %iota3A, %eq3A_801 : vector<16xi32>
                %broadcast_in_dim3A_803 = vector.shape_cast %max3A_734 : vector<16xi32> to vector<16x1xi32>
                %gather3A_804 = vector.shape_cast %broadcast_in_dim3A_803 : vector<16x1xi32> to vector<16xi32>
                %gather3A_805 = tpu.dynamic_gather %or3A[%gather3A_804] in [0] : vector<16xi32>, vector<16xi32> -> vector<16xi32>
                %broadcast_in_dim3A_806 = vector.broadcast %scan3A_88 : i32 to vector<16xi32>
                %select_n3A_807 = arith.select %eq3A_802, %broadcast_in_dim3A_806, %gather3A_805 : vector<16xi1>, vector<16xi32>
                %sub3A_808 = arith.subi %broadcast_in_dim3A_736, %or3A : vector<16xi32>
                %and3A_809 = arith.andi %sub3A_808, %select_n3A_807 : vector<16xi32>
                %convert_element_type3A_810 = arith.sitofp %or3A : vector<16xi32> to vector<16xf32>
                %convert_element_type3A_811 = arith.sitofp %and3A_809 : vector<16xi32> to vector<16xf32>
                %broadcast_in_dim3A_812 = vector.shape_cast %max3A_734 : vector<16xi32> to vector<16x1xi32>
                %gather3A_813 = vector.shape_cast %broadcast_in_dim3A_812 : vector<16x1xi32> to vector<16xi32>
                %gather3A_814 = tpu.dynamic_gather %scan3A_768[%gather3A_813] in [0] : vector<16xf32>, vector<16xi32> -> vector<16xf32>
                %broadcast_in_dim3A_815 = vector.shape_cast %max3A_734 : vector<16xi32> to vector<16x1xi32>
                %gather3A_816 = vector.shape_cast %broadcast_in_dim3A_815 : vector<16x1xi32> to vector<16xi32>
                %gather3A_817 = tpu.dynamic_gather %scan3A_769[%gather3A_816] in [0] : vector<16xi32>, vector<16xi32> -> vector<16xi32>
                %gt3A_818 = arith.constant 0.000000e+00 : f32
                %gt3A_819 = vector.broadcast %gt3A_818 : f32 to vector<16xf32>
                %gt3A_820 = arith.cmpf ogt, %convert_element_type3A_810, %gt3A_819 : vector<16xf32>
                %gt3A_821 = arith.constant 0.000000e+00 : f32
                %gt3A_822 = vector.broadcast %gt3A_821 : f32 to vector<16xf32>
                %gt3A_823 = arith.cmpf ogt, %convert_element_type3A_811, %gt3A_822 : vector<16xf32>
                %select_n3A_824 = arith.select %gt3A_823, %gather3A_779, %gather3A_814 : vector<16xi1>, vector<16xf32>
                %select_n3A_825 = arith.select %gt3A_820, %scan3A_768, %select_n3A_824 : vector<16xi1>, vector<16xf32>
                %gt3A_826 = arith.constant 0 : i32
                %gt3A_827 = vector.broadcast %gt3A_826 : i32 to vector<16xi32>
                %gt3A_828 = arith.cmpi sgt, %or3A, %gt3A_827 : vector<16xi32>
                %gt3A_829 = arith.constant 0 : i32
                %gt3A_830 = vector.broadcast %gt3A_829 : i32 to vector<16xi32>
                %gt3A_831 = arith.cmpi sgt, %and3A_809, %gt3A_830 : vector<16xi32>
                %select_n3A_832 = arith.select %gt3A_831, %gather3A_782, %gather3A_817 : vector<16xi1>, vector<16xi32>
                %select_n3A_833 = arith.select %gt3A_828, %scan3A_769, %select_n3A_832 : vector<16xi1>, vector<16xi32>
                %broadcast_in_dim3A_834 = vector.broadcast %add3A_773 : i32 to vector<16xi32>
                %broadcast_in_dim3A_835 = vector.shape_cast %broadcast_in_dim3A_834 : vector<16xi32> to vector<16x1xi32>
                %gather3A_836 = vector.shape_cast %broadcast_in_dim3A_835 : vector<16x1xi32> to vector<16xi32>
                %gather3A_837 = tpu.dynamic_gather %select_n3A_728[%gather3A_836] in [0] : vector<16xf32>, vector<16xi32> -> vector<16xf32>
                %broadcast_in_dim3A_838 = vector.shape_cast %broadcast_in_dim3A_834 : vector<16xi32> to vector<16x1xi32>
                %gather3A_839 = vector.shape_cast %broadcast_in_dim3A_838 : vector<16x1xi32> to vector<16xi32>
                %gather3A_840 = tpu.dynamic_gather %add3A_725[%gather3A_839] in [0] : vector<16xi32>, vector<16xi32> -> vector<16xi32>
                %lt3A_841 = arith.cmpf olt, %select_n3A_825, %gather3A_837 : vector<16xf32>
                %jit3A_842 = arith.constant 1.000000e+00 : f32
                %jit3A_843 = arith.constant 0.000000e+00 : f32
                %broadcast_in_dim3A_844 = vector.broadcast %jit3A_842 : f32 to vector<16xf32>
                %broadcast_in_dim3A_845 = vector.broadcast %jit3A_843 : f32 to vector<16xf32>
                %select_n3A_846 = arith.select %lt3A_841, %broadcast_in_dim3A_844, %broadcast_in_dim3A_845 : vector<16xi1>, vector<16xf32>
                %eq3A_847 = arith.cmpf oeq, %select_n3A_825, %gather3A_837 : vector<16xf32>
                %jit3A_848 = arith.constant 1.000000e+00 : f32
                %jit3A_849 = arith.constant 0.000000e+00 : f32
                %broadcast_in_dim3A_850 = vector.broadcast %jit3A_848 : f32 to vector<16xf32>
                %broadcast_in_dim3A_851 = vector.broadcast %jit3A_849 : f32 to vector<16xf32>
                %select_n3A_852 = arith.select %eq3A_847, %broadcast_in_dim3A_850, %broadcast_in_dim3A_851 : vector<16xi1>, vector<16xf32>
                %lt3A_853 = arith.cmpi slt, %select_n3A_833, %gather3A_840 : vector<16xi32>
                %broadcast_in_dim3A_854 = vector.broadcast %scan3A_88 : i32 to vector<16xi32>
                %broadcast_in_dim3A_855 = vector.broadcast %scan3A_89 : i32 to vector<16xi32>
                %select_n3A_856 = arith.select %lt3A_853, %broadcast_in_dim3A_854, %broadcast_in_dim3A_855 : vector<16xi1>, vector<16xi32>
                %convert_element_type3A_857 = arith.fptosi %select_n3A_846 : vector<16xf32> to vector<16xi32>
                %convert_element_type3A_858 = arith.fptosi %select_n3A_852 : vector<16xf32> to vector<16xi32>
                %and3A_859 = arith.andi %convert_element_type3A_858, %select_n3A_856 : vector<16xi32>
                %or3A_860 = arith.ori %convert_element_type3A_857, %and3A_859 : vector<16xi32>
                %eq3A_861 = arith.constant 0 : i32
                %eq3A_862 = vector.broadcast %eq3A_861 : i32 to vector<16xi32>
                %eq3A_863 = arith.cmpi eq, %iota3A, %eq3A_862 : vector<16xi32>
                %broadcast_in_dim3A_864 = vector.shape_cast %max3A_734 : vector<16xi32> to vector<16x1xi32>
                %gather3A_865 = vector.shape_cast %broadcast_in_dim3A_864 : vector<16x1xi32> to vector<16xi32>
                %gather3A_866 = tpu.dynamic_gather %or3A_860[%gather3A_865] in [0] : vector<16xi32>, vector<16xi32> -> vector<16xi32>
                %broadcast_in_dim3A_867 = vector.broadcast %scan3A_88 : i32 to vector<16xi32>
                %select_n3A_868 = arith.select %eq3A_863, %broadcast_in_dim3A_867, %gather3A_866 : vector<16xi1>, vector<16xi32>
                %sub3A_869 = arith.subi %broadcast_in_dim3A_736, %or3A_860 : vector<16xi32>
                %and3A_870 = arith.andi %sub3A_869, %select_n3A_868 : vector<16xi32>
                %convert_element_type3A_871 = arith.sitofp %or3A_860 : vector<16xi32> to vector<16xf32>
                %convert_element_type3A_872 = arith.sitofp %and3A_870 : vector<16xi32> to vector<16xf32>
                %broadcast_in_dim3A_873 = vector.shape_cast %max3A_734 : vector<16xi32> to vector<16x1xi32>
                %gather3A_874 = vector.shape_cast %broadcast_in_dim3A_873 : vector<16x1xi32> to vector<16xi32>
                %gather3A_875 = tpu.dynamic_gather %select_n3A_825[%gather3A_874] in [0] : vector<16xf32>, vector<16xi32> -> vector<16xf32>
                %broadcast_in_dim3A_876 = vector.shape_cast %max3A_734 : vector<16xi32> to vector<16x1xi32>
                %gather3A_877 = vector.shape_cast %broadcast_in_dim3A_876 : vector<16x1xi32> to vector<16xi32>
                %gather3A_878 = tpu.dynamic_gather %select_n3A_833[%gather3A_877] in [0] : vector<16xi32>, vector<16xi32> -> vector<16xi32>
                %gt3A_879 = arith.constant 0.000000e+00 : f32
                %gt3A_880 = vector.broadcast %gt3A_879 : f32 to vector<16xf32>
                %gt3A_881 = arith.cmpf ogt, %convert_element_type3A_871, %gt3A_880 : vector<16xf32>
                %gt3A_882 = arith.constant 0.000000e+00 : f32
                %gt3A_883 = vector.broadcast %gt3A_882 : f32 to vector<16xf32>
                %gt3A_884 = arith.cmpf ogt, %convert_element_type3A_872, %gt3A_883 : vector<16xf32>
                %select_n3A_885 = arith.select %gt3A_884, %gather3A_837, %gather3A_875 : vector<16xi1>, vector<16xf32>
                %select_n3A_886 = arith.select %gt3A_881, %select_n3A_825, %select_n3A_885 : vector<16xi1>, vector<16xf32>
                %gt3A_887 = arith.constant 0 : i32
                %gt3A_888 = vector.broadcast %gt3A_887 : i32 to vector<16xi32>
                %gt3A_889 = arith.cmpi sgt, %or3A_860, %gt3A_888 : vector<16xi32>
                %gt3A_890 = arith.constant 0 : i32
                %gt3A_891 = vector.broadcast %gt3A_890 : i32 to vector<16xi32>
                %gt3A_892 = arith.cmpi sgt, %and3A_870, %gt3A_891 : vector<16xi32>
                %select_n3A_893 = arith.select %gt3A_892, %gather3A_840, %gather3A_878 : vector<16xi1>, vector<16xi32>
                %select_n3A_894 = arith.select %gt3A_889, %select_n3A_833, %select_n3A_893 : vector<16xi1>, vector<16xi32>
                scf.yield %select_n3A_886, %select_n3A_894 : vector<16xf32>, vector<16xi32>
              }
              %scan3A_748 = arith.constant 8 : i32
              %swap3A_749 = arith.constant 0 : index
              %swap3A_750 = tpu.vector_load %arg26[%swap3A_749] {strides = array<i32>} : memref<16xf32, #tpu.memory_space<vmem>>, vector<16xf32>,
              %swap3A_751 = vector.shape_cast %swap3A_750 : vector<16xf32> to vector<16xf32>
              %swap3A_752 = vector.shape_cast %scan3A_747#0 : vector<16xf32> to vector<16xf32>
              tpu.vector_store %arg26[%swap3A_749], %swap3A_752 {strides = array<i32>} : memref<16xf32, #tpu.memory_space<vmem>>, vector<16xf32>,
              %swap3A_753 = arith.constant 0 : index
              %swap3A_754 = tpu.vector_load %arg27[%swap3A_753] {strides = array<i32>} : memref<16xi32, #tpu.memory_space<vmem>>, vector<16xi32>,
              %swap3A_755 = vector.shape_cast %swap3A_754 : vector<16xi32> to vector<16xi32>
              %swap3A_756 = vector.shape_cast %scan3A_747#1 : vector<16xi32> to vector<16xi32>
              tpu.vector_store %arg27[%swap3A_753], %swap3A_756 {strides = array<i32>} : memref<16xi32, #tpu.memory_space<vmem>>, vector<16xi32>,
              %slice3A_757 = vector.extract_strided_slice %scan3A_747#0 {offsets = [15], sizes = [1], strides = [1]} : vector<16xf32> to vector<1xf32>
              %squeeze3A_758 = vector.extract %slice3A_757[0] : f32 from vector<1xf32>
              %eq3A = arith.constant 0.000000e+00 : f32
              %eq3A_759 = arith.cmpf oeq, %squeeze3A_758, %eq3A : f32
              %min3A_760 = arith.constant 6.250000e-02 : f32
              %min3A_761 = arith.minimumf %squeeze3A_758, %min3A_760 : f32
              %jit3A_762 = arith.constant -1.000000e+00 : f32
              %select_n3A_763 = arith.select %eq3A_759, %jit3A_762, %min3A_761 : f32
              %swap3A_764 = arith.constant 0 : i32
              %swap3A_765 = arith.index_cast %swap3A_764 : i32 to index
              %swap3A_766 = memref.load %arg28[%swap3A_765] : memref<1xf32, #tpu.memory_space<smem>>
              memref.store %select_n3A_763, %arg28[%swap3A_765] : memref<1xf32, #tpu.memory_space<smem>>
            } else {
            }
            %xor3A_574 = arith.constant 8 : i32
            %xor3A_575 = vector.broadcast %xor3A_574 : i32 to vector<16xi32>
            %xor3A_576 = arith.xori %iota3A, %xor3A_575 : vector<16xi32>
            %broadcast_in_dim3A_577 = vector.shape_cast %xor3A_576 : vector<16xi32> to vector<16x1xi32>
            %gather3A_578 = vector.shape_cast %broadcast_in_dim3A_577 : vector<16x1xi32> to vector<16xi32>
            %gather3A_579 = tpu.dynamic_gather %max3A_304[%gather3A_578] in [0] : vector<16xf32>, vector<16xi32> -> vector<16xf32>
            %min3A_580 = arith.minimumf %max3A_304, %gather3A_579 : vector<16xf32>
            %xor3A_581 = arith.constant 4 : i32
            %xor3A_582 = vector.broadcast %xor3A_581 : i32 to vector<16xi32>
            %xor3A_583 = arith.xori %iota3A, %xor3A_582 : vector<16xi32>
            %broadcast_in_dim3A_584 = vector.shape_cast %xor3A_583 : vector<16xi32> to vector<16x1xi32>
            %gather3A_585 = vector.shape_cast %broadcast_in_dim3A_584 : vector<16x1xi32> to vector<16xi32>
            %gather3A_586 = tpu.dynamic_gather %min3A_580[%gather3A_585] in [0] : vector<16xf32>, vector<16xi32> -> vector<16xf32>
            %min3A_587 = arith.minimumf %min3A_580, %gather3A_586 : vector<16xf32>
            %xor3A_588 = arith.constant 2 : i32
            %xor3A_589 = vector.broadcast %xor3A_588 : i32 to vector<16xi32>
            %xor3A_590 = arith.xori %iota3A, %xor3A_589 : vector<16xi32>
            %broadcast_in_dim3A_591 = vector.shape_cast %xor3A_590 : vector<16xi32> to vector<16x1xi32>
            %gather3A_592 = vector.shape_cast %broadcast_in_dim3A_591 : vector<16x1xi32> to vector<16xi32>
            %gather3A_593 = tpu.dynamic_gather %min3A_587[%gather3A_592] in [0] : vector<16xf32>, vector<16xi32> -> vector<16xf32>
            %min3A_594 = arith.minimumf %min3A_587, %gather3A_593 : vector<16xf32>
            %xor3A_595 = arith.constant 1 : i32
            %xor3A_596 = vector.broadcast %xor3A_595 : i32 to vector<16xi32>
            %xor3A_597 = arith.xori %iota3A, %xor3A_596 : vector<16xi32>
            %broadcast_in_dim3A_598 = vector.shape_cast %xor3A_597 : vector<16xi32> to vector<16x1xi32>
            %gather3A_599 = vector.shape_cast %broadcast_in_dim3A_598 : vector<16x1xi32> to vector<16xi32>
            %gather3A_600 = tpu.dynamic_gather %min3A_594[%gather3A_599] in [0] : vector<16xf32>, vector<16xi32> -> vector<16xf32>
            %min3A_601 = arith.minimumf %min3A_594, %gather3A_600 : vector<16xf32>
            %slice3A_602 = vector.extract_strided_slice %min3A_601 {offsets = [0], sizes = [1], strides = [1]} : vector<16xf32> to vector<1xf32>
            %squeeze3A_603 = vector.extract %slice3A_602[0] : f32 from vector<1xf32>
            %get3A_604 = arith.constant 0 : i32
            %get3A_605 = arith.index_cast %get3A_604 : i32 to index
            %get3A_606 = memref.load %arg28[%get3A_605] : memref<1xf32, #tpu.memory_space<smem>>
            %le3A_607 = arith.cmpf ole, %squeeze3A_603, %get3A_606 : f32
            %convert_element_type3A_608 = arith.extui %le3A_607 : i1 to i32
            %cond3A_609 = arith.constant 0 : i32
            %cond3A_610 = arith.cmpi ne, %convert_element_type3A_608, %cond3A_609 : i32
            scf.if %cond3A_610 {
              %add3A_722 = arith.constant 64 : i32
              %add3A_723 = arith.addi %mul3A_170, %add3A_722 : i32
              %broadcast_in_dim3A_724 = vector.broadcast %add3A_723 : i32 to vector<16xi32>
              %add3A_725 = arith.addi %iota3A, %broadcast_in_dim3A_724 : vector<16xi32>
              %broadcast_in_dim3A_726 = vector.broadcast %get3A_606 : f32 to vector<16xf32>
              %le3A_727 = arith.cmpf ole, %max3A_304, %broadcast_in_dim3A_726 : vector<16xf32>
              %select_n3A_728 = arith.select %le3A_727, %max3A_304, %broadcast_in_dim3A_3 : vector<16xi1>, vector<16xf32>
              %sub3A_729 = arith.constant 1 : i32
              %sub3A_730 = vector.broadcast %sub3A_729 : i32 to vector<16xi32>
              %sub3A_731 = arith.subi %iota3A, %sub3A_730 : vector<16xi32>
              %max3A_732 = arith.constant 0 : i32
              %max3A_733 = vector.broadcast %max3A_732 : i32 to vector<16xi32>
              %max3A_734 = arith.maxsi %sub3A_731, %max3A_733 : vector<16xi32>
              %broadcast_in_dim3A_735 = arith.constant 1 : i32
              %broadcast_in_dim3A_736 = vector.broadcast %broadcast_in_dim3A_735 : i32 to vector<16xi32>
              %get3A_737 = arith.constant 0 : index
              %get3A_738 = tpu.vector_load %arg26[%get3A_737] {strides = array<i32>} : memref<16xf32, #tpu.memory_space<vmem>>, vector<16xf32>,
              %get3A_739 = vector.shape_cast %get3A_738 : vector<16xf32> to vector<16xf32>
              %get3A_740 = arith.constant 0 : index
              %get3A_741 = tpu.vector_load %arg27[%get3A_740] {strides = array<i32>} : memref<16xi32, #tpu.memory_space<vmem>>, vector<16xi32>,
              %get3A_742 = vector.shape_cast %get3A_741 : vector<16xi32> to vector<16xi32>
              %scan3A_743 = arith.constant 0 : i32
              %scan3A_744 = arith.constant 8 : i32
              %scan3A_745 = arith.addi %scan3A_743, %scan3A_744 : i32
              %scan3A_746 = arith.constant 1 : i32
              %scan3A_747:2 = scf.for %scan3A_767 = %scan3A_743 to %scan3A_745 step %scan3A_746 iter_args(%scan3A_768 = %get3A_739, %scan3A_769 = %get3A_742) -> (vector<16xf32>, vector<16xi32>)  : i32 {
                %mul3A_770 = arith.constant 2 : i32
                %mul3A_771 = arith.muli %mul3A_770, %scan3A_767 : i32
                %add3A_772 = arith.constant 1 : i32
                %add3A_773 = arith.addi %mul3A_771, %add3A_772 : i32
                %mul3A_774 = arith.constant 2 : i32
                %mul3A_775 = arith.muli %mul3A_774, %scan3A_767 : i32
                %broadcast_in_dim3A_776 = vector.broadcast %mul3A_775 : i32 to vector<16xi32>
                %broadcast_in_dim3A_777 = vector.shape_cast %broadcast_in_dim3A_776 : vector<16xi32> to vector<16x1xi32>
                %gather3A_778 = vector.shape_cast %broadcast_in_dim3A_777 : vector<16x1xi32> to vector<16xi32>
                %gather3A_779 = tpu.dynamic_gather %select_n3A_728[%gather3A_778] in [0] : vector<16xf32>, vector<16xi32> -> vector<16xf32>
                %broadcast_in_dim3A_780 = vector.shape_cast %broadcast_in_dim3A_776 : vector<16xi32> to vector<16x1xi32>
                %gather3A_781 = vector.shape_cast %broadcast_in_dim3A_780 : vector<16x1xi32> to vector<16xi32>
                %gather3A_782 = tpu.dynamic_gather %add3A_725[%gather3A_781] in [0] : vector<16xi32>, vector<16xi32> -> vector<16xi32>
                %lt3A = arith.cmpf olt, %scan3A_768, %gather3A_779 : vector<16xf32>
                %jit3A_783 = arith.constant 1.000000e+00 : f32
                %jit3A_784 = arith.constant 0.000000e+00 : f32
                %broadcast_in_dim3A_785 = vector.broadcast %jit3A_783 : f32 to vector<16xf32>
                %broadcast_in_dim3A_786 = vector.broadcast %jit3A_784 : f32 to vector<16xf32>
                %select_n3A_787 = arith.select %lt3A, %broadcast_in_dim3A_785, %broadcast_in_dim3A_786 : vector<16xi1>, vector<16xf32>
                %eq3A_788 = arith.cmpf oeq, %scan3A_768, %gather3A_779 : vector<16xf32>
                %jit3A_789 = arith.constant 1.000000e+00 : f32
                %jit3A_790 = arith.constant 0.000000e+00 : f32
                %broadcast_in_dim3A_791 = vector.broadcast %jit3A_789 : f32 to vector<16xf32>
                %broadcast_in_dim3A_792 = vector.broadcast %jit3A_790 : f32 to vector<16xf32>
                %select_n3A_793 = arith.select %eq3A_788, %broadcast_in_dim3A_791, %broadcast_in_dim3A_792 : vector<16xi1>, vector<16xf32>
                %lt3A_794 = arith.cmpi slt, %scan3A_769, %gather3A_782 : vector<16xi32>
                %broadcast_in_dim3A_795 = vector.broadcast %scan3A_88 : i32 to vector<16xi32>
                %broadcast_in_dim3A_796 = vector.broadcast %scan3A_89 : i32 to vector<16xi32>
                %select_n3A_797 = arith.select %lt3A_794, %broadcast_in_dim3A_795, %broadcast_in_dim3A_796 : vector<16xi1>, vector<16xi32>
                %convert_element_type3A_798 = arith.fptosi %select_n3A_787 : vector<16xf32> to vector<16xi32>
                %convert_element_type3A_799 = arith.fptosi %select_n3A_793 : vector<16xf32> to vector<16xi32>
                %and3A = arith.andi %convert_element_type3A_799, %select_n3A_797 : vector<16xi32>
                %or3A = arith.ori %convert_element_type3A_798, %and3A : vector<16xi32>
                %eq3A_800 = arith.constant 0 : i32
                %eq3A_801 = vector.broadcast %eq3A_800 : i32 to vector<16xi32>
                %eq3A_802 = arith.cmpi eq, %iota3A, %eq3A_801 : vector<16xi32>
                %broadcast_in_dim3A_803 = vector.shape_cast %max3A_734 : vector<16xi32> to vector<16x1xi32>
                %gather3A_804 = vector.shape_cast %broadcast_in_dim3A_803 : vector<16x1xi32> to vector<16xi32>
                %gather3A_805 = tpu.dynamic_gather %or3A[%gather3A_804] in [0] : vector<16xi32>, vector<16xi32> -> vector<16xi32>
                %broadcast_in_dim3A_806 = vector.broadcast %scan3A_88 : i32 to vector<16xi32>
                %select_n3A_807 = arith.select %eq3A_802, %broadcast_in_dim3A_806, %gather3A_805 : vector<16xi1>, vector<16xi32>
                %sub3A_808 = arith.subi %broadcast_in_dim3A_736, %or3A : vector<16xi32>
                %and3A_809 = arith.andi %sub3A_808, %select_n3A_807 : vector<16xi32>
                %convert_element_type3A_810 = arith.sitofp %or3A : vector<16xi32> to vector<16xf32>
                %convert_element_type3A_811 = arith.sitofp %and3A_809 : vector<16xi32> to vector<16xf32>
                %broadcast_in_dim3A_812 = vector.shape_cast %max3A_734 : vector<16xi32> to vector<16x1xi32>
                %gather3A_813 = vector.shape_cast %broadcast_in_dim3A_812 : vector<16x1xi32> to vector<16xi32>
                %gather3A_814 = tpu.dynamic_gather %scan3A_768[%gather3A_813] in [0] : vector<16xf32>, vector<16xi32> -> vector<16xf32>
                %broadcast_in_dim3A_815 = vector.shape_cast %max3A_734 : vector<16xi32> to vector<16x1xi32>
                %gather3A_816 = vector.shape_cast %broadcast_in_dim3A_815 : vector<16x1xi32> to vector<16xi32>
                %gather3A_817 = tpu.dynamic_gather %scan3A_769[%gather3A_816] in [0] : vector<16xi32>, vector<16xi32> -> vector<16xi32>
                %gt3A_818 = arith.constant 0.000000e+00 : f32
                %gt3A_819 = vector.broadcast %gt3A_818 : f32 to vector<16xf32>
                %gt3A_820 = arith.cmpf ogt, %convert_element_type3A_810, %gt3A_819 : vector<16xf32>
                %gt3A_821 = arith.constant 0.000000e+00 : f32
                %gt3A_822 = vector.broadcast %gt3A_821 : f32 to vector<16xf32>
                %gt3A_823 = arith.cmpf ogt, %convert_element_type3A_811, %gt3A_822 : vector<16xf32>
                %select_n3A_824 = arith.select %gt3A_823, %gather3A_779, %gather3A_814 : vector<16xi1>, vector<16xf32>
                %select_n3A_825 = arith.select %gt3A_820, %scan3A_768, %select_n3A_824 : vector<16xi1>, vector<16xf32>
                %gt3A_826 = arith.constant 0 : i32
                %gt3A_827 = vector.broadcast %gt3A_826 : i32 to vector<16xi32>
                %gt3A_828 = arith.cmpi sgt, %or3A, %gt3A_827 : vector<16xi32>
                %gt3A_829 = arith.constant 0 : i32
                %gt3A_830 = vector.broadcast %gt3A_829 : i32 to vector<16xi32>
                %gt3A_831 = arith.cmpi sgt, %and3A_809, %gt3A_830 : vector<16xi32>
                %select_n3A_832 = arith.select %gt3A_831, %gather3A_782, %gather3A_817 : vector<16xi1>, vector<16xi32>
                %select_n3A_833 = arith.select %gt3A_828, %scan3A_769, %select_n3A_832 : vector<16xi1>, vector<16xi32>
                %broadcast_in_dim3A_834 = vector.broadcast %add3A_773 : i32 to vector<16xi32>
                %broadcast_in_dim3A_835 = vector.shape_cast %broadcast_in_dim3A_834 : vector<16xi32> to vector<16x1xi32>
                %gather3A_836 = vector.shape_cast %broadcast_in_dim3A_835 : vector<16x1xi32> to vector<16xi32>
                %gather3A_837 = tpu.dynamic_gather %select_n3A_728[%gather3A_836] in [0] : vector<16xf32>, vector<16xi32> -> vector<16xf32>
                %broadcast_in_dim3A_838 = vector.shape_cast %broadcast_in_dim3A_834 : vector<16xi32> to vector<16x1xi32>
                %gather3A_839 = vector.shape_cast %broadcast_in_dim3A_838 : vector<16x1xi32> to vector<16xi32>
                %gather3A_840 = tpu.dynamic_gather %add3A_725[%gather3A_839] in [0] : vector<16xi32>, vector<16xi32> -> vector<16xi32>
                %lt3A_841 = arith.cmpf olt, %select_n3A_825, %gather3A_837 : vector<16xf32>
                %jit3A_842 = arith.constant 1.000000e+00 : f32
                %jit3A_843 = arith.constant 0.000000e+00 : f32
                %broadcast_in_dim3A_844 = vector.broadcast %jit3A_842 : f32 to vector<16xf32>
                %broadcast_in_dim3A_845 = vector.broadcast %jit3A_843 : f32 to vector<16xf32>
                %select_n3A_846 = arith.select %lt3A_841, %broadcast_in_dim3A_844, %broadcast_in_dim3A_845 : vector<16xi1>, vector<16xf32>
                %eq3A_847 = arith.cmpf oeq, %select_n3A_825, %gather3A_837 : vector<16xf32>
                %jit3A_848 = arith.constant 1.000000e+00 : f32
                %jit3A_849 = arith.constant 0.000000e+00 : f32
                %broadcast_in_dim3A_850 = vector.broadcast %jit3A_848 : f32 to vector<16xf32>
                %broadcast_in_dim3A_851 = vector.broadcast %jit3A_849 : f32 to vector<16xf32>
                %select_n3A_852 = arith.select %eq3A_847, %broadcast_in_dim3A_850, %broadcast_in_dim3A_851 : vector<16xi1>, vector<16xf32>
                %lt3A_853 = arith.cmpi slt, %select_n3A_833, %gather3A_840 : vector<16xi32>
                %broadcast_in_dim3A_854 = vector.broadcast %scan3A_88 : i32 to vector<16xi32>
                %broadcast_in_dim3A_855 = vector.broadcast %scan3A_89 : i32 to vector<16xi32>
                %select_n3A_856 = arith.select %lt3A_853, %broadcast_in_dim3A_854, %broadcast_in_dim3A_855 : vector<16xi1>, vector<16xi32>
                %convert_element_type3A_857 = arith.fptosi %select_n3A_846 : vector<16xf32> to vector<16xi32>
                %convert_element_type3A_858 = arith.fptosi %select_n3A_852 : vector<16xf32> to vector<16xi32>
                %and3A_859 = arith.andi %convert_element_type3A_858, %select_n3A_856 : vector<16xi32>
                %or3A_860 = arith.ori %convert_element_type3A_857, %and3A_859 : vector<16xi32>
                %eq3A_861 = arith.constant 0 : i32
                %eq3A_862 = vector.broadcast %eq3A_861 : i32 to vector<16xi32>
                %eq3A_863 = arith.cmpi eq, %iota3A, %eq3A_862 : vector<16xi32>
                %broadcast_in_dim3A_864 = vector.shape_cast %max3A_734 : vector<16xi32> to vector<16x1xi32>
                %gather3A_865 = vector.shape_cast %broadcast_in_dim3A_864 : vector<16x1xi32> to vector<16xi32>
                %gather3A_866 = tpu.dynamic_gather %or3A_860[%gather3A_865] in [0] : vector<16xi32>, vector<16xi32> -> vector<16xi32>
                %broadcast_in_dim3A_867 = vector.broadcast %scan3A_88 : i32 to vector<16xi32>
                %select_n3A_868 = arith.select %eq3A_863, %broadcast_in_dim3A_867, %gather3A_866 : vector<16xi1>, vector<16xi32>
                %sub3A_869 = arith.subi %broadcast_in_dim3A_736, %or3A_860 : vector<16xi32>
                %and3A_870 = arith.andi %sub3A_869, %select_n3A_868 : vector<16xi32>
                %convert_element_type3A_871 = arith.sitofp %or3A_860 : vector<16xi32> to vector<16xf32>
                %convert_element_type3A_872 = arith.sitofp %and3A_870 : vector<16xi32> to vector<16xf32>
                %broadcast_in_dim3A_873 = vector.shape_cast %max3A_734 : vector<16xi32> to vector<16x1xi32>
                %gather3A_874 = vector.shape_cast %broadcast_in_dim3A_873 : vector<16x1xi32> to vector<16xi32>
                %gather3A_875 = tpu.dynamic_gather %select_n3A_825[%gather3A_874] in [0] : vector<16xf32>, vector<16xi32> -> vector<16xf32>
                %broadcast_in_dim3A_876 = vector.shape_cast %max3A_734 : vector<16xi32> to vector<16x1xi32>
                %gather3A_877 = vector.shape_cast %broadcast_in_dim3A_876 : vector<16x1xi32> to vector<16xi32>
                %gather3A_878 = tpu.dynamic_gather %select_n3A_833[%gather3A_877] in [0] : vector<16xi32>, vector<16xi32> -> vector<16xi32>
                %gt3A_879 = arith.constant 0.000000e+00 : f32
                %gt3A_880 = vector.broadcast %gt3A_879 : f32 to vector<16xf32>
                %gt3A_881 = arith.cmpf ogt, %convert_element_type3A_871, %gt3A_880 : vector<16xf32>
                %gt3A_882 = arith.constant 0.000000e+00 : f32
                %gt3A_883 = vector.broadcast %gt3A_882 : f32 to vector<16xf32>
                %gt3A_884 = arith.cmpf ogt, %convert_element_type3A_872, %gt3A_883 : vector<16xf32>
                %select_n3A_885 = arith.select %gt3A_884, %gather3A_837, %gather3A_875 : vector<16xi1>, vector<16xf32>
                %select_n3A_886 = arith.select %gt3A_881, %select_n3A_825, %select_n3A_885 : vector<16xi1>, vector<16xf32>
                %gt3A_887 = arith.constant 0 : i32
                %gt3A_888 = vector.broadcast %gt3A_887 : i32 to vector<16xi32>
                %gt3A_889 = arith.cmpi sgt, %or3A_860, %gt3A_888 : vector<16xi32>
                %gt3A_890 = arith.constant 0 : i32
                %gt3A_891 = vector.broadcast %gt3A_890 : i32 to vector<16xi32>
                %gt3A_892 = arith.cmpi sgt, %and3A_870, %gt3A_891 : vector<16xi32>
                %select_n3A_893 = arith.select %gt3A_892, %gather3A_840, %gather3A_878 : vector<16xi1>, vector<16xi32>
                %select_n3A_894 = arith.select %gt3A_889, %select_n3A_833, %select_n3A_893 : vector<16xi1>, vector<16xi32>
                scf.yield %select_n3A_886, %select_n3A_894 : vector<16xf32>, vector<16xi32>
              }
              %scan3A_748 = arith.constant 8 : i32
              %swap3A_749 = arith.constant 0 : index
              %swap3A_750 = tpu.vector_load %arg26[%swap3A_749] {strides = array<i32>} : memref<16xf32, #tpu.memory_space<vmem>>, vector<16xf32>,
              %swap3A_751 = vector.shape_cast %swap3A_750 : vector<16xf32> to vector<16xf32>
              %swap3A_752 = vector.shape_cast %scan3A_747#0 : vector<16xf32> to vector<16xf32>
              tpu.vector_store %arg26[%swap3A_749], %swap3A_752 {strides = array<i32>} : memref<16xf32, #tpu.memory_space<vmem>>, vector<16xf32>,
              %swap3A_753 = arith.constant 0 : index
              %swap3A_754 = tpu.vector_load %arg27[%swap3A_753] {strides = array<i32>} : memref<16xi32, #tpu.memory_space<vmem>>, vector<16xi32>,
              %swap3A_755 = vector.shape_cast %swap3A_754 : vector<16xi32> to vector<16xi32>
              %swap3A_756 = vector.shape_cast %scan3A_747#1 : vector<16xi32> to vector<16xi32>
              tpu.vector_store %arg27[%swap3A_753], %swap3A_756 {strides = array<i32>} : memref<16xi32, #tpu.memory_space<vmem>>, vector<16xi32>,
              %slice3A_757 = vector.extract_strided_slice %scan3A_747#0 {offsets = [15], sizes = [1], strides = [1]} : vector<16xf32> to vector<1xf32>
              %squeeze3A_758 = vector.extract %slice3A_757[0] : f32 from vector<1xf32>
              %eq3A = arith.constant 0.000000e+00 : f32
              %eq3A_759 = arith.cmpf oeq, %squeeze3A_758, %eq3A : f32
              %min3A_760 = arith.constant 6.250000e-02 : f32
              %min3A_761 = arith.minimumf %squeeze3A_758, %min3A_760 : f32
              %jit3A_762 = arith.constant -1.000000e+00 : f32
              %select_n3A_763 = arith.select %eq3A_759, %jit3A_762, %min3A_761 : f32
              %swap3A_764 = arith.constant 0 : i32
              %swap3A_765 = arith.index_cast %swap3A_764 : i32 to index
              %swap3A_766 = memref.load %arg28[%swap3A_765] : memref<1xf32, #tpu.memory_space<smem>>
              memref.store %select_n3A_763, %arg28[%swap3A_765] : memref<1xf32, #tpu.memory_space<smem>>
            } else {
            }
            %xor3A_611 = arith.constant 8 : i32
            %xor3A_612 = vector.broadcast %xor3A_611 : i32 to vector<16xi32>
            %xor3A_613 = arith.xori %iota3A, %xor3A_612 : vector<16xi32>
            %broadcast_in_dim3A_614 = vector.shape_cast %xor3A_613 : vector<16xi32> to vector<16x1xi32>
            %gather3A_615 = vector.shape_cast %broadcast_in_dim3A_614 : vector<16x1xi32> to vector<16xi32>
            %gather3A_616 = tpu.dynamic_gather %max3A_331[%gather3A_615] in [0] : vector<16xf32>, vector<16xi32> -> vector<16xf32>
            %min3A_617 = arith.minimumf %max3A_331, %gather3A_616 : vector<16xf32>
            %xor3A_618 = arith.constant 4 : i32
            %xor3A_619 = vector.broadcast %xor3A_618 : i32 to vector<16xi32>
            %xor3A_620 = arith.xori %iota3A, %xor3A_619 : vector<16xi32>
            %broadcast_in_dim3A_621 = vector.shape_cast %xor3A_620 : vector<16xi32> to vector<16x1xi32>
            %gather3A_622 = vector.shape_cast %broadcast_in_dim3A_621 : vector<16x1xi32> to vector<16xi32>
            %gather3A_623 = tpu.dynamic_gather %min3A_617[%gather3A_622] in [0] : vector<16xf32>, vector<16xi32> -> vector<16xf32>
            %min3A_624 = arith.minimumf %min3A_617, %gather3A_623 : vector<16xf32>
            %xor3A_625 = arith.constant 2 : i32
            %xor3A_626 = vector.broadcast %xor3A_625 : i32 to vector<16xi32>
            %xor3A_627 = arith.xori %iota3A, %xor3A_626 : vector<16xi32>
            %broadcast_in_dim3A_628 = vector.shape_cast %xor3A_627 : vector<16xi32> to vector<16x1xi32>
            %gather3A_629 = vector.shape_cast %broadcast_in_dim3A_628 : vector<16x1xi32> to vector<16xi32>
            %gather3A_630 = tpu.dynamic_gather %min3A_624[%gather3A_629] in [0] : vector<16xf32>, vector<16xi32> -> vector<16xf32>
            %min3A_631 = arith.minimumf %min3A_624, %gather3A_630 : vector<16xf32>
            %xor3A_632 = arith.constant 1 : i32
            %xor3A_633 = vector.broadcast %xor3A_632 : i32 to vector<16xi32>
            %xor3A_634 = arith.xori %iota3A, %xor3A_633 : vector<16xi32>
            %broadcast_in_dim3A_635 = vector.shape_cast %xor3A_634 : vector<16xi32> to vector<16x1xi32>
            %gather3A_636 = vector.shape_cast %broadcast_in_dim3A_635 : vector<16x1xi32> to vector<16xi32>
            %gather3A_637 = tpu.dynamic_gather %min3A_631[%gather3A_636] in [0] : vector<16xf32>, vector<16xi32> -> vector<16xf32>
            %min3A_638 = arith.minimumf %min3A_631, %gather3A_637 : vector<16xf32>
            %slice3A_639 = vector.extract_strided_slice %min3A_638 {offsets = [0], sizes = [1], strides = [1]} : vector<16xf32> to vector<1xf32>
            %squeeze3A_640 = vector.extract %slice3A_639[0] : f32 from vector<1xf32>
            %get3A_641 = arith.constant 0 : i32
            %get3A_642 = arith.index_cast %get3A_641 : i32 to index
            %get3A_643 = memref.load %arg28[%get3A_642] : memref<1xf32, #tpu.memory_space<smem>>
            %le3A_644 = arith.cmpf ole, %squeeze3A_640, %get3A_643 : f32
            %convert_element_type3A_645 = arith.extui %le3A_644 : i1 to i32
            %cond3A_646 = arith.constant 0 : i32
            %cond3A_647 = arith.cmpi ne, %convert_element_type3A_645, %cond3A_646 : i32
            scf.if %cond3A_647 {
              %add3A_722 = arith.constant 80 : i32
              %add3A_723 = arith.addi %mul3A_170, %add3A_722 : i32
              %broadcast_in_dim3A_724 = vector.broadcast %add3A_723 : i32 to vector<16xi32>
              %add3A_725 = arith.addi %iota3A, %broadcast_in_dim3A_724 : vector<16xi32>
              %broadcast_in_dim3A_726 = vector.broadcast %get3A_643 : f32 to vector<16xf32>
              %le3A_727 = arith.cmpf ole, %max3A_331, %broadcast_in_dim3A_726 : vector<16xf32>
              %select_n3A_728 = arith.select %le3A_727, %max3A_331, %broadcast_in_dim3A_3 : vector<16xi1>, vector<16xf32>
              %sub3A_729 = arith.constant 1 : i32
              %sub3A_730 = vector.broadcast %sub3A_729 : i32 to vector<16xi32>
              %sub3A_731 = arith.subi %iota3A, %sub3A_730 : vector<16xi32>
              %max3A_732 = arith.constant 0 : i32
              %max3A_733 = vector.broadcast %max3A_732 : i32 to vector<16xi32>
              %max3A_734 = arith.maxsi %sub3A_731, %max3A_733 : vector<16xi32>
              %broadcast_in_dim3A_735 = arith.constant 1 : i32
              %broadcast_in_dim3A_736 = vector.broadcast %broadcast_in_dim3A_735 : i32 to vector<16xi32>
              %get3A_737 = arith.constant 0 : index
              %get3A_738 = tpu.vector_load %arg26[%get3A_737] {strides = array<i32>} : memref<16xf32, #tpu.memory_space<vmem>>, vector<16xf32>,
              %get3A_739 = vector.shape_cast %get3A_738 : vector<16xf32> to vector<16xf32>
              %get3A_740 = arith.constant 0 : index
              %get3A_741 = tpu.vector_load %arg27[%get3A_740] {strides = array<i32>} : memref<16xi32, #tpu.memory_space<vmem>>, vector<16xi32>,
              %get3A_742 = vector.shape_cast %get3A_741 : vector<16xi32> to vector<16xi32>
              %scan3A_743 = arith.constant 0 : i32
              %scan3A_744 = arith.constant 8 : i32
              %scan3A_745 = arith.addi %scan3A_743, %scan3A_744 : i32
              %scan3A_746 = arith.constant 1 : i32
              %scan3A_747:2 = scf.for %scan3A_767 = %scan3A_743 to %scan3A_745 step %scan3A_746 iter_args(%scan3A_768 = %get3A_739, %scan3A_769 = %get3A_742) -> (vector<16xf32>, vector<16xi32>)  : i32 {
                %mul3A_770 = arith.constant 2 : i32
                %mul3A_771 = arith.muli %mul3A_770, %scan3A_767 : i32
                %add3A_772 = arith.constant 1 : i32
                %add3A_773 = arith.addi %mul3A_771, %add3A_772 : i32
                %mul3A_774 = arith.constant 2 : i32
                %mul3A_775 = arith.muli %mul3A_774, %scan3A_767 : i32
                %broadcast_in_dim3A_776 = vector.broadcast %mul3A_775 : i32 to vector<16xi32>
                %broadcast_in_dim3A_777 = vector.shape_cast %broadcast_in_dim3A_776 : vector<16xi32> to vector<16x1xi32>
                %gather3A_778 = vector.shape_cast %broadcast_in_dim3A_777 : vector<16x1xi32> to vector<16xi32>
                %gather3A_779 = tpu.dynamic_gather %select_n3A_728[%gather3A_778] in [0] : vector<16xf32>, vector<16xi32> -> vector<16xf32>
                %broadcast_in_dim3A_780 = vector.shape_cast %broadcast_in_dim3A_776 : vector<16xi32> to vector<16x1xi32>
                %gather3A_781 = vector.shape_cast %broadcast_in_dim3A_780 : vector<16x1xi32> to vector<16xi32>
                %gather3A_782 = tpu.dynamic_gather %add3A_725[%gather3A_781] in [0] : vector<16xi32>, vector<16xi32> -> vector<16xi32>
                %lt3A = arith.cmpf olt, %scan3A_768, %gather3A_779 : vector<16xf32>
                %jit3A_783 = arith.constant 1.000000e+00 : f32
                %jit3A_784 = arith.constant 0.000000e+00 : f32
                %broadcast_in_dim3A_785 = vector.broadcast %jit3A_783 : f32 to vector<16xf32>
                %broadcast_in_dim3A_786 = vector.broadcast %jit3A_784 : f32 to vector<16xf32>
                %select_n3A_787 = arith.select %lt3A, %broadcast_in_dim3A_785, %broadcast_in_dim3A_786 : vector<16xi1>, vector<16xf32>
                %eq3A_788 = arith.cmpf oeq, %scan3A_768, %gather3A_779 : vector<16xf32>
                %jit3A_789 = arith.constant 1.000000e+00 : f32
                %jit3A_790 = arith.constant 0.000000e+00 : f32
                %broadcast_in_dim3A_791 = vector.broadcast %jit3A_789 : f32 to vector<16xf32>
                %broadcast_in_dim3A_792 = vector.broadcast %jit3A_790 : f32 to vector<16xf32>
                %select_n3A_793 = arith.select %eq3A_788, %broadcast_in_dim3A_791, %broadcast_in_dim3A_792 : vector<16xi1>, vector<16xf32>
                %lt3A_794 = arith.cmpi slt, %scan3A_769, %gather3A_782 : vector<16xi32>
                %broadcast_in_dim3A_795 = vector.broadcast %scan3A_88 : i32 to vector<16xi32>
                %broadcast_in_dim3A_796 = vector.broadcast %scan3A_89 : i32 to vector<16xi32>
                %select_n3A_797 = arith.select %lt3A_794, %broadcast_in_dim3A_795, %broadcast_in_dim3A_796 : vector<16xi1>, vector<16xi32>
                %convert_element_type3A_798 = arith.fptosi %select_n3A_787 : vector<16xf32> to vector<16xi32>
                %convert_element_type3A_799 = arith.fptosi %select_n3A_793 : vector<16xf32> to vector<16xi32>
                %and3A = arith.andi %convert_element_type3A_799, %select_n3A_797 : vector<16xi32>
                %or3A = arith.ori %convert_element_type3A_798, %and3A : vector<16xi32>
                %eq3A_800 = arith.constant 0 : i32
                %eq3A_801 = vector.broadcast %eq3A_800 : i32 to vector<16xi32>
                %eq3A_802 = arith.cmpi eq, %iota3A, %eq3A_801 : vector<16xi32>
                %broadcast_in_dim3A_803 = vector.shape_cast %max3A_734 : vector<16xi32> to vector<16x1xi32>
                %gather3A_804 = vector.shape_cast %broadcast_in_dim3A_803 : vector<16x1xi32> to vector<16xi32>
                %gather3A_805 = tpu.dynamic_gather %or3A[%gather3A_804] in [0] : vector<16xi32>, vector<16xi32> -> vector<16xi32>
                %broadcast_in_dim3A_806 = vector.broadcast %scan3A_88 : i32 to vector<16xi32>
                %select_n3A_807 = arith.select %eq3A_802, %broadcast_in_dim3A_806, %gather3A_805 : vector<16xi1>, vector<16xi32>
                %sub3A_808 = arith.subi %broadcast_in_dim3A_736, %or3A : vector<16xi32>
                %and3A_809 = arith.andi %sub3A_808, %select_n3A_807 : vector<16xi32>
                %convert_element_type3A_810 = arith.sitofp %or3A : vector<16xi32> to vector<16xf32>
                %convert_element_type3A_811 = arith.sitofp %and3A_809 : vector<16xi32> to vector<16xf32>
                %broadcast_in_dim3A_812 = vector.shape_cast %max3A_734 : vector<16xi32> to vector<16x1xi32>
                %gather3A_813 = vector.shape_cast %broadcast_in_dim3A_812 : vector<16x1xi32> to vector<16xi32>
                %gather3A_814 = tpu.dynamic_gather %scan3A_768[%gather3A_813] in [0] : vector<16xf32>, vector<16xi32> -> vector<16xf32>
                %broadcast_in_dim3A_815 = vector.shape_cast %max3A_734 : vector<16xi32> to vector<16x1xi32>
                %gather3A_816 = vector.shape_cast %broadcast_in_dim3A_815 : vector<16x1xi32> to vector<16xi32>
                %gather3A_817 = tpu.dynamic_gather %scan3A_769[%gather3A_816] in [0] : vector<16xi32>, vector<16xi32> -> vector<16xi32>
                %gt3A_818 = arith.constant 0.000000e+00 : f32
                %gt3A_819 = vector.broadcast %gt3A_818 : f32 to vector<16xf32>
                %gt3A_820 = arith.cmpf ogt, %convert_element_type3A_810, %gt3A_819 : vector<16xf32>
                %gt3A_821 = arith.constant 0.000000e+00 : f32
                %gt3A_822 = vector.broadcast %gt3A_821 : f32 to vector<16xf32>
                %gt3A_823 = arith.cmpf ogt, %convert_element_type3A_811, %gt3A_822 : vector<16xf32>
                %select_n3A_824 = arith.select %gt3A_823, %gather3A_779, %gather3A_814 : vector<16xi1>, vector<16xf32>
                %select_n3A_825 = arith.select %gt3A_820, %scan3A_768, %select_n3A_824 : vector<16xi1>, vector<16xf32>
                %gt3A_826 = arith.constant 0 : i32
                %gt3A_827 = vector.broadcast %gt3A_826 : i32 to vector<16xi32>
                %gt3A_828 = arith.cmpi sgt, %or3A, %gt3A_827 : vector<16xi32>
                %gt3A_829 = arith.constant 0 : i32
                %gt3A_830 = vector.broadcast %gt3A_829 : i32 to vector<16xi32>
                %gt3A_831 = arith.cmpi sgt, %and3A_809, %gt3A_830 : vector<16xi32>
                %select_n3A_832 = arith.select %gt3A_831, %gather3A_782, %gather3A_817 : vector<16xi1>, vector<16xi32>
                %select_n3A_833 = arith.select %gt3A_828, %scan3A_769, %select_n3A_832 : vector<16xi1>, vector<16xi32>
                %broadcast_in_dim3A_834 = vector.broadcast %add3A_773 : i32 to vector<16xi32>
                %broadcast_in_dim3A_835 = vector.shape_cast %broadcast_in_dim3A_834 : vector<16xi32> to vector<16x1xi32>
                %gather3A_836 = vector.shape_cast %broadcast_in_dim3A_835 : vector<16x1xi32> to vector<16xi32>
                %gather3A_837 = tpu.dynamic_gather %select_n3A_728[%gather3A_836] in [0] : vector<16xf32>, vector<16xi32> -> vector<16xf32>
                %broadcast_in_dim3A_838 = vector.shape_cast %broadcast_in_dim3A_834 : vector<16xi32> to vector<16x1xi32>
                %gather3A_839 = vector.shape_cast %broadcast_in_dim3A_838 : vector<16x1xi32> to vector<16xi32>
                %gather3A_840 = tpu.dynamic_gather %add3A_725[%gather3A_839] in [0] : vector<16xi32>, vector<16xi32> -> vector<16xi32>
                %lt3A_841 = arith.cmpf olt, %select_n3A_825, %gather3A_837 : vector<16xf32>
                %jit3A_842 = arith.constant 1.000000e+00 : f32
                %jit3A_843 = arith.constant 0.000000e+00 : f32
                %broadcast_in_dim3A_844 = vector.broadcast %jit3A_842 : f32 to vector<16xf32>
                %broadcast_in_dim3A_845 = vector.broadcast %jit3A_843 : f32 to vector<16xf32>
                %select_n3A_846 = arith.select %lt3A_841, %broadcast_in_dim3A_844, %broadcast_in_dim3A_845 : vector<16xi1>, vector<16xf32>
                %eq3A_847 = arith.cmpf oeq, %select_n3A_825, %gather3A_837 : vector<16xf32>
                %jit3A_848 = arith.constant 1.000000e+00 : f32
                %jit3A_849 = arith.constant 0.000000e+00 : f32
                %broadcast_in_dim3A_850 = vector.broadcast %jit3A_848 : f32 to vector<16xf32>
                %broadcast_in_dim3A_851 = vector.broadcast %jit3A_849 : f32 to vector<16xf32>
                %select_n3A_852 = arith.select %eq3A_847, %broadcast_in_dim3A_850, %broadcast_in_dim3A_851 : vector<16xi1>, vector<16xf32>
                %lt3A_853 = arith.cmpi slt, %select_n3A_833, %gather3A_840 : vector<16xi32>
                %broadcast_in_dim3A_854 = vector.broadcast %scan3A_88 : i32 to vector<16xi32>
                %broadcast_in_dim3A_855 = vector.broadcast %scan3A_89 : i32 to vector<16xi32>
                %select_n3A_856 = arith.select %lt3A_853, %broadcast_in_dim3A_854, %broadcast_in_dim3A_855 : vector<16xi1>, vector<16xi32>
                %convert_element_type3A_857 = arith.fptosi %select_n3A_846 : vector<16xf32> to vector<16xi32>
                %convert_element_type3A_858 = arith.fptosi %select_n3A_852 : vector<16xf32> to vector<16xi32>
                %and3A_859 = arith.andi %convert_element_type3A_858, %select_n3A_856 : vector<16xi32>
                %or3A_860 = arith.ori %convert_element_type3A_857, %and3A_859 : vector<16xi32>
                %eq3A_861 = arith.constant 0 : i32
                %eq3A_862 = vector.broadcast %eq3A_861 : i32 to vector<16xi32>
                %eq3A_863 = arith.cmpi eq, %iota3A, %eq3A_862 : vector<16xi32>
                %broadcast_in_dim3A_864 = vector.shape_cast %max3A_734 : vector<16xi32> to vector<16x1xi32>
                %gather3A_865 = vector.shape_cast %broadcast_in_dim3A_864 : vector<16x1xi32> to vector<16xi32>
                %gather3A_866 = tpu.dynamic_gather %or3A_860[%gather3A_865] in [0] : vector<16xi32>, vector<16xi32> -> vector<16xi32>
                %broadcast_in_dim3A_867 = vector.broadcast %scan3A_88 : i32 to vector<16xi32>
                %select_n3A_868 = arith.select %eq3A_863, %broadcast_in_dim3A_867, %gather3A_866 : vector<16xi1>, vector<16xi32>
                %sub3A_869 = arith.subi %broadcast_in_dim3A_736, %or3A_860 : vector<16xi32>
                %and3A_870 = arith.andi %sub3A_869, %select_n3A_868 : vector<16xi32>
                %convert_element_type3A_871 = arith.sitofp %or3A_860 : vector<16xi32> to vector<16xf32>
                %convert_element_type3A_872 = arith.sitofp %and3A_870 : vector<16xi32> to vector<16xf32>
                %broadcast_in_dim3A_873 = vector.shape_cast %max3A_734 : vector<16xi32> to vector<16x1xi32>
                %gather3A_874 = vector.shape_cast %broadcast_in_dim3A_873 : vector<16x1xi32> to vector<16xi32>
                %gather3A_875 = tpu.dynamic_gather %select_n3A_825[%gather3A_874] in [0] : vector<16xf32>, vector<16xi32> -> vector<16xf32>
                %broadcast_in_dim3A_876 = vector.shape_cast %max3A_734 : vector<16xi32> to vector<16x1xi32>
                %gather3A_877 = vector.shape_cast %broadcast_in_dim3A_876 : vector<16x1xi32> to vector<16xi32>
                %gather3A_878 = tpu.dynamic_gather %select_n3A_833[%gather3A_877] in [0] : vector<16xi32>, vector<16xi32> -> vector<16xi32>
                %gt3A_879 = arith.constant 0.000000e+00 : f32
                %gt3A_880 = vector.broadcast %gt3A_879 : f32 to vector<16xf32>
                %gt3A_881 = arith.cmpf ogt, %convert_element_type3A_871, %gt3A_880 : vector<16xf32>
                %gt3A_882 = arith.constant 0.000000e+00 : f32
                %gt3A_883 = vector.broadcast %gt3A_882 : f32 to vector<16xf32>
                %gt3A_884 = arith.cmpf ogt, %convert_element_type3A_872, %gt3A_883 : vector<16xf32>
                %select_n3A_885 = arith.select %gt3A_884, %gather3A_837, %gather3A_875 : vector<16xi1>, vector<16xf32>
                %select_n3A_886 = arith.select %gt3A_881, %select_n3A_825, %select_n3A_885 : vector<16xi1>, vector<16xf32>
                %gt3A_887 = arith.constant 0 : i32
                %gt3A_888 = vector.broadcast %gt3A_887 : i32 to vector<16xi32>
                %gt3A_889 = arith.cmpi sgt, %or3A_860, %gt3A_888 : vector<16xi32>
                %gt3A_890 = arith.constant 0 : i32
                %gt3A_891 = vector.broadcast %gt3A_890 : i32 to vector<16xi32>
                %gt3A_892 = arith.cmpi sgt, %and3A_870, %gt3A_891 : vector<16xi32>
                %select_n3A_893 = arith.select %gt3A_892, %gather3A_840, %gather3A_878 : vector<16xi1>, vector<16xi32>
                %select_n3A_894 = arith.select %gt3A_889, %select_n3A_833, %select_n3A_893 : vector<16xi1>, vector<16xi32>
                scf.yield %select_n3A_886, %select_n3A_894 : vector<16xf32>, vector<16xi32>
              }
              %scan3A_748 = arith.constant 8 : i32
              %swap3A_749 = arith.constant 0 : index
              %swap3A_750 = tpu.vector_load %arg26[%swap3A_749] {strides = array<i32>} : memref<16xf32, #tpu.memory_space<vmem>>, vector<16xf32>,
              %swap3A_751 = vector.shape_cast %swap3A_750 : vector<16xf32> to vector<16xf32>
              %swap3A_752 = vector.shape_cast %scan3A_747#0 : vector<16xf32> to vector<16xf32>
              tpu.vector_store %arg26[%swap3A_749], %swap3A_752 {strides = array<i32>} : memref<16xf32, #tpu.memory_space<vmem>>, vector<16xf32>,
              %swap3A_753 = arith.constant 0 : index
              %swap3A_754 = tpu.vector_load %arg27[%swap3A_753] {strides = array<i32>} : memref<16xi32, #tpu.memory_space<vmem>>, vector<16xi32>,
              %swap3A_755 = vector.shape_cast %swap3A_754 : vector<16xi32> to vector<16xi32>
              %swap3A_756 = vector.shape_cast %scan3A_747#1 : vector<16xi32> to vector<16xi32>
              tpu.vector_store %arg27[%swap3A_753], %swap3A_756 {strides = array<i32>} : memref<16xi32, #tpu.memory_space<vmem>>, vector<16xi32>,
              %slice3A_757 = vector.extract_strided_slice %scan3A_747#0 {offsets = [15], sizes = [1], strides = [1]} : vector<16xf32> to vector<1xf32>
              %squeeze3A_758 = vector.extract %slice3A_757[0] : f32 from vector<1xf32>
              %eq3A = arith.constant 0.000000e+00 : f32
              %eq3A_759 = arith.cmpf oeq, %squeeze3A_758, %eq3A : f32
              %min3A_760 = arith.constant 6.250000e-02 : f32
              %min3A_761 = arith.minimumf %squeeze3A_758, %min3A_760 : f32
              %jit3A_762 = arith.constant -1.000000e+00 : f32
              %select_n3A_763 = arith.select %eq3A_759, %jit3A_762, %min3A_761 : f32
              %swap3A_764 = arith.constant 0 : i32
              %swap3A_765 = arith.index_cast %swap3A_764 : i32 to index
              %swap3A_766 = memref.load %arg28[%swap3A_765] : memref<1xf32, #tpu.memory_space<smem>>
              memref.store %select_n3A_763, %arg28[%swap3A_765] : memref<1xf32, #tpu.memory_space<smem>>
            } else {
            }
            %xor3A_648 = arith.constant 8 : i32
            %xor3A_649 = vector.broadcast %xor3A_648 : i32 to vector<16xi32>
            %xor3A_650 = arith.xori %iota3A, %xor3A_649 : vector<16xi32>
            %broadcast_in_dim3A_651 = vector.shape_cast %xor3A_650 : vector<16xi32> to vector<16x1xi32>
            %gather3A_652 = vector.shape_cast %broadcast_in_dim3A_651 : vector<16x1xi32> to vector<16xi32>
            %gather3A_653 = tpu.dynamic_gather %max3A_358[%gather3A_652] in [0] : vector<16xf32>, vector<16xi32> -> vector<16xf32>
            %min3A_654 = arith.minimumf %max3A_358, %gather3A_653 : vector<16xf32>
            %xor3A_655 = arith.constant 4 : i32
            %xor3A_656 = vector.broadcast %xor3A_655 : i32 to vector<16xi32>
            %xor3A_657 = arith.xori %iota3A, %xor3A_656 : vector<16xi32>
            %broadcast_in_dim3A_658 = vector.shape_cast %xor3A_657 : vector<16xi32> to vector<16x1xi32>
            %gather3A_659 = vector.shape_cast %broadcast_in_dim3A_658 : vector<16x1xi32> to vector<16xi32>
            %gather3A_660 = tpu.dynamic_gather %min3A_654[%gather3A_659] in [0] : vector<16xf32>, vector<16xi32> -> vector<16xf32>
            %min3A_661 = arith.minimumf %min3A_654, %gather3A_660 : vector<16xf32>
            %xor3A_662 = arith.constant 2 : i32
            %xor3A_663 = vector.broadcast %xor3A_662 : i32 to vector<16xi32>
            %xor3A_664 = arith.xori %iota3A, %xor3A_663 : vector<16xi32>
            %broadcast_in_dim3A_665 = vector.shape_cast %xor3A_664 : vector<16xi32> to vector<16x1xi32>
            %gather3A_666 = vector.shape_cast %broadcast_in_dim3A_665 : vector<16x1xi32> to vector<16xi32>
            %gather3A_667 = tpu.dynamic_gather %min3A_661[%gather3A_666] in [0] : vector<16xf32>, vector<16xi32> -> vector<16xf32>
            %min3A_668 = arith.minimumf %min3A_661, %gather3A_667 : vector<16xf32>
            %xor3A_669 = arith.constant 1 : i32
            %xor3A_670 = vector.broadcast %xor3A_669 : i32 to vector<16xi32>
            %xor3A_671 = arith.xori %iota3A, %xor3A_670 : vector<16xi32>
            %broadcast_in_dim3A_672 = vector.shape_cast %xor3A_671 : vector<16xi32> to vector<16x1xi32>
            %gather3A_673 = vector.shape_cast %broadcast_in_dim3A_672 : vector<16x1xi32> to vector<16xi32>
            %gather3A_674 = tpu.dynamic_gather %min3A_668[%gather3A_673] in [0] : vector<16xf32>, vector<16xi32> -> vector<16xf32>
            %min3A_675 = arith.minimumf %min3A_668, %gather3A_674 : vector<16xf32>
            %slice3A_676 = vector.extract_strided_slice %min3A_675 {offsets = [0], sizes = [1], strides = [1]} : vector<16xf32> to vector<1xf32>
            %squeeze3A_677 = vector.extract %slice3A_676[0] : f32 from vector<1xf32>
            %get3A_678 = arith.constant 0 : i32
            %get3A_679 = arith.index_cast %get3A_678 : i32 to index
            %get3A_680 = memref.load %arg28[%get3A_679] : memref<1xf32, #tpu.memory_space<smem>>
            %le3A_681 = arith.cmpf ole, %squeeze3A_677, %get3A_680 : f32
            %convert_element_type3A_682 = arith.extui %le3A_681 : i1 to i32
            %cond3A_683 = arith.constant 0 : i32
            %cond3A_684 = arith.cmpi ne, %convert_element_type3A_682, %cond3A_683 : i32
            scf.if %cond3A_684 {
              %add3A_722 = arith.constant 96 : i32
              %add3A_723 = arith.addi %mul3A_170, %add3A_722 : i32
              %broadcast_in_dim3A_724 = vector.broadcast %add3A_723 : i32 to vector<16xi32>
              %add3A_725 = arith.addi %iota3A, %broadcast_in_dim3A_724 : vector<16xi32>
              %broadcast_in_dim3A_726 = vector.broadcast %get3A_680 : f32 to vector<16xf32>
              %le3A_727 = arith.cmpf ole, %max3A_358, %broadcast_in_dim3A_726 : vector<16xf32>
              %select_n3A_728 = arith.select %le3A_727, %max3A_358, %broadcast_in_dim3A_3 : vector<16xi1>, vector<16xf32>
              %sub3A_729 = arith.constant 1 : i32
              %sub3A_730 = vector.broadcast %sub3A_729 : i32 to vector<16xi32>
              %sub3A_731 = arith.subi %iota3A, %sub3A_730 : vector<16xi32>
              %max3A_732 = arith.constant 0 : i32
              %max3A_733 = vector.broadcast %max3A_732 : i32 to vector<16xi32>
              %max3A_734 = arith.maxsi %sub3A_731, %max3A_733 : vector<16xi32>
              %broadcast_in_dim3A_735 = arith.constant 1 : i32
              %broadcast_in_dim3A_736 = vector.broadcast %broadcast_in_dim3A_735 : i32 to vector<16xi32>
              %get3A_737 = arith.constant 0 : index
              %get3A_738 = tpu.vector_load %arg26[%get3A_737] {strides = array<i32>} : memref<16xf32, #tpu.memory_space<vmem>>, vector<16xf32>,
              %get3A_739 = vector.shape_cast %get3A_738 : vector<16xf32> to vector<16xf32>
              %get3A_740 = arith.constant 0 : index
              %get3A_741 = tpu.vector_load %arg27[%get3A_740] {strides = array<i32>} : memref<16xi32, #tpu.memory_space<vmem>>, vector<16xi32>,
              %get3A_742 = vector.shape_cast %get3A_741 : vector<16xi32> to vector<16xi32>
              %scan3A_743 = arith.constant 0 : i32
              %scan3A_744 = arith.constant 8 : i32
              %scan3A_745 = arith.addi %scan3A_743, %scan3A_744 : i32
              %scan3A_746 = arith.constant 1 : i32
              %scan3A_747:2 = scf.for %scan3A_767 = %scan3A_743 to %scan3A_745 step %scan3A_746 iter_args(%scan3A_768 = %get3A_739, %scan3A_769 = %get3A_742) -> (vector<16xf32>, vector<16xi32>)  : i32 {
                %mul3A_770 = arith.constant 2 : i32
                %mul3A_771 = arith.muli %mul3A_770, %scan3A_767 : i32
                %add3A_772 = arith.constant 1 : i32
                %add3A_773 = arith.addi %mul3A_771, %add3A_772 : i32
                %mul3A_774 = arith.constant 2 : i32
                %mul3A_775 = arith.muli %mul3A_774, %scan3A_767 : i32
                %broadcast_in_dim3A_776 = vector.broadcast %mul3A_775 : i32 to vector<16xi32>
                %broadcast_in_dim3A_777 = vector.shape_cast %broadcast_in_dim3A_776 : vector<16xi32> to vector<16x1xi32>
                %gather3A_778 = vector.shape_cast %broadcast_in_dim3A_777 : vector<16x1xi32> to vector<16xi32>
                %gather3A_779 = tpu.dynamic_gather %select_n3A_728[%gather3A_778] in [0] : vector<16xf32>, vector<16xi32> -> vector<16xf32>
                %broadcast_in_dim3A_780 = vector.shape_cast %broadcast_in_dim3A_776 : vector<16xi32> to vector<16x1xi32>
                %gather3A_781 = vector.shape_cast %broadcast_in_dim3A_780 : vector<16x1xi32> to vector<16xi32>
                %gather3A_782 = tpu.dynamic_gather %add3A_725[%gather3A_781] in [0] : vector<16xi32>, vector<16xi32> -> vector<16xi32>
                %lt3A = arith.cmpf olt, %scan3A_768, %gather3A_779 : vector<16xf32>
                %jit3A_783 = arith.constant 1.000000e+00 : f32
                %jit3A_784 = arith.constant 0.000000e+00 : f32
                %broadcast_in_dim3A_785 = vector.broadcast %jit3A_783 : f32 to vector<16xf32>
                %broadcast_in_dim3A_786 = vector.broadcast %jit3A_784 : f32 to vector<16xf32>
                %select_n3A_787 = arith.select %lt3A, %broadcast_in_dim3A_785, %broadcast_in_dim3A_786 : vector<16xi1>, vector<16xf32>
                %eq3A_788 = arith.cmpf oeq, %scan3A_768, %gather3A_779 : vector<16xf32>
                %jit3A_789 = arith.constant 1.000000e+00 : f32
                %jit3A_790 = arith.constant 0.000000e+00 : f32
                %broadcast_in_dim3A_791 = vector.broadcast %jit3A_789 : f32 to vector<16xf32>
                %broadcast_in_dim3A_792 = vector.broadcast %jit3A_790 : f32 to vector<16xf32>
                %select_n3A_793 = arith.select %eq3A_788, %broadcast_in_dim3A_791, %broadcast_in_dim3A_792 : vector<16xi1>, vector<16xf32>
                %lt3A_794 = arith.cmpi slt, %scan3A_769, %gather3A_782 : vector<16xi32>
                %broadcast_in_dim3A_795 = vector.broadcast %scan3A_88 : i32 to vector<16xi32>
                %broadcast_in_dim3A_796 = vector.broadcast %scan3A_89 : i32 to vector<16xi32>
                %select_n3A_797 = arith.select %lt3A_794, %broadcast_in_dim3A_795, %broadcast_in_dim3A_796 : vector<16xi1>, vector<16xi32>
                %convert_element_type3A_798 = arith.fptosi %select_n3A_787 : vector<16xf32> to vector<16xi32>
                %convert_element_type3A_799 = arith.fptosi %select_n3A_793 : vector<16xf32> to vector<16xi32>
                %and3A = arith.andi %convert_element_type3A_799, %select_n3A_797 : vector<16xi32>
                %or3A = arith.ori %convert_element_type3A_798, %and3A : vector<16xi32>
                %eq3A_800 = arith.constant 0 : i32
                %eq3A_801 = vector.broadcast %eq3A_800 : i32 to vector<16xi32>
                %eq3A_802 = arith.cmpi eq, %iota3A, %eq3A_801 : vector<16xi32>
                %broadcast_in_dim3A_803 = vector.shape_cast %max3A_734 : vector<16xi32> to vector<16x1xi32>
                %gather3A_804 = vector.shape_cast %broadcast_in_dim3A_803 : vector<16x1xi32> to vector<16xi32>
                %gather3A_805 = tpu.dynamic_gather %or3A[%gather3A_804] in [0] : vector<16xi32>, vector<16xi32> -> vector<16xi32>
                %broadcast_in_dim3A_806 = vector.broadcast %scan3A_88 : i32 to vector<16xi32>
                %select_n3A_807 = arith.select %eq3A_802, %broadcast_in_dim3A_806, %gather3A_805 : vector<16xi1>, vector<16xi32>
                %sub3A_808 = arith.subi %broadcast_in_dim3A_736, %or3A : vector<16xi32>
                %and3A_809 = arith.andi %sub3A_808, %select_n3A_807 : vector<16xi32>
                %convert_element_type3A_810 = arith.sitofp %or3A : vector<16xi32> to vector<16xf32>
                %convert_element_type3A_811 = arith.sitofp %and3A_809 : vector<16xi32> to vector<16xf32>
                %broadcast_in_dim3A_812 = vector.shape_cast %max3A_734 : vector<16xi32> to vector<16x1xi32>
                %gather3A_813 = vector.shape_cast %broadcast_in_dim3A_812 : vector<16x1xi32> to vector<16xi32>
                %gather3A_814 = tpu.dynamic_gather %scan3A_768[%gather3A_813] in [0] : vector<16xf32>, vector<16xi32> -> vector<16xf32>
                %broadcast_in_dim3A_815 = vector.shape_cast %max3A_734 : vector<16xi32> to vector<16x1xi32>
                %gather3A_816 = vector.shape_cast %broadcast_in_dim3A_815 : vector<16x1xi32> to vector<16xi32>
                %gather3A_817 = tpu.dynamic_gather %scan3A_769[%gather3A_816] in [0] : vector<16xi32>, vector<16xi32> -> vector<16xi32>
                %gt3A_818 = arith.constant 0.000000e+00 : f32
                %gt3A_819 = vector.broadcast %gt3A_818 : f32 to vector<16xf32>
                %gt3A_820 = arith.cmpf ogt, %convert_element_type3A_810, %gt3A_819 : vector<16xf32>
                %gt3A_821 = arith.constant 0.000000e+00 : f32
                %gt3A_822 = vector.broadcast %gt3A_821 : f32 to vector<16xf32>
                %gt3A_823 = arith.cmpf ogt, %convert_element_type3A_811, %gt3A_822 : vector<16xf32>
                %select_n3A_824 = arith.select %gt3A_823, %gather3A_779, %gather3A_814 : vector<16xi1>, vector<16xf32>
                %select_n3A_825 = arith.select %gt3A_820, %scan3A_768, %select_n3A_824 : vector<16xi1>, vector<16xf32>
                %gt3A_826 = arith.constant 0 : i32
                %gt3A_827 = vector.broadcast %gt3A_826 : i32 to vector<16xi32>
                %gt3A_828 = arith.cmpi sgt, %or3A, %gt3A_827 : vector<16xi32>
                %gt3A_829 = arith.constant 0 : i32
                %gt3A_830 = vector.broadcast %gt3A_829 : i32 to vector<16xi32>
                %gt3A_831 = arith.cmpi sgt, %and3A_809, %gt3A_830 : vector<16xi32>
                %select_n3A_832 = arith.select %gt3A_831, %gather3A_782, %gather3A_817 : vector<16xi1>, vector<16xi32>
                %select_n3A_833 = arith.select %gt3A_828, %scan3A_769, %select_n3A_832 : vector<16xi1>, vector<16xi32>
                %broadcast_in_dim3A_834 = vector.broadcast %add3A_773 : i32 to vector<16xi32>
                %broadcast_in_dim3A_835 = vector.shape_cast %broadcast_in_dim3A_834 : vector<16xi32> to vector<16x1xi32>
                %gather3A_836 = vector.shape_cast %broadcast_in_dim3A_835 : vector<16x1xi32> to vector<16xi32>
                %gather3A_837 = tpu.dynamic_gather %select_n3A_728[%gather3A_836] in [0] : vector<16xf32>, vector<16xi32> -> vector<16xf32>
                %broadcast_in_dim3A_838 = vector.shape_cast %broadcast_in_dim3A_834 : vector<16xi32> to vector<16x1xi32>
                %gather3A_839 = vector.shape_cast %broadcast_in_dim3A_838 : vector<16x1xi32> to vector<16xi32>
                %gather3A_840 = tpu.dynamic_gather %add3A_725[%gather3A_839] in [0] : vector<16xi32>, vector<16xi32> -> vector<16xi32>
                %lt3A_841 = arith.cmpf olt, %select_n3A_825, %gather3A_837 : vector<16xf32>
                %jit3A_842 = arith.constant 1.000000e+00 : f32
                %jit3A_843 = arith.constant 0.000000e+00 : f32
                %broadcast_in_dim3A_844 = vector.broadcast %jit3A_842 : f32 to vector<16xf32>
                %broadcast_in_dim3A_845 = vector.broadcast %jit3A_843 : f32 to vector<16xf32>
                %select_n3A_846 = arith.select %lt3A_841, %broadcast_in_dim3A_844, %broadcast_in_dim3A_845 : vector<16xi1>, vector<16xf32>
                %eq3A_847 = arith.cmpf oeq, %select_n3A_825, %gather3A_837 : vector<16xf32>
                %jit3A_848 = arith.constant 1.000000e+00 : f32
                %jit3A_849 = arith.constant 0.000000e+00 : f32
                %broadcast_in_dim3A_850 = vector.broadcast %jit3A_848 : f32 to vector<16xf32>
                %broadcast_in_dim3A_851 = vector.broadcast %jit3A_849 : f32 to vector<16xf32>
                %select_n3A_852 = arith.select %eq3A_847, %broadcast_in_dim3A_850, %broadcast_in_dim3A_851 : vector<16xi1>, vector<16xf32>
                %lt3A_853 = arith.cmpi slt, %select_n3A_833, %gather3A_840 : vector<16xi32>
                %broadcast_in_dim3A_854 = vector.broadcast %scan3A_88 : i32 to vector<16xi32>
                %broadcast_in_dim3A_855 = vector.broadcast %scan3A_89 : i32 to vector<16xi32>
                %select_n3A_856 = arith.select %lt3A_853, %broadcast_in_dim3A_854, %broadcast_in_dim3A_855 : vector<16xi1>, vector<16xi32>
                %convert_element_type3A_857 = arith.fptosi %select_n3A_846 : vector<16xf32> to vector<16xi32>
                %convert_element_type3A_858 = arith.fptosi %select_n3A_852 : vector<16xf32> to vector<16xi32>
                %and3A_859 = arith.andi %convert_element_type3A_858, %select_n3A_856 : vector<16xi32>
                %or3A_860 = arith.ori %convert_element_type3A_857, %and3A_859 : vector<16xi32>
                %eq3A_861 = arith.constant 0 : i32
                %eq3A_862 = vector.broadcast %eq3A_861 : i32 to vector<16xi32>
                %eq3A_863 = arith.cmpi eq, %iota3A, %eq3A_862 : vector<16xi32>
                %broadcast_in_dim3A_864 = vector.shape_cast %max3A_734 : vector<16xi32> to vector<16x1xi32>
                %gather3A_865 = vector.shape_cast %broadcast_in_dim3A_864 : vector<16x1xi32> to vector<16xi32>
                %gather3A_866 = tpu.dynamic_gather %or3A_860[%gather3A_865] in [0] : vector<16xi32>, vector<16xi32> -> vector<16xi32>
                %broadcast_in_dim3A_867 = vector.broadcast %scan3A_88 : i32 to vector<16xi32>
                %select_n3A_868 = arith.select %eq3A_863, %broadcast_in_dim3A_867, %gather3A_866 : vector<16xi1>, vector<16xi32>
                %sub3A_869 = arith.subi %broadcast_in_dim3A_736, %or3A_860 : vector<16xi32>
                %and3A_870 = arith.andi %sub3A_869, %select_n3A_868 : vector<16xi32>
                %convert_element_type3A_871 = arith.sitofp %or3A_860 : vector<16xi32> to vector<16xf32>
                %convert_element_type3A_872 = arith.sitofp %and3A_870 : vector<16xi32> to vector<16xf32>
                %broadcast_in_dim3A_873 = vector.shape_cast %max3A_734 : vector<16xi32> to vector<16x1xi32>
                %gather3A_874 = vector.shape_cast %broadcast_in_dim3A_873 : vector<16x1xi32> to vector<16xi32>
                %gather3A_875 = tpu.dynamic_gather %select_n3A_825[%gather3A_874] in [0] : vector<16xf32>, vector<16xi32> -> vector<16xf32>
                %broadcast_in_dim3A_876 = vector.shape_cast %max3A_734 : vector<16xi32> to vector<16x1xi32>
                %gather3A_877 = vector.shape_cast %broadcast_in_dim3A_876 : vector<16x1xi32> to vector<16xi32>
                %gather3A_878 = tpu.dynamic_gather %select_n3A_833[%gather3A_877] in [0] : vector<16xi32>, vector<16xi32> -> vector<16xi32>
                %gt3A_879 = arith.constant 0.000000e+00 : f32
                %gt3A_880 = vector.broadcast %gt3A_879 : f32 to vector<16xf32>
                %gt3A_881 = arith.cmpf ogt, %convert_element_type3A_871, %gt3A_880 : vector<16xf32>
                %gt3A_882 = arith.constant 0.000000e+00 : f32
                %gt3A_883 = vector.broadcast %gt3A_882 : f32 to vector<16xf32>
                %gt3A_884 = arith.cmpf ogt, %convert_element_type3A_872, %gt3A_883 : vector<16xf32>
                %select_n3A_885 = arith.select %gt3A_884, %gather3A_837, %gather3A_875 : vector<16xi1>, vector<16xf32>
                %select_n3A_886 = arith.select %gt3A_881, %select_n3A_825, %select_n3A_885 : vector<16xi1>, vector<16xf32>
                %gt3A_887 = arith.constant 0 : i32
                %gt3A_888 = vector.broadcast %gt3A_887 : i32 to vector<16xi32>
                %gt3A_889 = arith.cmpi sgt, %or3A_860, %gt3A_888 : vector<16xi32>
                %gt3A_890 = arith.constant 0 : i32
                %gt3A_891 = vector.broadcast %gt3A_890 : i32 to vector<16xi32>
                %gt3A_892 = arith.cmpi sgt, %and3A_870, %gt3A_891 : vector<16xi32>
                %select_n3A_893 = arith.select %gt3A_892, %gather3A_840, %gather3A_878 : vector<16xi1>, vector<16xi32>
                %select_n3A_894 = arith.select %gt3A_889, %select_n3A_833, %select_n3A_893 : vector<16xi1>, vector<16xi32>
                scf.yield %select_n3A_886, %select_n3A_894 : vector<16xf32>, vector<16xi32>
              }
              %scan3A_748 = arith.constant 8 : i32
              %swap3A_749 = arith.constant 0 : index
              %swap3A_750 = tpu.vector_load %arg26[%swap3A_749] {strides = array<i32>} : memref<16xf32, #tpu.memory_space<vmem>>, vector<16xf32>,
              %swap3A_751 = vector.shape_cast %swap3A_750 : vector<16xf32> to vector<16xf32>
              %swap3A_752 = vector.shape_cast %scan3A_747#0 : vector<16xf32> to vector<16xf32>
              tpu.vector_store %arg26[%swap3A_749], %swap3A_752 {strides = array<i32>} : memref<16xf32, #tpu.memory_space<vmem>>, vector<16xf32>,
              %swap3A_753 = arith.constant 0 : index
              %swap3A_754 = tpu.vector_load %arg27[%swap3A_753] {strides = array<i32>} : memref<16xi32, #tpu.memory_space<vmem>>, vector<16xi32>,
              %swap3A_755 = vector.shape_cast %swap3A_754 : vector<16xi32> to vector<16xi32>
              %swap3A_756 = vector.shape_cast %scan3A_747#1 : vector<16xi32> to vector<16xi32>
              tpu.vector_store %arg27[%swap3A_753], %swap3A_756 {strides = array<i32>} : memref<16xi32, #tpu.memory_space<vmem>>, vector<16xi32>,
              %slice3A_757 = vector.extract_strided_slice %scan3A_747#0 {offsets = [15], sizes = [1], strides = [1]} : vector<16xf32> to vector<1xf32>
              %squeeze3A_758 = vector.extract %slice3A_757[0] : f32 from vector<1xf32>
              %eq3A = arith.constant 0.000000e+00 : f32
              %eq3A_759 = arith.cmpf oeq, %squeeze3A_758, %eq3A : f32
              %min3A_760 = arith.constant 6.250000e-02 : f32
              %min3A_761 = arith.minimumf %squeeze3A_758, %min3A_760 : f32
              %jit3A_762 = arith.constant -1.000000e+00 : f32
              %select_n3A_763 = arith.select %eq3A_759, %jit3A_762, %min3A_761 : f32
              %swap3A_764 = arith.constant 0 : i32
              %swap3A_765 = arith.index_cast %swap3A_764 : i32 to index
              %swap3A_766 = memref.load %arg28[%swap3A_765] : memref<1xf32, #tpu.memory_space<smem>>
              memref.store %select_n3A_763, %arg28[%swap3A_765] : memref<1xf32, #tpu.memory_space<smem>>
            } else {
            }
            %xor3A_685 = arith.constant 8 : i32
            %xor3A_686 = vector.broadcast %xor3A_685 : i32 to vector<16xi32>
            %xor3A_687 = arith.xori %iota3A, %xor3A_686 : vector<16xi32>
            %broadcast_in_dim3A_688 = vector.shape_cast %xor3A_687 : vector<16xi32> to vector<16x1xi32>
            %gather3A_689 = vector.shape_cast %broadcast_in_dim3A_688 : vector<16x1xi32> to vector<16xi32>
            %gather3A_690 = tpu.dynamic_gather %max3A_385[%gather3A_689] in [0] : vector<16xf32>, vector<16xi32> -> vector<16xf32>
            %min3A_691 = arith.minimumf %max3A_385, %gather3A_690 : vector<16xf32>
            %xor3A_692 = arith.constant 4 : i32
            %xor3A_693 = vector.broadcast %xor3A_692 : i32 to vector<16xi32>
            %xor3A_694 = arith.xori %iota3A, %xor3A_693 : vector<16xi32>
            %broadcast_in_dim3A_695 = vector.shape_cast %xor3A_694 : vector<16xi32> to vector<16x1xi32>
            %gather3A_696 = vector.shape_cast %broadcast_in_dim3A_695 : vector<16x1xi32> to vector<16xi32>
            %gather3A_697 = tpu.dynamic_gather %min3A_691[%gather3A_696] in [0] : vector<16xf32>, vector<16xi32> -> vector<16xf32>
            %min3A_698 = arith.minimumf %min3A_691, %gather3A_697 : vector<16xf32>
            %xor3A_699 = arith.constant 2 : i32
            %xor3A_700 = vector.broadcast %xor3A_699 : i32 to vector<16xi32>
            %xor3A_701 = arith.xori %iota3A, %xor3A_700 : vector<16xi32>
            %broadcast_in_dim3A_702 = vector.shape_cast %xor3A_701 : vector<16xi32> to vector<16x1xi32>
            %gather3A_703 = vector.shape_cast %broadcast_in_dim3A_702 : vector<16x1xi32> to vector<16xi32>
            %gather3A_704 = tpu.dynamic_gather %min3A_698[%gather3A_703] in [0] : vector<16xf32>, vector<16xi32> -> vector<16xf32>
            %min3A_705 = arith.minimumf %min3A_698, %gather3A_704 : vector<16xf32>
            %xor3A_706 = arith.constant 1 : i32
            %xor3A_707 = vector.broadcast %xor3A_706 : i32 to vector<16xi32>
            %xor3A_708 = arith.xori %iota3A, %xor3A_707 : vector<16xi32>
            %broadcast_in_dim3A_709 = vector.shape_cast %xor3A_708 : vector<16xi32> to vector<16x1xi32>
            %gather3A_710 = vector.shape_cast %broadcast_in_dim3A_709 : vector<16x1xi32> to vector<16xi32>
            %gather3A_711 = tpu.dynamic_gather %min3A_705[%gather3A_710] in [0] : vector<16xf32>, vector<16xi32> -> vector<16xf32>
            %min3A_712 = arith.minimumf %min3A_705, %gather3A_711 : vector<16xf32>
            %slice3A_713 = vector.extract_strided_slice %min3A_712 {offsets = [0], sizes = [1], strides = [1]} : vector<16xf32> to vector<1xf32>
            %squeeze3A_714 = vector.extract %slice3A_713[0] : f32 from vector<1xf32>
            %get3A_715 = arith.constant 0 : i32
            %get3A_716 = arith.index_cast %get3A_715 : i32 to index
            %get3A_717 = memref.load %arg28[%get3A_716] : memref<1xf32, #tpu.memory_space<smem>>
            %le3A_718 = arith.cmpf ole, %squeeze3A_714, %get3A_717 : f32
            %convert_element_type3A_719 = arith.extui %le3A_718 : i1 to i32
            %cond3A_720 = arith.constant 0 : i32
            %cond3A_721 = arith.cmpi ne, %convert_element_type3A_719, %cond3A_720 : i32
            scf.if %cond3A_721 {
              %add3A_722 = arith.constant 112 : i32
              %add3A_723 = arith.addi %mul3A_170, %add3A_722 : i32
              %broadcast_in_dim3A_724 = vector.broadcast %add3A_723 : i32 to vector<16xi32>
              %add3A_725 = arith.addi %iota3A, %broadcast_in_dim3A_724 : vector<16xi32>
              %broadcast_in_dim3A_726 = vector.broadcast %get3A_717 : f32 to vector<16xf32>
              %le3A_727 = arith.cmpf ole, %max3A_385, %broadcast_in_dim3A_726 : vector<16xf32>
              %select_n3A_728 = arith.select %le3A_727, %max3A_385, %broadcast_in_dim3A_3 : vector<16xi1>, vector<16xf32>
              %sub3A_729 = arith.constant 1 : i32
              %sub3A_730 = vector.broadcast %sub3A_729 : i32 to vector<16xi32>
              %sub3A_731 = arith.subi %iota3A, %sub3A_730 : vector<16xi32>
              %max3A_732 = arith.constant 0 : i32
              %max3A_733 = vector.broadcast %max3A_732 : i32 to vector<16xi32>
              %max3A_734 = arith.maxsi %sub3A_731, %max3A_733 : vector<16xi32>
              %broadcast_in_dim3A_735 = arith.constant 1 : i32
              %broadcast_in_dim3A_736 = vector.broadcast %broadcast_in_dim3A_735 : i32 to vector<16xi32>
              %get3A_737 = arith.constant 0 : index
              %get3A_738 = tpu.vector_load %arg26[%get3A_737] {strides = array<i32>} : memref<16xf32, #tpu.memory_space<vmem>>, vector<16xf32>,
              %get3A_739 = vector.shape_cast %get3A_738 : vector<16xf32> to vector<16xf32>
              %get3A_740 = arith.constant 0 : index
              %get3A_741 = tpu.vector_load %arg27[%get3A_740] {strides = array<i32>} : memref<16xi32, #tpu.memory_space<vmem>>, vector<16xi32>,
              %get3A_742 = vector.shape_cast %get3A_741 : vector<16xi32> to vector<16xi32>
              %scan3A_743 = arith.constant 0 : i32
              %scan3A_744 = arith.constant 8 : i32
              %scan3A_745 = arith.addi %scan3A_743, %scan3A_744 : i32
              %scan3A_746 = arith.constant 1 : i32
              %scan3A_747:2 = scf.for %scan3A_767 = %scan3A_743 to %scan3A_745 step %scan3A_746 iter_args(%scan3A_768 = %get3A_739, %scan3A_769 = %get3A_742) -> (vector<16xf32>, vector<16xi32>)  : i32 {
                %mul3A_770 = arith.constant 2 : i32
                %mul3A_771 = arith.muli %mul3A_770, %scan3A_767 : i32
                %add3A_772 = arith.constant 1 : i32
                %add3A_773 = arith.addi %mul3A_771, %add3A_772 : i32
                %mul3A_774 = arith.constant 2 : i32
                %mul3A_775 = arith.muli %mul3A_774, %scan3A_767 : i32
                %broadcast_in_dim3A_776 = vector.broadcast %mul3A_775 : i32 to vector<16xi32>
                %broadcast_in_dim3A_777 = vector.shape_cast %broadcast_in_dim3A_776 : vector<16xi32> to vector<16x1xi32>
                %gather3A_778 = vector.shape_cast %broadcast_in_dim3A_777 : vector<16x1xi32> to vector<16xi32>
                %gather3A_779 = tpu.dynamic_gather %select_n3A_728[%gather3A_778] in [0] : vector<16xf32>, vector<16xi32> -> vector<16xf32>
                %broadcast_in_dim3A_780 = vector.shape_cast %broadcast_in_dim3A_776 : vector<16xi32> to vector<16x1xi32>
                %gather3A_781 = vector.shape_cast %broadcast_in_dim3A_780 : vector<16x1xi32> to vector<16xi32>
                %gather3A_782 = tpu.dynamic_gather %add3A_725[%gather3A_781] in [0] : vector<16xi32>, vector<16xi32> -> vector<16xi32>
                %lt3A = arith.cmpf olt, %scan3A_768, %gather3A_779 : vector<16xf32>
                %jit3A_783 = arith.constant 1.000000e+00 : f32
                %jit3A_784 = arith.constant 0.000000e+00 : f32
                %broadcast_in_dim3A_785 = vector.broadcast %jit3A_783 : f32 to vector<16xf32>
                %broadcast_in_dim3A_786 = vector.broadcast %jit3A_784 : f32 to vector<16xf32>
                %select_n3A_787 = arith.select %lt3A, %broadcast_in_dim3A_785, %broadcast_in_dim3A_786 : vector<16xi1>, vector<16xf32>
                %eq3A_788 = arith.cmpf oeq, %scan3A_768, %gather3A_779 : vector<16xf32>
                %jit3A_789 = arith.constant 1.000000e+00 : f32
                %jit3A_790 = arith.constant 0.000000e+00 : f32
                %broadcast_in_dim3A_791 = vector.broadcast %jit3A_789 : f32 to vector<16xf32>
                %broadcast_in_dim3A_792 = vector.broadcast %jit3A_790 : f32 to vector<16xf32>
                %select_n3A_793 = arith.select %eq3A_788, %broadcast_in_dim3A_791, %broadcast_in_dim3A_792 : vector<16xi1>, vector<16xf32>
                %lt3A_794 = arith.cmpi slt, %scan3A_769, %gather3A_782 : vector<16xi32>
                %broadcast_in_dim3A_795 = vector.broadcast %scan3A_88 : i32 to vector<16xi32>
                %broadcast_in_dim3A_796 = vector.broadcast %scan3A_89 : i32 to vector<16xi32>
                %select_n3A_797 = arith.select %lt3A_794, %broadcast_in_dim3A_795, %broadcast_in_dim3A_796 : vector<16xi1>, vector<16xi32>
                %convert_element_type3A_798 = arith.fptosi %select_n3A_787 : vector<16xf32> to vector<16xi32>
                %convert_element_type3A_799 = arith.fptosi %select_n3A_793 : vector<16xf32> to vector<16xi32>
                %and3A = arith.andi %convert_element_type3A_799, %select_n3A_797 : vector<16xi32>
                %or3A = arith.ori %convert_element_type3A_798, %and3A : vector<16xi32>
                %eq3A_800 = arith.constant 0 : i32
                %eq3A_801 = vector.broadcast %eq3A_800 : i32 to vector<16xi32>
                %eq3A_802 = arith.cmpi eq, %iota3A, %eq3A_801 : vector<16xi32>
                %broadcast_in_dim3A_803 = vector.shape_cast %max3A_734 : vector<16xi32> to vector<16x1xi32>
                %gather3A_804 = vector.shape_cast %broadcast_in_dim3A_803 : vector<16x1xi32> to vector<16xi32>
                %gather3A_805 = tpu.dynamic_gather %or3A[%gather3A_804] in [0] : vector<16xi32>, vector<16xi32> -> vector<16xi32>
                %broadcast_in_dim3A_806 = vector.broadcast %scan3A_88 : i32 to vector<16xi32>
                %select_n3A_807 = arith.select %eq3A_802, %broadcast_in_dim3A_806, %gather3A_805 : vector<16xi1>, vector<16xi32>
                %sub3A_808 = arith.subi %broadcast_in_dim3A_736, %or3A : vector<16xi32>
                %and3A_809 = arith.andi %sub3A_808, %select_n3A_807 : vector<16xi32>
                %convert_element_type3A_810 = arith.sitofp %or3A : vector<16xi32> to vector<16xf32>
                %convert_element_type3A_811 = arith.sitofp %and3A_809 : vector<16xi32> to vector<16xf32>
                %broadcast_in_dim3A_812 = vector.shape_cast %max3A_734 : vector<16xi32> to vector<16x1xi32>
                %gather3A_813 = vector.shape_cast %broadcast_in_dim3A_812 : vector<16x1xi32> to vector<16xi32>
                %gather3A_814 = tpu.dynamic_gather %scan3A_768[%gather3A_813] in [0] : vector<16xf32>, vector<16xi32> -> vector<16xf32>
                %broadcast_in_dim3A_815 = vector.shape_cast %max3A_734 : vector<16xi32> to vector<16x1xi32>
                %gather3A_816 = vector.shape_cast %broadcast_in_dim3A_815 : vector<16x1xi32> to vector<16xi32>
                %gather3A_817 = tpu.dynamic_gather %scan3A_769[%gather3A_816] in [0] : vector<16xi32>, vector<16xi32> -> vector<16xi32>
                %gt3A_818 = arith.constant 0.000000e+00 : f32
                %gt3A_819 = vector.broadcast %gt3A_818 : f32 to vector<16xf32>
                %gt3A_820 = arith.cmpf ogt, %convert_element_type3A_810, %gt3A_819 : vector<16xf32>
                %gt3A_821 = arith.constant 0.000000e+00 : f32
                %gt3A_822 = vector.broadcast %gt3A_821 : f32 to vector<16xf32>
                %gt3A_823 = arith.cmpf ogt, %convert_element_type3A_811, %gt3A_822 : vector<16xf32>
                %select_n3A_824 = arith.select %gt3A_823, %gather3A_779, %gather3A_814 : vector<16xi1>, vector<16xf32>
                %select_n3A_825 = arith.select %gt3A_820, %scan3A_768, %select_n3A_824 : vector<16xi1>, vector<16xf32>
                %gt3A_826 = arith.constant 0 : i32
                %gt3A_827 = vector.broadcast %gt3A_826 : i32 to vector<16xi32>
                %gt3A_828 = arith.cmpi sgt, %or3A, %gt3A_827 : vector<16xi32>
                %gt3A_829 = arith.constant 0 : i32
                %gt3A_830 = vector.broadcast %gt3A_829 : i32 to vector<16xi32>
                %gt3A_831 = arith.cmpi sgt, %and3A_809, %gt3A_830 : vector<16xi32>
                %select_n3A_832 = arith.select %gt3A_831, %gather3A_782, %gather3A_817 : vector<16xi1>, vector<16xi32>
                %select_n3A_833 = arith.select %gt3A_828, %scan3A_769, %select_n3A_832 : vector<16xi1>, vector<16xi32>
                %broadcast_in_dim3A_834 = vector.broadcast %add3A_773 : i32 to vector<16xi32>
                %broadcast_in_dim3A_835 = vector.shape_cast %broadcast_in_dim3A_834 : vector<16xi32> to vector<16x1xi32>
                %gather3A_836 = vector.shape_cast %broadcast_in_dim3A_835 : vector<16x1xi32> to vector<16xi32>
                %gather3A_837 = tpu.dynamic_gather %select_n3A_728[%gather3A_836] in [0] : vector<16xf32>, vector<16xi32> -> vector<16xf32>
                %broadcast_in_dim3A_838 = vector.shape_cast %broadcast_in_dim3A_834 : vector<16xi32> to vector<16x1xi32>
                %gather3A_839 = vector.shape_cast %broadcast_in_dim3A_838 : vector<16x1xi32> to vector<16xi32>
                %gather3A_840 = tpu.dynamic_gather %add3A_725[%gather3A_839] in [0] : vector<16xi32>, vector<16xi32> -> vector<16xi32>
                %lt3A_841 = arith.cmpf olt, %select_n3A_825, %gather3A_837 : vector<16xf32>
                %jit3A_842 = arith.constant 1.000000e+00 : f32
                %jit3A_843 = arith.constant 0.000000e+00 : f32
                %broadcast_in_dim3A_844 = vector.broadcast %jit3A_842 : f32 to vector<16xf32>
                %broadcast_in_dim3A_845 = vector.broadcast %jit3A_843 : f32 to vector<16xf32>
                %select_n3A_846 = arith.select %lt3A_841, %broadcast_in_dim3A_844, %broadcast_in_dim3A_845 : vector<16xi1>, vector<16xf32>
                %eq3A_847 = arith.cmpf oeq, %select_n3A_825, %gather3A_837 : vector<16xf32>
                %jit3A_848 = arith.constant 1.000000e+00 : f32
                %jit3A_849 = arith.constant 0.000000e+00 : f32
                %broadcast_in_dim3A_850 = vector.broadcast %jit3A_848 : f32 to vector<16xf32>
                %broadcast_in_dim3A_851 = vector.broadcast %jit3A_849 : f32 to vector<16xf32>
                %select_n3A_852 = arith.select %eq3A_847, %broadcast_in_dim3A_850, %broadcast_in_dim3A_851 : vector<16xi1>, vector<16xf32>
                %lt3A_853 = arith.cmpi slt, %select_n3A_833, %gather3A_840 : vector<16xi32>
                %broadcast_in_dim3A_854 = vector.broadcast %scan3A_88 : i32 to vector<16xi32>
                %broadcast_in_dim3A_855 = vector.broadcast %scan3A_89 : i32 to vector<16xi32>
                %select_n3A_856 = arith.select %lt3A_853, %broadcast_in_dim3A_854, %broadcast_in_dim3A_855 : vector<16xi1>, vector<16xi32>
                %convert_element_type3A_857 = arith.fptosi %select_n3A_846 : vector<16xf32> to vector<16xi32>
                %convert_element_type3A_858 = arith.fptosi %select_n3A_852 : vector<16xf32> to vector<16xi32>
                %and3A_859 = arith.andi %convert_element_type3A_858, %select_n3A_856 : vector<16xi32>
                %or3A_860 = arith.ori %convert_element_type3A_857, %and3A_859 : vector<16xi32>
                %eq3A_861 = arith.constant 0 : i32
                %eq3A_862 = vector.broadcast %eq3A_861 : i32 to vector<16xi32>
                %eq3A_863 = arith.cmpi eq, %iota3A, %eq3A_862 : vector<16xi32>
                %broadcast_in_dim3A_864 = vector.shape_cast %max3A_734 : vector<16xi32> to vector<16x1xi32>
                %gather3A_865 = vector.shape_cast %broadcast_in_dim3A_864 : vector<16x1xi32> to vector<16xi32>
                %gather3A_866 = tpu.dynamic_gather %or3A_860[%gather3A_865] in [0] : vector<16xi32>, vector<16xi32> -> vector<16xi32>
                %broadcast_in_dim3A_867 = vector.broadcast %scan3A_88 : i32 to vector<16xi32>
                %select_n3A_868 = arith.select %eq3A_863, %broadcast_in_dim3A_867, %gather3A_866 : vector<16xi1>, vector<16xi32>
                %sub3A_869 = arith.subi %broadcast_in_dim3A_736, %or3A_860 : vector<16xi32>
                %and3A_870 = arith.andi %sub3A_869, %select_n3A_868 : vector<16xi32>
                %convert_element_type3A_871 = arith.sitofp %or3A_860 : vector<16xi32> to vector<16xf32>
                %convert_element_type3A_872 = arith.sitofp %and3A_870 : vector<16xi32> to vector<16xf32>
                %broadcast_in_dim3A_873 = vector.shape_cast %max3A_734 : vector<16xi32> to vector<16x1xi32>
                %gather3A_874 = vector.shape_cast %broadcast_in_dim3A_873 : vector<16x1xi32> to vector<16xi32>
                %gather3A_875 = tpu.dynamic_gather %select_n3A_825[%gather3A_874] in [0] : vector<16xf32>, vector<16xi32> -> vector<16xf32>
                %broadcast_in_dim3A_876 = vector.shape_cast %max3A_734 : vector<16xi32> to vector<16x1xi32>
                %gather3A_877 = vector.shape_cast %broadcast_in_dim3A_876 : vector<16x1xi32> to vector<16xi32>
                %gather3A_878 = tpu.dynamic_gather %select_n3A_833[%gather3A_877] in [0] : vector<16xi32>, vector<16xi32> -> vector<16xi32>
                %gt3A_879 = arith.constant 0.000000e+00 : f32
                %gt3A_880 = vector.broadcast %gt3A_879 : f32 to vector<16xf32>
                %gt3A_881 = arith.cmpf ogt, %convert_element_type3A_871, %gt3A_880 : vector<16xf32>
                %gt3A_882 = arith.constant 0.000000e+00 : f32
                %gt3A_883 = vector.broadcast %gt3A_882 : f32 to vector<16xf32>
                %gt3A_884 = arith.cmpf ogt, %convert_element_type3A_872, %gt3A_883 : vector<16xf32>
                %select_n3A_885 = arith.select %gt3A_884, %gather3A_837, %gather3A_875 : vector<16xi1>, vector<16xf32>
                %select_n3A_886 = arith.select %gt3A_881, %select_n3A_825, %select_n3A_885 : vector<16xi1>, vector<16xf32>
                %gt3A_887 = arith.constant 0 : i32
                %gt3A_888 = vector.broadcast %gt3A_887 : i32 to vector<16xi32>
                %gt3A_889 = arith.cmpi sgt, %or3A_860, %gt3A_888 : vector<16xi32>
                %gt3A_890 = arith.constant 0 : i32
                %gt3A_891 = vector.broadcast %gt3A_890 : i32 to vector<16xi32>
                %gt3A_892 = arith.cmpi sgt, %and3A_870, %gt3A_891 : vector<16xi32>
                %select_n3A_893 = arith.select %gt3A_892, %gather3A_840, %gather3A_878 : vector<16xi1>, vector<16xi32>
                %select_n3A_894 = arith.select %gt3A_889, %select_n3A_833, %select_n3A_893 : vector<16xi1>, vector<16xi32>
                scf.yield %select_n3A_886, %select_n3A_894 : vector<16xf32>, vector<16xi32>
              }
              %scan3A_748 = arith.constant 8 : i32
              %swap3A_749 = arith.constant 0 : index
              %swap3A_750 = tpu.vector_load %arg26[%swap3A_749] {strides = array<i32>} : memref<16xf32, #tpu.memory_space<vmem>>, vector<16xf32>,
              %swap3A_751 = vector.shape_cast %swap3A_750 : vector<16xf32> to vector<16xf32>
              %swap3A_752 = vector.shape_cast %scan3A_747#0 : vector<16xf32> to vector<16xf32>
              tpu.vector_store %arg26[%swap3A_749], %swap3A_752 {strides = array<i32>} : memref<16xf32, #tpu.memory_space<vmem>>, vector<16xf32>,
              %swap3A_753 = arith.constant 0 : index
              %swap3A_754 = tpu.vector_load %arg27[%swap3A_753] {strides = array<i32>} : memref<16xi32, #tpu.memory_space<vmem>>, vector<16xi32>,
              %swap3A_755 = vector.shape_cast %swap3A_754 : vector<16xi32> to vector<16xi32>
              %swap3A_756 = vector.shape_cast %scan3A_747#1 : vector<16xi32> to vector<16xi32>
              tpu.vector_store %arg27[%swap3A_753], %swap3A_756 {strides = array<i32>} : memref<16xi32, #tpu.memory_space<vmem>>, vector<16xi32>,
              %slice3A_757 = vector.extract_strided_slice %scan3A_747#0 {offsets = [15], sizes = [1], strides = [1]} : vector<16xf32> to vector<1xf32>
              %squeeze3A_758 = vector.extract %slice3A_757[0] : f32 from vector<1xf32>
              %eq3A = arith.constant 0.000000e+00 : f32
              %eq3A_759 = arith.cmpf oeq, %squeeze3A_758, %eq3A : f32
              %min3A_760 = arith.constant 6.250000e-02 : f32
              %min3A_761 = arith.minimumf %squeeze3A_758, %min3A_760 : f32
              %jit3A_762 = arith.constant -1.000000e+00 : f32
              %select_n3A_763 = arith.select %eq3A_759, %jit3A_762, %min3A_761 : f32
              %swap3A_764 = arith.constant 0 : i32
              %swap3A_765 = arith.index_cast %swap3A_764 : i32 to index
              %swap3A_766 = memref.load %arg28[%swap3A_765] : memref<1xf32, #tpu.memory_space<smem>>
              memref.store %select_n3A_763, %arg28[%swap3A_765] : memref<1xf32, #tpu.memory_space<smem>>
            } else {
            }
          } else {
          }
          %scan3A_425 = arith.constant 0 : i32
          scf.yield %scan3A_425 : i32
        }
        %scan3A_96 = arith.constant 79 : i32
        %get3A_97 = arith.constant 0 : index
        %get3A_98 = tpu.vector_load %arg26[%get3A_97] {strides = array<i32>} : memref<16xf32, #tpu.memory_space<vmem>>, vector<16xf32>,
        %get3A_99 = vector.shape_cast %get3A_98 : vector<16xf32> to vector<16xf32>
        %get3A_100 = arith.constant 0 : index
        %get3A_101 = tpu.vector_load %arg27[%get3A_100] {strides = array<i32>} : memref<16xi32, #tpu.memory_space<vmem>>, vector<16xi32>,
        %get3A_102 = vector.shape_cast %get3A_101 : vector<16xi32> to vector<16xi32>
        %le3A = arith.cmpf ole, %get3A_99, %broadcast_in_dim3A_5 : vector<16xf32>
        %jit3A = arith.constant 1.000000e+00 : f32
        %jit3A_103 = arith.constant 0.000000e+00 : f32
        %broadcast_in_dim3A_104 = vector.broadcast %jit3A : f32 to vector<16xf32>
        %broadcast_in_dim3A_105 = vector.broadcast %jit3A_103 : f32 to vector<16xf32>
        %select_n3A = arith.select %le3A, %broadcast_in_dim3A_104, %broadcast_in_dim3A_105 : vector<16xi1>, vector<16xf32>
        %convert_element_type3A = arith.fptosi %select_n3A : vector<16xf32> to vector<16xi32>
        %gt3A = arith.constant 0 : i32
        %gt3A_106 = vector.broadcast %gt3A : i32 to vector<16xi32>
        %gt3A_107 = arith.cmpi sgt, %convert_element_type3A, %gt3A_106 : vector<16xi32>
        %broadcast_in_dim3A_108 = arith.constant 0 : i32
        %broadcast_in_dim3A_109 = vector.broadcast %broadcast_in_dim3A_108 : i32 to vector<16xi32>
        %select_n3A_110 = arith.select %gt3A_107, %get3A_102, %broadcast_in_dim3A_109 : vector<16xi1>, vector<16xi32>
        %mul3A_111 = arith.constant 16 : i32
        %mul3A_112 = arith.muli %scan3A_21, %mul3A_111 : i32
        %add3A_113 = arith.addi %mul3A_112, %scan3A_45 : i32
        %mul3A_114 = arith.constant 16 : i32
        %mul3A_115 = arith.muli %add3A_113, %mul3A_114 : i32
        %gt3A_116 = arith.constant 0 : i32
        %gt3A_117 = vector.broadcast %gt3A_116 : i32 to vector<16xi32>
        %gt3A_118 = arith.cmpi sgt, %convert_element_type3A, %gt3A_117 : vector<16xi32>
        %broadcast_in_dim3A_119 = arith.constant -1 : i32
        %broadcast_in_dim3A_120 = vector.broadcast %broadcast_in_dim3A_119 : i32 to vector<16xi32>
        %select_n3A_121 = arith.select %gt3A_118, %get3A_102, %broadcast_in_dim3A_120 : vector<16xi1>, vector<16xi32>
        %swap3A_122 = arith.index_cast %mul3A_115 : i32 to index
        %swap3A_123 = tpu.vector_load %arg22[%swap3A_122] {strides = array<i32>} : memref<5120xi32, #tpu.memory_space<vmem>>, vector<16xi32>,
        %swap3A_124 = vector.shape_cast %swap3A_123 : vector<16xi32> to vector<16xi32>
        %swap3A_125 = vector.shape_cast %select_n3A_121 : vector<16xi32> to vector<16xi32>
        tpu.vector_store %arg22[%swap3A_122], %swap3A_125 {strides = array<i32>} : memref<5120xi32, #tpu.memory_space<vmem>>, vector<16xi32>,
        %dma_start3A = tpu.memref_slice %arg23[%mul3A_115] : memref<5120xf32, #tpu.memory_space<vmem>> -> memref<16xf32, #tpu.memory_space<vmem>>
        %dma_start3A_126 = arith.constant 0 : i32
        %dma_start3A_127 = tpu.memref_slice %arg5[%dma_start3A_126] : memref<10112xf32, #tpu.memory_space<hbm>> -> memref<10112xf32, #tpu.memory_space<hbm>>
        tpu.enqueue_indirect_dma source(%dma_start3A_127 : memref<10112xf32, #tpu.memory_space<hbm>>) target(%dma_start3A : memref<16xf32, #tpu.memory_space<vmem>>) offsets(%select_n3A_110 : vector<16xi32>) semaphore(%arg29 : memref<!tpu.dma_semaphore, #tpu.memory_space<semaphore_mem>>)
        %dma_start3A_128 = tpu.memref_slice %arg24[%mul3A_115] : memref<5120xf32, #tpu.memory_space<vmem>> -> memref<16xf32, #tpu.memory_space<vmem>>
        %dma_start3A_129 = arith.constant 0 : i32
        %dma_start3A_130 = tpu.memref_slice %arg6[%dma_start3A_129] : memref<10112xf32, #tpu.memory_space<hbm>> -> memref<10112xf32, #tpu.memory_space<hbm>>
        tpu.enqueue_indirect_dma source(%dma_start3A_130 : memref<10112xf32, #tpu.memory_space<hbm>>) target(%dma_start3A_128 : memref<16xf32, #tpu.memory_space<vmem>>) offsets(%select_n3A_110 : vector<16xi32>) semaphore(%arg29 : memref<!tpu.dma_semaphore, #tpu.memory_space<semaphore_mem>>)
        %dma_start3A_131 = tpu.memref_slice %arg25[%mul3A_115] : memref<5120xf32, #tpu.memory_space<vmem>> -> memref<16xf32, #tpu.memory_space<vmem>>
        %dma_start3A_132 = arith.constant 0 : i32
        %dma_start3A_133 = tpu.memref_slice %arg7[%dma_start3A_132] : memref<10112xf32, #tpu.memory_space<hbm>> -> memref<10112xf32, #tpu.memory_space<hbm>>
        tpu.enqueue_indirect_dma source(%dma_start3A_133 : memref<10112xf32, #tpu.memory_space<hbm>>) target(%dma_start3A_131 : memref<16xf32, #tpu.memory_space<vmem>>) offsets(%select_n3A_110 : vector<16xi32>) semaphore(%arg29 : memref<!tpu.dma_semaphore, #tpu.memory_space<semaphore_mem>>)
        %dma_wait3A = tpu.memref_slice %arg23[%mul3A_115] : memref<5120xf32, #tpu.memory_space<vmem>> -> memref<16xf32, #tpu.memory_space<vmem>>
        %dma_wait3A_134 = arith.constant 0 : i32
        %dma_wait3A_135 = tpu.memref_slice %arg5[%dma_wait3A_134] : memref<10112xf32, #tpu.memory_space<hbm>> -> memref<10112xf32, #tpu.memory_space<hbm>>
        tpu.wait_indirect_dma semaphore(%arg29 : memref<!tpu.dma_semaphore, #tpu.memory_space<semaphore_mem>>) src(%dma_wait3A_135 : memref<10112xf32, #tpu.memory_space<hbm>>) dst(%dma_wait3A : memref<16xf32, #tpu.memory_space<vmem>>)
        %dma_wait3A_136 = tpu.memref_slice %arg24[%mul3A_115] : memref<5120xf32, #tpu.memory_space<vmem>> -> memref<16xf32, #tpu.memory_space<vmem>>
        %dma_wait3A_137 = arith.constant 0 : i32
        %dma_wait3A_138 = tpu.memref_slice %arg6[%dma_wait3A_137] : memref<10112xf32, #tpu.memory_space<hbm>> -> memref<10112xf32, #tpu.memory_space<hbm>>
        tpu.wait_indirect_dma semaphore(%arg29 : memref<!tpu.dma_semaphore, #tpu.memory_space<semaphore_mem>>) src(%dma_wait3A_138 : memref<10112xf32, #tpu.memory_space<hbm>>) dst(%dma_wait3A_136 : memref<16xf32, #tpu.memory_space<vmem>>)
        %dma_wait3A_139 = tpu.memref_slice %arg25[%mul3A_115] : memref<5120xf32, #tpu.memory_space<vmem>> -> memref<16xf32, #tpu.memory_space<vmem>>
        %dma_wait3A_140 = arith.constant 0 : i32
        %dma_wait3A_141 = tpu.memref_slice %arg7[%dma_wait3A_140] : memref<10112xf32, #tpu.memory_space<hbm>> -> memref<10112xf32, #tpu.memory_space<hbm>>
        tpu.wait_indirect_dma semaphore(%arg29 : memref<!tpu.dma_semaphore, #tpu.memory_space<semaphore_mem>>) src(%dma_wait3A_141 : memref<10112xf32, #tpu.memory_space<hbm>>) dst(%dma_wait3A_139 : memref<16xf32, #tpu.memory_space<vmem>>)
        %get3A_142 = arith.index_cast %mul3A_115 : i32 to index
        %get3A_143 = tpu.vector_load %arg23[%get3A_142] {strides = array<i32>} : memref<5120xf32, #tpu.memory_space<vmem>>, vector<16xf32>,
        %get3A_144 = vector.shape_cast %get3A_143 : vector<16xf32> to vector<16xf32>
        %mul3A_145 = arith.mulf %get3A_144, %select_n3A : vector<16xf32>
        %swap3A_146 = arith.index_cast %mul3A_115 : i32 to index
        %swap3A_147 = tpu.vector_load %arg23[%swap3A_146] {strides = array<i32>} : memref<5120xf32, #tpu.memory_space<vmem>>, vector<16xf32>,
        %swap3A_148 = vector.shape_cast %swap3A_147 : vector<16xf32> to vector<16xf32>
        %swap3A_149 = vector.shape_cast %mul3A_145 : vector<16xf32> to vector<16xf32>
        tpu.vector_store %arg23[%swap3A_146], %swap3A_149 {strides = array<i32>} : memref<5120xf32, #tpu.memory_space<vmem>>, vector<16xf32>,
        %get3A_150 = arith.index_cast %mul3A_115 : i32 to index
        %get3A_151 = tpu.vector_load %arg24[%get3A_150] {strides = array<i32>} : memref<5120xf32, #tpu.memory_space<vmem>>, vector<16xf32>,
        %get3A_152 = vector.shape_cast %get3A_151 : vector<16xf32> to vector<16xf32>
        %mul3A_153 = arith.mulf %get3A_152, %select_n3A : vector<16xf32>
        %swap3A_154 = arith.index_cast %mul3A_115 : i32 to index
        %swap3A_155 = tpu.vector_load %arg24[%swap3A_154] {strides = array<i32>} : memref<5120xf32, #tpu.memory_space<vmem>>, vector<16xf32>,
        %swap3A_156 = vector.shape_cast %swap3A_155 : vector<16xf32> to vector<16xf32>
        %swap3A_157 = vector.shape_cast %mul3A_153 : vector<16xf32> to vector<16xf32>
        tpu.vector_store %arg24[%swap3A_154], %swap3A_157 {strides = array<i32>} : memref<5120xf32, #tpu.memory_space<vmem>>, vector<16xf32>,
        %get3A_158 = arith.index_cast %mul3A_115 : i32 to index
        %get3A_159 = tpu.vector_load %arg25[%get3A_158] {strides = array<i32>} : memref<5120xf32, #tpu.memory_space<vmem>>, vector<16xf32>,
        %get3A_160 = vector.shape_cast %get3A_159 : vector<16xf32> to vector<16xf32>
        %mul3A_161 = arith.mulf %get3A_160, %select_n3A : vector<16xf32>
        %swap3A_162 = arith.index_cast %mul3A_115 : i32 to index
        %swap3A_163 = tpu.vector_load %arg25[%swap3A_162] {strides = array<i32>} : memref<5120xf32, #tpu.memory_space<vmem>>, vector<16xf32>,
        %swap3A_164 = vector.shape_cast %swap3A_163 : vector<16xf32> to vector<16xf32>
        %swap3A_165 = vector.shape_cast %mul3A_161 : vector<16xf32> to vector<16xf32>
        tpu.vector_store %arg25[%swap3A_162], %swap3A_165 {strides = array<i32>} : memref<5120xf32, #tpu.memory_space<vmem>>, vector<16xf32>,
        %scan3A_166 = arith.constant 0 : i32
        scf.yield %scan3A_166 : i32
      }
      %scan3A_43 = arith.constant 16 : i32
      %scan3A_44 = arith.constant 0 : i32
      scf.yield %scan3A_44 : i32
    }
    %scan3A_18 = arith.constant 20 : i32
    %mul3A_19 = arith.constant 16 : i32
    %mul3A_20 = arith.muli %mul3A_2, %mul3A_19 : i32
    "tpu.region"() ({
      %run_scoped3A = tpu.sem_alloc : memref<!tpu.dma_semaphore, #tpu.memory_space<semaphore_mem>>
      %dma_start3A = tpu.memref_slice %arg8[%mul3A_20] : memref<163840xi32, #tpu.memory_space<hbm>> -> memref<5120xi32, #tpu.memory_space<hbm>>
      %dma_start3A_21 = tpu.memref_slice %arg8[%mul3A_20] : memref<163840xi32, #tpu.memory_space<hbm>> -> memref<5120xi32, #tpu.memory_space<hbm>>
      tpu.enqueue_dma source(%arg22 : memref<5120xi32, #tpu.memory_space<vmem>>) target(%dma_start3A_21 : memref<5120xi32, #tpu.memory_space<hbm>>) target_semaphore(%run_scoped3A : memref<!tpu.dma_semaphore, #tpu.memory_space<semaphore_mem>>)
      %dma_wait3A = tpu.memref_slice %arg8[%mul3A_20] : memref<163840xi32, #tpu.memory_space<hbm>> -> memref<5120xi32, #tpu.memory_space<hbm>>
      %dma_wait3A_22 = tpu.memref_slice %arg8[%mul3A_20] : memref<163840xi32, #tpu.memory_space<hbm>> -> memref<5120xi32, #tpu.memory_space<hbm>>
      tpu.wait_dma2 semaphore(%run_scoped3A : memref<!tpu.dma_semaphore, #tpu.memory_space<semaphore_mem>>) src(%arg22 : memref<5120xi32, #tpu.memory_space<vmem>>) dst(%dma_wait3A_22 : memref<5120xi32, #tpu.memory_space<hbm>>)
      tpu.yield
    }) : () -> ()
    "tpu.region"() ({
      %run_scoped3A = tpu.sem_alloc : memref<!tpu.dma_semaphore, #tpu.memory_space<semaphore_mem>>
      %dma_start3A = tpu.memref_slice %arg9[%mul3A_20] : memref<163840xf32, #tpu.memory_space<hbm>> -> memref<5120xf32, #tpu.memory_space<hbm>>
      %dma_start3A_21 = tpu.memref_slice %arg9[%mul3A_20] : memref<163840xf32, #tpu.memory_space<hbm>> -> memref<5120xf32, #tpu.memory_space<hbm>>
      tpu.enqueue_dma source(%arg23 : memref<5120xf32, #tpu.memory_space<vmem>>) target(%dma_start3A_21 : memref<5120xf32, #tpu.memory_space<hbm>>) target_semaphore(%run_scoped3A : memref<!tpu.dma_semaphore, #tpu.memory_space<semaphore_mem>>)
      %dma_wait3A = tpu.memref_slice %arg9[%mul3A_20] : memref<163840xf32, #tpu.memory_space<hbm>> -> memref<5120xf32, #tpu.memory_space<hbm>>
      %dma_wait3A_22 = tpu.memref_slice %arg9[%mul3A_20] : memref<163840xf32, #tpu.memory_space<hbm>> -> memref<5120xf32, #tpu.memory_space<hbm>>
      tpu.wait_dma2 semaphore(%run_scoped3A : memref<!tpu.dma_semaphore, #tpu.memory_space<semaphore_mem>>) src(%arg23 : memref<5120xf32, #tpu.memory_space<vmem>>) dst(%dma_wait3A_22 : memref<5120xf32, #tpu.memory_space<hbm>>)
      tpu.yield
    }) : () -> ()
    "tpu.region"() ({
      %run_scoped3A = tpu.sem_alloc : memref<!tpu.dma_semaphore, #tpu.memory_space<semaphore_mem>>
      %dma_start3A = tpu.memref_slice %arg10[%mul3A_20] : memref<163840xf32, #tpu.memory_space<hbm>> -> memref<5120xf32, #tpu.memory_space<hbm>>
      %dma_start3A_21 = tpu.memref_slice %arg10[%mul3A_20] : memref<163840xf32, #tpu.memory_space<hbm>> -> memref<5120xf32, #tpu.memory_space<hbm>>
      tpu.enqueue_dma source(%arg24 : memref<5120xf32, #tpu.memory_space<vmem>>) target(%dma_start3A_21 : memref<5120xf32, #tpu.memory_space<hbm>>) target_semaphore(%run_scoped3A : memref<!tpu.dma_semaphore, #tpu.memory_space<semaphore_mem>>)
      %dma_wait3A = tpu.memref_slice %arg10[%mul3A_20] : memref<163840xf32, #tpu.memory_space<hbm>> -> memref<5120xf32, #tpu.memory_space<hbm>>
      %dma_wait3A_22 = tpu.memref_slice %arg10[%mul3A_20] : memref<163840xf32, #tpu.memory_space<hbm>> -> memref<5120xf32, #tpu.memory_space<hbm>>
      tpu.wait_dma2 semaphore(%run_scoped3A : memref<!tpu.dma_semaphore, #tpu.memory_space<semaphore_mem>>) src(%arg24 : memref<5120xf32, #tpu.memory_space<vmem>>) dst(%dma_wait3A_22 : memref<5120xf32, #tpu.memory_space<hbm>>)
      tpu.yield
    }) : () -> ()
    "tpu.region"() ({
      %run_scoped3A = tpu.sem_alloc : memref<!tpu.dma_semaphore, #tpu.memory_space<semaphore_mem>>
      %dma_start3A = tpu.memref_slice %arg11[%mul3A_20] : memref<163840xf32, #tpu.memory_space<hbm>> -> memref<5120xf32, #tpu.memory_space<hbm>>
      %dma_start3A_21 = tpu.memref_slice %arg11[%mul3A_20] : memref<163840xf32, #tpu.memory_space<hbm>> -> memref<5120xf32, #tpu.memory_space<hbm>>
      tpu.enqueue_dma source(%arg25 : memref<5120xf32, #tpu.memory_space<vmem>>) target(%dma_start3A_21 : memref<5120xf32, #tpu.memory_space<hbm>>) target_semaphore(%run_scoped3A : memref<!tpu.dma_semaphore, #tpu.memory_space<semaphore_mem>>)
      %dma_wait3A = tpu.memref_slice %arg11[%mul3A_20] : memref<163840xf32, #tpu.memory_space<hbm>> -> memref<5120xf32, #tpu.memory_space<hbm>>
      %dma_wait3A_22 = tpu.memref_slice %arg11[%mul3A_20] : memref<163840xf32, #tpu.memory_space<hbm>> -> memref<5120xf32, #tpu.memory_space<hbm>>
      tpu.wait_dma2 semaphore(%run_scoped3A : memref<!tpu.dma_semaphore, #tpu.memory_space<semaphore_mem>>) src(%arg25 : memref<5120xf32, #tpu.memory_space<vmem>>) dst(%dma_wait3A_22 : memref<5120xf32, #tpu.memory_space<hbm>>)
      tpu.yield
    }) : () -> ()
    return
  }
}

</mosaic_0001>

<sc_bundles>
// kernel: kernel.3.cloned.1.call-start
scs
__scs_entry_jumppad:
0x0: {  	(pc) =	sbr.rel $0x88, $3  }
0x1: {  	(tag) =	ssettag $0x0;
	lr =	simm.s32 $0x1  }
0x2: {  	[smem:$0x3F9F] =	sst lr;
	_ =	strace $0xD0000000  }
0x3: {  	_ = 	snop  }
0x4: {  	_ = 	snop  }
0x5: {  	_ = 	snop  }
0x6: {  	_ = 	snop  }
0x7: {  	_ = 	snop  }
__scs_overlays_trampoline_lowered:
0x8: {  	[smem:$0x3FAE] =	sst s0  }
0x9: {  	[smem:$0x3FAF] =	sst s1  }
0xa: {  	[smem:$0x3FB0] =	sst s2  }
0xb: {  	[smem:$0x3FB1] =	sst s3  }
0xc: {  	[smem:$0x3FB2] =	sst s4  }
0xd: {  	[smem:$0x3FB3] =	sst s5  }
0xe: {  	[smem:$0x3FB4] =	sst s6  }
0xf: {  	[smem:$0x3FB5] =	sst s7  }
0x10: {  	[smem:$0x3FB6] =	sst s8  }
0x11: {  	[smem:$0x3FB7] =	sst s9;
	s0 =	simm.s32 @!p0 $0x0  }
0x12: {  	s1 =	sld [smem:$0x3F9D];
	s0 =	simm.s32 @p0 $0x1  }
0x13: {  	[smem:$0x3FB8] =	sst s0;
	s0 =	simm.s32 @!p1 $0x0  }
0x14: {  	s2 =	sld [smem:$0x3F9C];
	s0 =	simm.s32 @p1 $0x1  }
0x15: {  	[smem:$0x3FB9] =	sst s0;
	s0 =	simm.s32 @!p2 $0x0  }
0x16: {  	s3 =	sld [smem:$0x3FDB];
	s0 =	simm.s32 @p2 $0x1  }
0x17: {  	s4 =	simm.s32 $0x1BF5;
	[smem:$0x3FBB] =	sst s0  }
0x18: {  	s0 =	sld [smem:$0x3F9E];
	_ =	swait.ge [sflag:s4], $0x0  }
0x19: {  	s7 =	sld [smem:$0x3F9F]  }
0x1a: {  	s8 =	sadd.s32 $0xFFFFE003, lr  }
0x1b: {  	s9 =	sadd.s32 $0xFFFFFEF7, lr;
	s5 =	simm.s32 $0xFFFFFFFF;
	p2 =	slt.u32 s8, $0xFFFFF086  }
0x1c: {  	p1 =	slt.u32 s9, $0xF7A;
	s5 =	simm.s32 @!p2 $0x0  }
0x1d: {  	s5 =	simm.s32 @p1 $0x1;
	p0 =	seq.s32 s7, s2  }
0x1e: {  	s7 =	smul.u32 @!p0 $0xF7A, s2;
	p2 =	seq.s32 @!p0 s5, $0x0  }
0x1f: {  	s9 =	smul.u32 $0xF7A, s1;
	s8 =	simm.s32 @!p0 $0x1BF5;
	p2 =	por !p2, p0  }
0x20: {  	[sflag:s8] =	ssyncset.s32 @!p0 $0xFFFFF086;
	s6 =	sadd.s32 @!p0 s3, s7;
	s7 =	simm.s32 @!p0 $0x108  }
0x21: {  	s3 =	sadd.s32 s3, s9;
	s6 =	sadd.s32 @!p0 $0x88, s6;
	s7 =	simm.s32 @p2 $0x1082  }
0x22: {  	[simem:s7], [sflag:s8] =	dma.local @!p0 [hbm:s6], $0xF7A  }
0x23: {  	s9 =	sor.u32 $0xD0000000, s2;
	s6 =	simm.s32 $0x108;
	_ =	swait.ge @!p0 [sflag:s8], $0x0  }
0x24: {  	s3 =	sadd.s32 $0x88, s3;
	s6 =	simm.s32 @!p1 $0x1082;
	[sflag:s4] =	ssyncset.s32 $0xFFFFF086  }
0x25: {  	[simem:s6], [sflag:s4] =	dma.local [hbm:s3], $0xF7A  }
0x26: {  	[smem:$0x3F9F] =	sst s1;
	(tag) =	ssettag s2;
	_ =	strace s9  }
0x27: {  	s1 =	sld [smem:$0x3FAF]  }
0x28: {  	s2 =	sld [smem:$0x3FB0]  }
0x29: {  	s4 =	sld [smem:$0x3FB2]  }
0x2a: {  	p0 =	seq.s32 s5, $0x0;
	s5 =	sld [smem:$0x3FB3]  }
0x2b: {  	s6 =	sld [smem:$0x3FB4]  }
0x2c: {  	s7 =	sld [smem:$0x3FB5]  }
0x2d: {  	s3 =	simm.s32 $0x108;
	s8 =	sld [smem:$0x3FB6]  }
0x2e: {  	s3 =	simm.s32 @!p0 $0x1082;
	s9 =	sld [smem:$0x3FB7]  }
0x2f: {  	lr =	sadd.s32 s0, s3;
	s0 =	sld [smem:$0x3FAE]  }
0x30: {  	s3 =	sld [smem:$0x3FB1]  }
0x31: {  	[smem:$0x3FBA] =	sst s10  }
0x32: {  	s10 =	sld [smem:$0x3FB8];
	_ =	sdelay $0x3  }
0x33: {  	p0 =	seq.s32 s10, $0x1;
	s10 =	sld [smem:$0x3FBA];
	_ =	sdelay $0x3  }
0x34: {  	[smem:$0x3FBA] =	sst s10  }
0x35: {  	s10 =	sld [smem:$0x3FB9];
	_ =	sdelay $0x3  }
0x36: {  	p1 =	seq.s32 s10, $0x1;
	s10 =	sld [smem:$0x3FBA];
	_ =	sdelay $0x3  }
0x37: {  	[smem:$0x3FBA] =	sst s10  }
0x38: {  	s10 =	sld [smem:$0x3FBB]  }
0x39: {  	_ = 	snop;
	(pc) =	sbr.ind lr, $3  }
0x3a: {  	_ = 	snop  }
0x3b: {  	_ = 	snop  }
0x3c: {  	p2 =	seq.s32 s10, $0x1;
	s10 =	sld [smem:$0x3FBA]  }
0x3d: {  	_ =	shalt  }
0x3e: {  	_ =	shalt  }
0x3f: {  	_ =	shalt  }
0x40: {  	_ =	shalt  }
0x41: {  	_ =	shalt  }
0x42: {  	_ =	shalt  }
0x43: {  	_ =	shalt  }
0x44: {  	_ =	shalt  }
0x45: {  	_ =	shalt  }
0x46: {  	_ =	shalt  }
0x47: {  	_ =	shalt  }
0x48: {  	_ =	shalt  }
0x49: {  	_ =	shalt  }
0x4a: {  	_ =	shalt  }
0x4b: {  	_ =	shalt  }
0x4c: {  	_ =	shalt  }
0x4d: {  	_ =	shalt  }
0x4e: {  	_ =	shalt  }
0x4f: {  	_ =	shalt  }
0x50: {  	_ =	shalt  }
0x51: {  	_ =	shalt  }
0x52: {  	_ =	shalt  }
0x53: {  	_ =	shalt  }
0x54: {  	_ =	shalt  }
0x55: {  	_ =	shalt  }
0x56: {  	_ =	shalt  }
0x57: {  	_ =	shalt  }
0x58: {  	_ =	shalt  }
0x59: {  	_ =	shalt  }
0x5a: {  	_ =	shalt  }
0x5b: {  	_ =	shalt  }
0x5c: {  	_ =	shalt  }
0x5d: {  	_ =	shalt  }
0x5e: {  	_ =	shalt  }
0x5f: {  	_ =	shalt  }
0x60: {  	_ =	shalt  }
0x61: {  	_ =	shalt  }
0x62: {  	_ =	shalt  }
0x63: {  	_ =	shalt  }
0x64: {  	_ =	shalt  }
0x65: {  	_ =	shalt  }
0x66: {  	_ =	shalt  }
0x67: {  	_ =	shalt  }
0x68: {  	_ =	shalt  }
0x69: {  	_ =	shalt  }
0x6a: {  	_ =	shalt  }
0x6b: {  	_ =	shalt  }
0x6c: {  	_ =	shalt  }
0x6d: {  	_ =	shalt  }
0x6e: {  	_ =	shalt  }
0x6f: {  	_ =	shalt  }
0x70: {  	_ =	shalt  }
0x71: {  	_ =	shalt  }
0x72: {  	_ =	shalt  }
0x73: {  	_ =	shalt  }
0x74: {  	_ =	shalt  }
0x75: {  	_ =	shalt  }
0x76: {  	_ =	shalt  }
0x77: {  	_ =	shalt  }
0x78: {  	_ =	shalt  }
0x79: {  	_ =	shalt  }
0x7a: {  	_ =	shalt  }
0x7b: {  	_ =	shalt  }
0x7c: {  	_ =	shalt  }
0x7d: {  	_ =	shalt  }
0x7e: {  	_ =	shalt  }
0x7f: {  	_ =	shalt  }
0x80: {  	_ =	shalt  }
0x81: {  	_ =	shalt  }
0x82: {  	_ =	shalt  }
0x83: {  	_ =	shalt  }
0x84: {  	_ =	shalt  }
0x85: {  	_ =	shalt  }
0x86: {  	_ =	shalt  }
0x87: {  	_ =	shalt  }
.Lfunc_end0:
.L_simem_size_0:
called_computation_lowered:
.L_overlay_start_0:
0x88: {  	s2 =	sld [smem:$0x3FD9]  }
0x89: {  	s3 =	sld [smem:$0x3FFE];
	_ =	sdelay $0x1  }
0x8a: {  	s1 =	srdreg.scid  }
0x8b: {  	s0 =	sand.u32 $0x1, s1  }
0x8c: {  	s14 =	sshll.u32 s0, $0xA;
	s2 =	sadd.s32 s3, s2  }
0x8d: {  	s2 =	sadd.s32 s2, s14  }
0x8e: {  	[smem:$0x3FC6] =	sst s2  }
0x8f: {  	_ = 	snop  }
0x90: {  	s2 =	sld [smem:$0x3FD0];
	_ =	sdelay $0x2  }
0x91: {  	s15 =	simm.s32 $0xA;
	s4 =	simm.s32 $0x10  }
0x92: {  	[smem:s4], [sflag:s15] =	dma.local [hbm:s2], $0x1  }
0x93: {  	_ =	swait.eq [sflag:s15], $0x1  }
0x94: {  	[sflag:s15] =	ssyncset.done $0x0  }
0x95: {  	s16 =	sld [smem:$0x10];
	[sflag:s15] =	ssyncadd.s32 $0xFFFFFFFF  }
0x96: {  	s17 =	sld [smem:$0x11];
	(tm) =	ssettm $0x1  }
0x97: {  	s18 =	sld [smem:$0x3FFB];
	_ =	sdelay $0x3  }
0x98: {  	_ =	strace s18  }
0x99: {  	s4 =	sld [smem:$0x3FFC];
	_ =	sdelay $0x3  }
0x9a: {  	_ =	strace s4  }
0x9b: {  	s4 =	sld [smem:$0x3FFD];
	_ =	sdelay $0x3  }
0x9c: {  	_ =	strace s4  }
0x9d: {  	_ =	strace $0x8FFFFFFF  }
0x9e: {  	s19 =	sld [smem:$0x3FDB];
	_ =	sdelay $0x1  }
0x9f: {  	s5 =	simm.s32 $_scs_section_size  }
0xa0: {  	s6 =	simm.s32 $_size__tile_overlayer_lowered;
	s7 =	simm.s32 $_tile_overlayer_lowered  }
0xa1: {  	s22 =	simm.s32 $0x1BFF;
	s21 =	sshll.u32 s7, $0x1;
	s4 =	sadd.s32 s5, s19  }
0xa2: {  	s8 =	simm.s32 $0x0;
	s20 =	sshll.u32 s6, $0x1;
	s6 =	sadd.s32 s21, s4  }
0xa3: {  	[timem:s8], [sflag:s22] =	dma.local [hbm:s6], s20  }
0xa4: {  	_ =	swait.ge [sflag:s22], s20  }
0xa5: {  	s5 =	ssub.s32 $0x0, s20;
	[sflag:s22] =	ssyncset.done $0x0  }
0xa6: {  	[sflag:s22] =	ssyncadd.s32 s5;
	_ =	sdelay $0x1  }
0xa7: {  	s23 =	simm.s32 $0x1B8B  }
0xa8: {  	_ =	swait.ge [sflag:s23], $0x1  }
0xa9: {  	[sflag:s23] =	ssyncset.done $0x0  }
0xaa: {  	s25 =	simm.s32 $0x1B8E;
	s24 =	sld [smem:$0x3FFE];
	[sflag:s23] =	ssyncadd.s32 $0xFFFFFFFF  }
0xab: {  	s26 =	simm.s32 $execute0_lowered;
	[smem:$0x3FD2] =	sst s25  }
0xac: {  	s6 =	sshll.u32 s26, $0x1;
	_ =	strace $0x80000046;
	[dreg:$0x1] =	wrdreg $0xFFFFFFFF  }
0xad: {  	s28 =	simm.s32 $_size_execute0_lowered;
	s4 =	sadd.s32 s4, s6;
	[dreg:$0x0] =	wrdreg $0x0  }
0xae: {  	s6 =	sshll.u32 s28, $0x1;
	[dreg:$0x2] =	wrdreg s4  }
0xaf: {  	[dreg:$0x3] =	wrdreg s6  }
0xb0: {  	[dreg:$0x4] =	wrdreg $0xC0  }
0xb1: {  	_ =	task [dreg:s8], $0x5FFFF  }
0xb2: {  	[dreg:$0x1] =	wrdreg $0xFFFFFFFF  }
0xb3: {  	[dreg:$0x0] =	wrdreg $0x60  }
0xb4: {  	[dreg:$0x2] =	wrdreg s16  }
0xb5: {  	[dreg:$0x3] =	wrdreg s24  }
0xb6: {  	[dreg:$0x4] =	wrdreg s17  }
0xb7: {  	[dreg:$0x5] =	wrdreg $0x9  }
0xb8: {  	_ =	task.clear_ibuf [dreg:s8], $0x6FFFF;
	_ =	strace $0x90000046  }
0xb9: {  	s29 =	simm.s32 $0x9;
	_ =	strace $0x80000048  }
0xba: {  	_ =	swait.ge [sflag:s29], $0x1  }
0xbb: {  	[sflag:s29] =	ssyncadd.s32 $0xFFFFFFFF  }
0xbc: {  	_ =	strace $0x90000048  }
0xbd: {  	_ =	sfence  }
0xbe: {  	s30 =	sld [smem:$0x0];
	_ =	sdelay $0x2  }
0xbf: {  	s31 =	sshll.u32 s1, $0xD;
	s1 =	sshrl.u32 s1, $0x2  }
0xc0: {  	s3 =	sand.u32 $0x4000, s31;
	s1 =	sadd.s32 s1, s30  }
0xc1: {  	s0 =	sor.u32 s3, s0;
	s1 =	sshll.u32 s1, $0x11  }
0xc2: {  	s0 =	sor.u32 s1, s0  }
0xc3: {  	s0 =	sadd.s32 $0x8F2B, s0  }
0xc4: {  	[sflag:s0] =	ssyncadd.remote.s32 $0x1  }
0xc5: {  	_ =	sfence.sel $0xFFFF  }
0xc6: {  	[dreg:$0x0] =	wrdreg $0xFFFFFFFF;
	(pc) =	sbr.abs _section_cstart, $3  }
0xc7: {  	[dreg:$0x1] =	wrdreg $0xFFFFFFFF  }
0xc8: {  	_ =	task.clear_ibuf [dreg:s8], $0x2FFFF;
	_ =	strace $0x9FFFFFFF  }
0xc9: {  	(tm) =	ssettm $0x7FFFFFFF  }
tec
execute0_lowered:
.L_overlay_start_1:
0x0: {  	(tag) =	ssettag $0x1  }
0x1: {  	s0 =	rddreg [dreg:$0x0];
	v0 =	vimm.s32 $0xFEDCBA98  }
0x2: {  	s1 =	rddreg [dreg:$0x1];
	v1 =	vimm.s32 $0x76543210;
	v2 =	vimm.s32 $0xBA98FEDC;
	v3 =	vimm.s32 $0x32107654  }
0x3: {  	s2 =	srdreg.scid;
	s3 =	stileid.u32;
	v5 =	vimm.s32 $0xEFCDAB89;
	v6 =	vimm.s32 $0x67452301;
	v7 =	vimm.s32 $0xEDCBA987  }
0x4: {  	s9 =	rddreg [dreg:$0x2];
	s14 =	simm.s32 $0x2;
	s17 =	simm.s32 $0x11480;
	v0 =	vunpack.c.l.s4.s8 v0;
	v2 =	vunpack.c.l.s4.s8 v2;
	v3 =	vunpack.c.l.s4.s8 v3  }
0x5: {  	v8 =	vimm.s32 $0x65432100;
	s18 =	simm.s32 $0x11600;
	s19 =	simm.s32 $0x11780;
	s20 =	simm.s32 $0x3D800000;
	v1 =	vunpack.c.l.s4.s8 v1  }
0x6: {  	s21 =	simm.s32 $0x1;
	s22 =	simm.s32 $0x11900;
	s23 =	simm.s32 $0x12D00;
	v0 =	vunpack.c.0.s8.s32 v0;
	v2 =	vunpack.c.0.s8.s32 v2;
	v3 =	vunpack.c.0.s8.s32 v3  }
0x7: {  	vm0 =	vmmov $0xffff;
	s24 =	simm.s32 $0x14100;
	s6 =	sand.u32 $0x1, s2;
	s3 =	sshll.u32 s3, $0x1;
	v5 =	vunpack.c.l.s4.s8 v5;
	v1 =	vunpack.c.0.s8.s32 v1  }
0x8: {  	s25 =	simm.s32 $0x15500;
	s26 =	simm.s32 $0x0;
	v6 =	vunpack.c.l.s4.s8 v6;
	s4 =	sor.u32 s6, s3;
	v4 =	vand.u32 $0xF, v0;
	v2 =	vcombine.low v3, v2  }
0x9: {  	s2 =	simm.s32 $0x0;
	s5 =	sadd.s32 $0xC00, s1;
	s10 =	smul.u32 $0x280, s4;
	v3 =	vimm.s32 $0xDCFE98BA;
	v1 =	vcombine.low v4, v1;
	v4 =	vimm.s32 $0x54761032  }
0xa: {  	v7 =	vunpack.c.l.s4.s8 v7;
	[smem:$0x7FF] =	sst s2;
	s8 =	ssub.s32 $0x2, s6;
	s7 =	smul.u32 $0x28, s4;
	v3 =	vunpack.c.l.s4.s8 v3;
	v4 =	vunpack.c.l.s4.s8 v4  }
.Ltmp0:
0xb: {  	v8 =	vunpack.c.l.s4.s8 v8;
	s3 =	sadd.s32 $0x1800, s1;
	s11 =	sshrl.u32 s8, $0x1;
	v5 =	vunpack.c.0.s8.s32 v5;
	v6 =	vunpack.c.0.s8.s32 v6;
	(pc) =	sbr.rel .LBB2_1-.Ltmp0, $4  }
0xc: {  	_ =	strace $0x80000047;
	s4 =	sadd.s32 $0x1200, s1;
	v7 =	vunpack.c.0.s8.s32 v7;
	s31 =	ssub.s32 s8, s11;
	v9 =	vunpack.c.0.s8.s32 v3;
	v4 =	vunpack.c.0.s8.s32 v4  }
0xd: {  	v8 =	vunpack.c.0.s8.s32 v8;
	v0 =	vimm.f32 $+Inf;
	s12 =	sadd.s32 s10, s1;
	s6 =	sadd.s32 s1, s7;
	s7 =	sadd.s32 s0, s7;
	v5 =	vcombine.low v6, v5  }
0xe: {  	s9 =	sadd.s32 s9, s10;
	s13 =	smax.u32 s31, $0x1;
	v6 =	vimm.f32 $0.0e+00;
	s8 =	sadd.s32 $0x600, s6;
	v4 =	vcombine.low v4, v9;
	v9 =	vand.u32 $0xF, v7  }
0xf: {  	s10 =	sadd.s32 $0x1E00, s12;
	s11 =	sadd.s32 $0x6E00, s12;
	s12 =	sadd.s32 $0xBE00, s12;
	v3 =	vimm.s32 $0x2710;
	v7 =	vlaneseq.u32;
	v8 =	vcombine.low v8, v9  }
.LBB2_42:
0x10: {  	[hbm4b:s9+s2] =	stream.linear.scatter [tilespmem:s22], [sflag:$0x2], $0x1400, $0x38;
	[tilespmem:$0x16A00] =	vst v63  }
0x11: {  	_ =	swait.ge [sflag:s14], $0x1400  }
0x12: {  	[sflag:s14] =	ssyncset.done $0x0  }
0x13: {  	[sflag:s14] =	ssyncadd.s32 $0xFFFFEC00  }
0x14: {  	[hbm4b:s10+s2] =	stream.linear.scatter [tilespmem:s23], [sflag:$0x2], $0x1400, $0x38;
	[tilespmem:$0x16A00] =	vst v63  }
0x15: {  	_ =	swait.ge [sflag:s14], $0x1400  }
0x16: {  	[sflag:s14] =	ssyncset.done $0x0  }
0x17: {  	[sflag:s14] =	ssyncadd.s32 $0xFFFFEC00  }
0x18: {  	[hbm4b:s11+s2] =	stream.linear.scatter [tilespmem:s24], [sflag:$0x2], $0x1400, $0x38;
	[tilespmem:$0x16A00] =	vst v63  }
0x19: {  	s26 =	sadd.s32 $0x1, s26;
	_ =	swait.ge [sflag:s14], $0x1400  }
0x1a: {  	p0 =	sne.s32 s26, s13;
	[sflag:s14] =	ssyncset.done $0x0  }
.Ltmp1:
0x1b: {  	[sflag:s14] =	ssyncadd.s32 $0xFFFFEC00;
	(pc) =	sbr.rel @!p0 .LBB2_43-.Ltmp1, $4  }
0x1c: {  	[hbm4b:s12+s2] =	stream.linear.scatter [tilespmem:s25], [sflag:$0x2], $0x1400, $0x38;
	[tilespmem:$0x16A00] =	vst v63  }
0x1d: {  	_ =	swait.ge [sflag:s14], $0x1400  }
0x1e: {  	[sflag:s14] =	ssyncset.done $0x0  }
0x1f: {  	[sflag:s14] =	ssyncadd.s32 $0xFFFFEC00  }
.LBB2_1:
0x20: {  	[tilespmem:s2], [sflag:$0x2] =	stream.linear.gather [hbm4b:s3+s2], $0x2780, $0x38;
	[tilespmem:$0x16A00] =	vst v63  }
0x21: {  	_ =	swait.ge [sflag:s14], $0x2780  }
0x22: {  	[sflag:s14] =	ssyncset.done $0x0  }
0x23: {  	s0 =	simm.s32 $0x2780;
	[sflag:s14] =	ssyncadd.s32 $0xFFFFD880  }
0x24: {  	[tilespmem:s0], [sflag:$0x2] =	stream.linear.gather [hbm4b:s4+s2], $0x2780, $0x38;
	[tilespmem:$0x16A00] =	vst v63  }
0x25: {  	_ =	swait.ge [sflag:s14], $0x2780  }
0x26: {  	[sflag:s14] =	ssyncset.done $0x0  }
0x27: {  	s31 =	simm.s32 $0x4F00;
	[sflag:s14] =	ssyncadd.s32 $0xFFFFD880  }
0x28: {  	[tilespmem:s31], [sflag:$0x2] =	stream.linear.gather [hbm4b:s5+s2], $0x2780, $0x38;
	[tilespmem:$0x16A00] =	vst v63  }
0x29: {  	_ =	swait.ge [sflag:s14], $0x2780  }
0x2a: {  	[sflag:s14] =	ssyncset.done $0x0  }
0x2b: {  	[sflag:s14] =	ssyncadd.s32 $0xFFFFD880  }
0x2c: {  	[tilespmem:s17], [sflag:$0x2] =	stream.linear.gather [hbm4b:s7+s2], $0x140, $0x38;
	[tilespmem:$0x16A00] =	vst v63  }
0x2d: {  	_ =	swait.ge [sflag:s14], $0x140  }
0x2e: {  	[sflag:s14] =	ssyncset.done $0x0  }
0x2f: {  	[sflag:s14] =	ssyncadd.s32 $0xFFFFFEC0  }
0x30: {  	[tilespmem:s18], [sflag:$0x2] =	stream.linear.gather [hbm4b:s8+s2], $0x140, $0x38;
	[tilespmem:$0x16A00] =	vst v63  }
0x31: {  	_ =	swait.ge [sflag:s14], $0x140  }
0x32: {  	[sflag:s14] =	ssyncset.done $0x0  }
0x33: {  	[sflag:s14] =	ssyncadd.s32 $0xFFFFFEC0  }
0x34: {  	[tilespmem:s19], [sflag:$0x2] =	stream.linear.gather [hbm4b:s6+s2], $0x140, $0x38;
	[tilespmem:$0x16A00] =	vst v63  }
0x35: {  	_ =	swait.ge [sflag:s14], $0x140  }
0x36: {  	[sflag:s14] =	ssyncset.done $0x0  }
0x37: {  	s1 =	simm.s32 $0x0;
	[sflag:s14] =	ssyncadd.s32 $0xFFFFFEC0  }
0x38: {  	v10 =	vld [tilespmem:s1+$0x4F00]  }
0x39: {  	v11 =	vld [tilespmem:s1+$0x0]  }
0x3a: {  	v15 =	vld [tilespmem:s1+$0x2780];
	_ =	sdelay $0x2  }
0x3b: {  	v13 =	vmul.f32 $6.553700000e+04, v10  }
0x3c: {  	s0 =	simm.s32 $0x10;
	v14 =	vmul.f32 $6.553700000e+04, v11  }
0x3d: {  	v9 =	vld [tilespmem:s0+$0x4F00];
	v16 =	vmul.f32 v11, v11;
	v17 =	vmul.f32 v15, v15;
	v18 =	vsub.f32 v13, v10  }
0x3e: {  	v12 =	vmul.f32 $6.553700000e+04, v15;
	v19 =	vsub.f32 v14, v11;
	v11 =	vld [tilespmem:s0+$0x0]  }
0x3f: {  	v17 =	vadd.f32 v17, v16;
	v16 =	vsub.f32 v13, v18;
	v13 =	vmul.f32 v10, v10;
	v10 =	vld [tilespmem:s0+$0x2780];
	_ =	sdelay $0x1  }
0x40: {  	s15 =	simm.s32 $0x80;
	v15 =	vsub.f32 v12, v15;
	v14 =	vsub.f32 v14, v19  }
.LBB2_2:
0x41: {  	s28 =	sshra.s32 s15, $0x2;
	p0 =	sne.s32 s15, $0x9DC0;
	s15 =	sadd.s32 $0x40, s15;
	v18 =	vmul.f32 $6.553700000e+04, v9;
	v17 =	vadd.f32 v13, v17;
	v13 =	vmul.f32 v9, v9;
	[tilespmem:s1+$0xC580] =	vst v16;
	v16 =	vmovc v9  }
.Ltmp2:
0x42: {  	v9 =	vld [tilespmem:s28+$0x4F00];
	v19 =	vmul.f32 v11, v11;
	v20 =	vmul.f32 $6.553700000e+04, v11;
	[tilespmem:s1+$0x7680] =	vst v14;
	v14 =	vsub.f32 v12, v15;
	v15 =	vmovc v11;
	(pc) =	sbr.rel @p0 .LBB2_2-.Ltmp2, $4  }
0x43: {  	v11 =	vld [tilespmem:s28+$0x0];
	v21 =	vmul.f32 v10, v10;
	v12 =	vmul.f32 $6.553700000e+04, v10;
	v16 =	vsub.f32 v18, v16;
	[tilespmem:s1+$0xED00] =	vst v17;
	v22 =	vmovc v10  }
0x44: {  	v10 =	vld [tilespmem:s28+$0x2780];
	v15 =	vsub.f32 v20, v15;
	[tilespmem:s1+$0x9E00] =	vst v14;
	s1 =	smov.u32 s0;
	s0 =	smov.u32 s28  }
0x45: {  	v17 =	vadd.f32 v21, v19;
	v16 =	vsub.f32 v18, v16  }
0x46: {  	v14 =	vsub.f32 v20, v15;
	v15 =	vsub.f32 v12, v22  }
0x47: {  	v18 =	vmul.f32 $6.553700000e+04, v9  }
0x48: {  	v13 =	vadd.f32 v13, v17;
	v59 =	vmul.f32 $6.553700000e+04, v11  }
0x49: {  	[tilespmem:s1+$0xC580] =	vst v16;
	v60 =	vmul.f32 v11, v11;
	v19 =	vmul.f32 v10, v10;
	v20 =	vsub.f32 v18, v9  }
0x4a: {  	[tilespmem:s1+$0x7680] =	vst v14;
	v12 =	vsub.f32 v12, v15;
	v61 =	vmul.f32 $6.553700000e+04, v10;
	v11 =	vsub.f32 v59, v11  }
0x4b: {  	v9 =	vmul.f32 v9, v9;
	[tilespmem:s1+$0xED00] =	vst v13;
	v62 =	vadd.f32 v19, v60;
	v63 =	vsub.f32 v18, v20  }
.Ltmp3:
0x4c: {  	[tilespmem:s1+$0x9E00] =	vst v12;
	v10 =	vsub.f32 v61, v10;
	v11 =	vsub.f32 v59, v11;
	(pc) =	sbr.rel .LBB2_4-.Ltmp3, $4  }
0x4d: {  	v9 =	vadd.f32 v9, v62;
	[tilespmem:s0+$0xC580] =	vst v63  }
0x4e: {  	v10 =	vsub.f32 v61, v10;
	[tilespmem:s0+$0x7680] =	vst v11  }
0x4f: {  	[tilespmem:s0+$0xED00] =	vst v9  }
0x50: {  	s28 =	simm.s32 $0x0;
	[tilespmem:s0+$0x9E00] =	vst v10  }
.LBB2_41:
0x51: {  	s28 =	sadd.s32 $0x1, s28  }
0x52: {  	p0 =	sne.s32 s28, $0x14  }
.Ltmp4:
0x53: {  	_ = 	snop;
	(pc) =	sbr.rel @!p0 .LBB2_42-.Ltmp4, $1  }
0x54: {  	_ =	sdelay $0x3  }
.LBB2_4:
.Ltmp5:
0x55: {  	(pc) =	sbr.rel .LBB2_5-.Ltmp5, $4  }
0x56: {  	s29 =	sshll.u32 s28, $0x4  }
0x57: {  	v9 =	vld [tilespmem:s29+$0x11480]  }
0x58: {  	v10 =	vld [tilespmem:s29+$0x11600]  }
0x59: {  	s30 =	simm.s32 $0x0;
	v11 =	vld [tilespmem:s29+$0x11780]  }
.LBB2_40:
0x5a: {  	v12 =	vld [tilespmem:$0x16900];
	_ =	sdelay $0x4  }
0x5b: {  	vm1 =	vle.f32 v12, $6.250000000e-02  }
0x5c: {  	v60 =	vld [tilespmem:$0x16980];
	v13 =	vsel vm1, $0x3F800000, v6  }
0x5d: {  	v14 =	vtrunc.f32 v13  }
0x5e: {  	v14 =	vcvt.f32.s32 v14;
	_ =	sdelay $0x1  }
0x5f: {  	vm1 =	vgt.s32 v14, $0x0  }
0x60: {  	v14 =	vnsel vm1, $0x0, v60;
	_ =	sdelay $0x1  }
0x61: {  	s0 =	sor.u32 s29, s30  }
0x62: {  	s0 =	sshll.u32 s0, $0x4;
	v12 =	vnsel vm1, $0xFFFFFFFF, v60  }
0x63: {  	s1 =	sadd.s32 $0x12D00, s0;
	[tilespmem:s0+$0x11900] =	vst v12  }
0x64: {  	[tilespmem:s1], [sflag:$0x1] =	stream.indirect_vreg.gather [hbm4b:s3+s2], $0x1, v14, vm0, $0xb8;
	[tilespmem:$0x16A00] =	vst v63  }
0x65: {  	s16 =	sadd.s32 $0x14100, s0  }
0x66: {  	[tilespmem:s16], [sflag:$0x1] =	stream.indirect_vreg.gather [hbm4b:s4+s2], $0x1, v14, vm0, $0xb8;
	[tilespmem:$0x16A00] =	vst v63  }
0x67: {  	s31 =	sadd.s32 $0x15500, s0  }
0x68: {  	[tilespmem:s31], [sflag:$0x1] =	stream.indirect_vreg.gather [hbm4b:s5+s2], $0x1, v14, vm0, $0xb8;
	[tilespmem:$0x16A00] =	vst v63  }
0x69: {  	_ =	swait.ge [sflag:s21], $0x10  }
0x6a: {  	[sflag:s21] =	ssyncset.done $0x0  }
0x6b: {  	[sflag:s21] =	ssyncadd.s32 $0xFFFFFFF0  }
0x6c: {  	_ =	swait.ge [sflag:s21], $0x10  }
0x6d: {  	[sflag:s21] =	ssyncset.done $0x0  }
0x6e: {  	[sflag:s21] =	ssyncadd.s32 $0xFFFFFFF0  }
0x6f: {  	_ =	swait.ge [sflag:s21], $0x10  }
0x70: {  	[sflag:s21] =	ssyncset.done $0x0  }
0x71: {  	[sflag:s21] =	ssyncadd.s32 $0xFFFFFFF0  }
0x72: {  	v61 =	vld [tilespmem:s0+$0x12D00]  }
0x73: {  	v62 =	vld [tilespmem:s0+$0x14100]  }
0x74: {  	v15 =	vld [tilespmem:s0+$0x15500]  }
0x75: {  	s30 =	sadd.s32 $0x1, s30  }
0x76: {  	p0 =	sne.s32 s30, $0x10  }
.Ltmp6:
0x77: {  	v12 =	vmul.f32 v61, v13;
	(pc) =	sbr.rel @!p0 .LBB2_41-.Ltmp6, $4  }
0x78: {  	v14 =	vmul.f32 v62, v13  }
0x79: {  	v63 =	vmul.f32 v15, v13;
	[tilespmem:s0+$0x12D00] =	vst v12  }
0x7a: {  	[tilespmem:s0+$0x14100] =	vst v14  }
0x7b: {  	[tilespmem:s0+$0x15500] =	vst v63  }
.LBB2_5:
0x7c: {  	v12 =	vmov s30  }
0x7d: {  	v12 =	vand.u32 $0xF, v12  }
0x7e: {  	v12 =	vbroadcast v12, $0x0;
	_ =	sdelay $0x1  }
0x7f: {  	v13 =	vperm.xlane v9, v12  }
0x80: {  	v14 =	vperm.xlane v10, v12  }
0x81: {  	v12 =	vperm.xlane v11, v12;
	v15 =	vmul.f32 v13, v13  }
0x82: {  	v16 =	vmul.f32 v14, v14;
	v17 =	vmul.f32 $6.553700000e+04, v13  }
.Ltmp7:
0x83: {  	v18 =	vmul.f32 $6.553700000e+04, v14;
	v19 =	vmul.f32 $6.553700000e+04, v12;
	(pc) =	sbr.rel .LBB2_6-.Ltmp7, $4  }
0x84: {  	v15 =	vadd.f32 v16, v15;
	v16 =	vmul.f32 v12, v12;
	v13 =	vsub.f32 v17, v13  }
0x85: {  	v14 =	vsub.f32 v18, v14;
	v20 =	vsub.f32 v19, v12  }
0x86: {  	[tilespmem:$0x16900] =	vst v0;
	v12 =	vadd.f32 v16, v15;
	v13 =	vsub.f32 v17, v13  }
0x87: {  	[tilespmem:$0x16980] =	vst v3;
	[smem:$0x0] =	sst s20;
	s31 =	simm.s32 $0x0;
	v14 =	vsub.f32 v18, v14;
	v15 =	vsub.f32 v19, v20  }
.LBB2_39:
0x88: {  	s31 =	sadd.s32 $0x1, s31  }
0x89: {  	p0 =	sne.s32 s31, $0x4F  }
.Ltmp8:
0x8a: {  	_ = 	snop;
	(pc) =	sbr.rel @!p0 .LBB2_40-.Ltmp8, $1  }
0x8b: {  	_ =	sdelay $0x3  }
.LBB2_6:
0x8c: {  	s1 =	sshll.u32 s31, $0x7  }
0x8d: {  	v16 =	vld [tilespmem:s1+$0x7680]  }
0x8e: {  	v17 =	vld [tilespmem:s1+$0x9E00]  }
0x8f: {  	v18 =	vld [tilespmem:s1+$0xC580]  }
0x90: {  	v19 =	vld [tilespmem:s1+$0xED00]  }
0x91: {  	v20 =	vld [tilespmem:s1+$0x7690]  }
0x92: {  	v21 =	vld [tilespmem:s1+$0x9E10]  }
0x93: {  	v22 =	vld [tilespmem:s1+$0xC590]  }
0x94: {  	v23 =	vld [tilespmem:s1+$0xED10]  }
0x95: {  	v24 =	vld [tilespmem:s1+$0x76A0]  }
0x96: {  	v25 =	vld [tilespmem:s1+$0x9E20]  }
0x97: {  	v26 =	vld [tilespmem:s1+$0xC5A0]  }
0x98: {  	v27 =	vld [tilespmem:s1+$0xED20]  }
0x99: {  	v28 =	vld [tilespmem:s1+$0x76B0]  }
0x9a: {  	v29 =	vld [tilespmem:s1+$0xC5B0]  }
0x9b: {  	v30 =	vld [tilespmem:s1+$0x76C0]  }
0x9c: {  	v31 =	vld [tilespmem:s1+$0x9E40];
	v16 =	vmul.f32 v16, v13;
	v17 =	vmul.f32 v17, v14  }
0x9d: {  	v43 =	vld [tilespmem:s1+$0xED40];
	v20 =	vmul.f32 v20, v13;
	v21 =	vmul.f32 v21, v14  }
0x9e: {  	v45 =	vld [tilespmem:s1+$0x9E50];
	v16 =	vadd.f32 v17, v16;
	v17 =	vmul.f32 v18, v15  }
0x9f: {  	v19 =	vadd.f32 v19, v12;
	v18 =	vld [tilespmem:s1+$0x9E30];
	v20 =	vadd.f32 v21, v20;
	v21 =	vmul.f32 v22, v15  }
0xa0: {  	v24 =	vmul.f32 v24, v13;
	v25 =	vmul.f32 v25, v14;
	v22 =	vld [tilespmem:s1+$0xC5C0];
	v16 =	vadd.f32 v17, v16  }
0xa1: {  	v42 =	vmul.f32 v26, v15;
	v27 =	vadd.f32 v27, v12;
	v17 =	vld [tilespmem:s1+$0xED30];
	v20 =	vadd.f32 v21, v20  }
0xa2: {  	v44 =	vmul.f32 v28, v13;
	v21 =	vadd.f32 v23, v12;
	v23 =	vld [tilespmem:s1+$0x76D0];
	v16 =	vadd.f32 v16, v16  }
0xa3: {  	v46 =	vld [tilespmem:s1+$0xC5D0];
	v47 =	vmul.f32 v29, v15;
	v49 =	vmul.f32 v31, v14;
	v20 =	vadd.f32 v20, v20  }
0xa4: {  	v48 =	vld [tilespmem:s1+$0xED50];
	v18 =	vmul.f32 v18, v14;
	v16 =	vsub.f32 v19, v16;
	v19 =	vadd.f32 v25, v24  }
0xa5: {  	v50 =	vld [tilespmem:s1+$0x76E0];
	v26 =	vmul.f32 v45, v14;
	v20 =	vsub.f32 v21, v20;
	v21 =	vmul.f32 v30, v13  }
0xa6: {  	v51 =	vld [tilespmem:s1+$0x9E60];
	v22 =	vmul.f32 v22, v15;
	v18 =	vadd.f32 v18, v44;
	v19 =	vadd.f32 v42, v19  }
0xa7: {  	v53 =	vld [tilespmem:s1+$0x9E70];
	v23 =	vmul.f32 v23, v13;
	v17 =	vadd.f32 v17, v12;
	v21 =	vadd.f32 v49, v21  }
0xa8: {  	v52 =	vld [tilespmem:s1+$0x76F0];
	v18 =	vadd.f32 v47, v18;
	v19 =	vadd.f32 v19, v19  }
0xa9: {  	v54 =	vld [tilespmem:s1+$0xC5E0];
	v21 =	vadd.f32 v22, v21;
	v22 =	vadd.f32 v26, v23;
	v23 =	vmul.f32 v46, v15  }
0xaa: {  	v55 =	vld [tilespmem:s1+$0xC5F0];
	v56 =	vmul.f32 v50, v13;
	v18 =	vadd.f32 v18, v18;
	v19 =	vsub.f32 v27, v19  }
0xab: {  	v24 =	vmul.f32 v51, v14;
	v21 =	vadd.f32 v21, v21;
	v22 =	vadd.f32 v23, v22  }
0xac: {  	v57 =	vld [tilespmem:s1+$0xED60];
	v30 =	vmul.f32 v53, v14;
	v17 =	vsub.f32 v17, v18;
	v18 =	vadd.f32 v43, v12  }
0xad: {  	v23 =	vadd.f32 v48, v12;
	v27 =	vmul.f32 v52, v13;
	v22 =	vadd.f32 v22, v22  }
0xae: {  	v59 =	vld [tilespmem:s1+$0xED70];
	v58 =	vmul.f32 v54, v15;
	v18 =	vsub.f32 v18, v21;
	v21 =	vadd.f32 v24, v56  }
0xaf: {  	v25 =	vmul.f32 v55, v15;
	v27 =	vadd.f32 v30, v27;
	v60 =	vsub.f32 v23, v22  }
0xb0: {  	v23 =	vmax.f32 v16, $0.0e+00;
	v22 =	vmax.f32 v20, $0.0e+00;
	v24 =	vadd.f32 v58, v21  }
0xb1: {  	v20 =	vmax.f32 v17, $0.0e+00;
	v16 =	vadd.f32 v25, v27;
	v17 =	vadd.f32 v57, v12  }
0xb2: {  	v21 =	vmax.f32 v19, $0.0e+00;
	v61 =	vmin.f32 v23, v22;
	v19 =	vadd.f32 v24, v24  }
0xb3: {  	v62 =	vadd.f32 v59, v12;
	v16 =	vadd.f32 v16, v16;
	v24 =	vmin.f32 v61, v21  }
0xb4: {  	v24 =	vmin.f32 v24, v20;
	v17 =	vsub.f32 v17, v19;
	v19 =	vmax.f32 v18, $0.0e+00  }
0xb5: {  	v16 =	vsub.f32 v62, v16;
	v18 =	vmax.f32 v60, $0.0e+00;
	v24 =	vmin.f32 v24, v19  }
0xb6: {  	v17 =	vmax.f32 v17, $0.0e+00;
	v24 =	vmin.f32 v24, v18  }
0xb7: {  	v16 =	vmax.f32 v16, $0.0e+00;
	v24 =	vmin.f32 v24, v17  }
0xb8: {  	v24 =	vmin.f32 v24, v16  }
0xb9: {  	v63 =	vperm.xlane v24, v1;
	_ =	sdelay $0x1  }
0xba: {  	v24 =	vmin.f32 v24, v63  }
0xbb: {  	v25 =	vperm.xlane v24, v2;
	_ =	sdelay $0x1  }
0xbc: {  	v24 =	vmin.f32 v24, v25  }
0xbd: {  	v25 =	vperm.xlane v24, v4;
	_ =	sdelay $0x1  }
0xbe: {  	v24 =	vmin.f32 v24, v25  }
0xbf: {  	v25 =	vperm.xlane v24, v5;
	_ =	sdelay $0x1  }
0xc0: {  	v24 =	vmin.f32 v24, v25  }
0xc1: {  	(v2sf) =	vpush v24, $0x0;
	_ =	sdelay $0xc  }
0xc2: {  	s0 =	sld [smem:$0x0];
	_ =	sdelay $0x1  }
0xc3: {  	s15 =	spop (v2sf)  }
0xc4: {  	p0 =	sle.f32 s15, s0  }
.Ltmp9:
0xc5: {  	_ = 	snop;
	(pc) =	sbr.rel @!p0 .LBB2_39-.Ltmp9, $1  }
0xc6: {  	_ =	sdelay $0x3  }
0xc7: {  	v24 =	vperm.xlane v23, v1;
	_ =	sdelay $0x1  }
0xc8: {  	v24 =	vmin.f32 v23, v24  }
0xc9: {  	v25 =	vperm.xlane v24, v2;
	_ =	sdelay $0x1  }
0xca: {  	v24 =	vmin.f32 v24, v25  }
0xcb: {  	v25 =	vperm.xlane v24, v4;
	_ =	sdelay $0x1  }
0xcc: {  	v24 =	vmin.f32 v24, v25  }
0xcd: {  	v25 =	vperm.xlane v24, v5;
	_ =	sdelay $0x1  }
0xce: {  	v24 =	vmin.f32 v24, v25  }
0xcf: {  	(v2sf) =	vpush v24, $0x0;
	_ =	sdelay $0xe  }
0xd0: {  	s15 =	spop (v2sf)  }
0xd1: {  	p0 =	sle.f32 s15, s0  }
.Ltmp10:
0xd2: {  	_ = 	snop;
	(pc) =	sbr.rel @!p0 .LBB2_11-.Ltmp10, $1  }
0xd3: {  	_ =	sdelay $0x3  }
0xd4: {  	s15 =	simm.s32 $0x0  }
0xd5: {  	v24 =	vmov s15  }
0xd6: {  	v25 =	vld [tilespmem:$0x16900];
	v24 =	vand.u32 $0xF, v24  }
0xd7: {  	vm1 =	vle.f32 v23, s0;
	v26 =	vbroadcast v24, $0x0  }
0xd8: {  	v24 =	vnsel vm1, $0x7F800000, v23  }
0xd9: {  	v27 =	vperm.xlane v24, v26;
	_ =	sdelay $0x1  }
0xda: {  	v28 =	vld [tilespmem:$0x16980];
	vm1 =	veq.f32 v25, v27  }
0xdb: {  	v29 =	vsel vm1, $0x3F800000, v6  }
0xdc: {  	v23 =	vor.u32 s1, v7;
	vm1 =	vlt.f32 v25, v27;
	v29 =	vtrunc.f32 v29  }
0xdd: {  	v30 =	vperm.xlane v23, v26;
	v26 =	vsel vm1, $0x3F800000, v6;
	v29 =	vcvt.f32.s32 v29  }
0xde: {  	v26 =	vtrunc.f32 v26  }
0xdf: {  	vm1 =	vlt.s32 v28, v30;
	v26 =	vcvt.f32.s32 v26;
	v29 =	vand.u32 $0x1, v29  }
0xe0: {  	v29 =	vnsel vm1, $0x0, v29  }
0xe1: {  	v26 =	vor.u32 v26, v29  }
0xe2: {  	s16 =	simm.s32 $0x1;
	v29 =	vperm.xlane v26, v8  }
0xe3: {  	v31 =	vmov s16;
	vm1 =	veq.s32 v7, $0x0  }
0xe4: {  	v31 =	vand.u32 $0xF, v31;
	v32 =	vsub.s32 $0x1, v26;
	v29 =	vsel vm1, $0x1, v29  }
0xe5: {  	v31 =	vbroadcast v31, $0x0;
	v61 =	vperm.xlane v25, v8;
	v29 =	vand.u32 v29, v32  }
0xe6: {  	vm2 =	vgt.s32 v29, $0x0  }
0xe7: {  	vm3 =	vgt.s32 v26, $0x0;
	v26 =	vperm.xlane v24, v31;
	v27 =	vsel vm2, v27, v61  }
0xe8: {  	v25 =	vsel vm3, v25, v27  }
0xe9: {  	vm4 =	veq.f32 v25, v26  }
0xea: {  	v29 =	vperm.xlane v28, v8;
	v62 =	vsel vm4, $0x3F800000, v6  }
0xeb: {  	v27 =	vperm.xlane v23, v31;
	vm15 =	vlt.f32 v25, v26;
	v31 =	vtrunc.f32 v62  }
0xec: {  	v29 =	vsel vm2, v30, v29;
	v30 =	vsel vm15, $0x3F800000, v6;
	v31 =	vcvt.f32.s32 v31  }
0xed: {  	v28 =	vsel vm3, v28, v29;
	v29 =	vtrunc.f32 v30  }
0xee: {  	vm2 =	vlt.s32 v28, v27;
	v29 =	vcvt.f32.s32 v29;
	v30 =	vand.u32 $0x1, v31  }
0xef: {  	v30 =	vnsel vm2, $0x0, v30  }
0xf0: {  	s0 =	simm.s32 $0x2;
	v30 =	vor.u32 v29, v30  }
0xf1: {  	v63 =	vmov s0;
	v31 =	vperm.xlane v30, v8  }
0xf2: {  	s15 =	simm.s32 $0x4;
	v32 =	vand.u32 $0xF, v63;
	v29 =	vperm.xlane v28, v8  }
.LBB2_9:
0xf3: {  	p0 =	sne.s32 s15, $0xE;
	v32 =	vbroadcast v32, $0x0;
	v31 =	vsel vm1, $0x1, v31;
	v33 =	vsub.s32 $0x1, v30  }
0xf4: {  	v31 =	vand.u32 v31, v33;
	v33 =	vperm.xlane v25, v8  }
0xf5: {  	v34 =	vperm.xlane v24, v32;
	vm2 =	vgt.s32 v31, $0x0  }
0xf6: {  	vm3 =	vgt.s32 v30, $0x0;
	v26 =	vsel vm2, v26, v33;
	v27 =	vsel vm2, v27, v29  }
0xf7: {  	v25 =	vsel vm3, v25, v26;
	v28 =	vsel vm3, v28, v27  }
0xf8: {  	vm2 =	veq.f32 v25, v34  }
0xf9: {  	v26 =	vsel vm2, $0x3F800000, v6  }
0xfa: {  	vm2 =	vlt.f32 v25, v34;
	v26 =	vtrunc.f32 v26  }
0xfb: {  	v29 =	vperm.xlane v23, v32;
	v27 =	vsel vm2, $0x3F800000, v6;
	v26 =	vcvt.f32.s32 v26  }
0xfc: {  	v27 =	vtrunc.f32 v27  }
0xfd: {  	vm2 =	vlt.s32 v28, v29;
	v27 =	vcvt.f32.s32 v27;
	v26 =	vand.u32 $0x1, v26  }
0xfe: {  	v26 =	vnsel vm2, $0x0, v26  }
0xff: {  	v26 =	vor.u32 v27, v26  }
0x100: {  	s16 =	sadd.s32 $0x1, s0;
	s0 =	smov.u32 s15;
	v27 =	vperm.xlane v26, v8  }
0x101: {  	v30 =	vmov s16  }
0x102: {  	v30 =	vand.u32 $0xF, v30;
	v31 =	vsub.s32 $0x1, v26;
	v27 =	vsel vm1, $0x1, v27  }
0x103: {  	v30 =	vbroadcast v30, $0x0;
	v27 =	vand.u32 v27, v31;
	v31 =	vperm.xlane v25, v8  }
0x104: {  	vm2 =	vgt.s32 v27, $0x0  }
0x105: {  	vm3 =	vgt.s32 v26, $0x0;
	v26 =	vperm.xlane v24, v30;
	v27 =	vsel vm2, v34, v31  }
0x106: {  	v25 =	vsel vm3, v25, v27  }
0x107: {  	vm4 =	veq.f32 v25, v26  }
0x108: {  	v31 =	vperm.xlane v28, v8;
	v32 =	vsel vm4, $0x3F800000, v6  }
0x109: {  	v27 =	vperm.xlane v23, v30;
	vm4 =	vlt.f32 v25, v26;
	v30 =	vtrunc.f32 v32  }
0x10a: {  	v29 =	vsel vm2, v29, v31;
	v31 =	vsel vm4, $0x3F800000, v6;
	v30 =	vcvt.f32.s32 v30  }
0x10b: {  	v28 =	vsel vm3, v28, v29;
	v29 =	vtrunc.f32 v31  }
.Ltmp11:
0x10c: {  	vm2 =	vlt.s32 v28, v27;
	v31 =	vcvt.f32.s32 v29;
	v29 =	vand.u32 $0x1, v30;
	(pc) =	sbr.rel @p0 .LBB2_9-.Ltmp11, $4  }
0x10d: {  	v30 =	vnsel vm2, $0x0, v29;
	v29 =	vperm.xlane v28, v8  }
0x10e: {  	v30 =	vor.u32 v31, v30  }
0x10f: {  	v32 =	vmov s15;
	v31 =	vperm.xlane v30, v8  }
0x110: {  	s15 =	sadd.s32 $0x2, s15;
	v32 =	vand.u32 $0xF, v32  }
0x111: {  	v31 =	vsel vm1, $0x1, v31;
	v33 =	vsub.s32 $0x1, v30  }
0x112: {  	v32 =	vbroadcast v32, $0x0;
	v45 =	vperm.xlane v25, v8;
	v31 =	vand.u32 v31, v33  }
0x113: {  	vm1 =	vgt.s32 v31, $0x0  }
0x114: {  	vm2 =	vgt.s32 v30, $0x0;
	v46 =	vperm.xlane v24, v32;
	v26 =	vsel vm1, v26, v45  }
0x115: {  	v47 =	vsel vm2, v25, v26  }
0x116: {  	vm3 =	veq.f32 v47, v46  }
0x117: {  	v48 =	vsel vm3, $0x3F800000, v6  }
0x118: {  	v27 =	vsel vm1, v27, v29;
	vm1 =	vlt.f32 v47, v46;
	v26 =	vtrunc.f32 v48  }
0x119: {  	v49 =	vperm.xlane v23, v32;
	v50 =	vsel vm1, $0x3F800000, v6;
	v26 =	vcvt.f32.s32 v26  }
0x11a: {  	v27 =	vsel vm2, v28, v27;
	v51 =	vtrunc.f32 v50  }
0x11b: {  	vm1 =	vlt.s32 v27, v49;
	v28 =	vcvt.f32.s32 v51;
	v26 =	vand.u32 $0x1, v26  }
0x11c: {  	v26 =	vnsel vm1, $0x0, v26  }
0x11d: {  	v26 =	vor.u32 v28, v26  }
0x11e: {  	s0 =	sadd.s32 $0x1, s0;
	v28 =	vperm.xlane v26, v8  }
0x11f: {  	v52 =	vmov s0;
	vm1 =	veq.s32 v7, $0x0  }
0x120: {  	v30 =	vand.u32 $0xF, v52;
	v53 =	vsub.s32 $0x1, v26;
	v28 =	vsel vm1, $0x1, v28  }
0x121: {  	v30 =	vbroadcast v30, $0x0;
	v54 =	vperm.xlane v47, v8;
	v28 =	vand.u32 v28, v53  }
0x122: {  	vm2 =	vgt.s32 v28, $0x0  }
0x123: {  	v56 =	vperm.xlane v24, v30;
	vm3 =	vgt.s32 v26, $0x0;
	v55 =	vsel vm2, v46, v54  }
0x124: {  	v25 =	vsel vm3, v47, v55  }
0x125: {  	vm4 =	veq.f32 v25, v56  }
0x126: {  	v57 =	vperm.xlane v27, v8;
	v58 =	vsel vm4, $0x3F800000, v6  }
0x127: {  	v23 =	vperm.xlane v23, v30;
	vm15 =	vlt.f32 v25, v56;
	v28 =	vtrunc.f32 v58  }
0x128: {  	v26 =	vsel vm2, v49, v57;
	v59 =	vsel vm15, $0x3F800000, v6;
	v28 =	vcvt.f32.s32 v28  }
0x129: {  	v26 =	vsel vm3, v27, v26;
	v60 =	vtrunc.f32 v59  }
0x12a: {  	vm2 =	vlt.s32 v26, v23;
	v27 =	vcvt.f32.s32 v60;
	v28 =	vand.u32 $0x1, v28  }
0x12b: {  	v28 =	vnsel vm2, $0x0, v28  }
0x12c: {  	v27 =	vor.u32 v27, v28  }
0x12d: {  	v28 =	vperm.xlane v27, v8;
	_ =	sdelay $0x1  }
0x12e: {  	v61 =	vsub.s32 $0x1, v27;
	v28 =	vsel vm1, $0x1, v28  }
0x12f: {  	v62 =	vperm.xlane v25, v8;
	v28 =	vand.u32 v28, v61  }
0x130: {  	vm1 =	vgt.s32 v28, $0x0  }
0x131: {  	vm2 =	vgt.s32 v27, $0x0;
	v24 =	vsel vm1, v56, v62  }
0x132: {  	v24 =	vsel vm2, v25, v24  }
0x133: {  	(v2sf) =	vpush v24, $0xF;
	_ =	sdelay $0xe  }
0x134: {  	v63 =	vperm.xlane v26, v8;
	s16 =	spop (v2sf)  }
0x135: {  	p0 =	seq.f32 s16, $0.0e+00  }
0x136: {  	v23 =	vsel vm1, v23, v63;
	s0 =	smin.f32 s16, $6.250000000e-02  }
0x137: {  	v23 =	vsel vm2, v26, v23;
	[tilespmem:$0x16900] =	vst v24;
	s0 =	simm.s32 @p0 $0xBF800000  }
0x138: {  	[tilespmem:$0x16980] =	vst v23;
	[smem:$0x0] =	sst s0  }
.LBB2_11:
0x139: {  	v23 =	vperm.xlane v22, v1;
	_ =	sdelay $0x1  }
0x13a: {  	v23 =	vmin.f32 v22, v23  }
0x13b: {  	v24 =	vperm.xlane v23, v2;
	_ =	sdelay $0x1  }
0x13c: {  	v23 =	vmin.f32 v23, v24  }
0x13d: {  	v24 =	vperm.xlane v23, v4;
	_ =	sdelay $0x1  }
0x13e: {  	v23 =	vmin.f32 v23, v24  }
0x13f: {  	v24 =	vperm.xlane v23, v5;
	_ =	sdelay $0x1  }
0x140: {  	v23 =	vmin.f32 v23, v24  }
0x141: {  	(v2sf) =	vpush v23, $0x0;
	_ =	sdelay $0xe  }
0x142: {  	s15 =	spop (v2sf)  }
0x143: {  	p0 =	sle.f32 s15, s0  }
.Ltmp12:
0x144: {  	_ = 	snop;
	(pc) =	sbr.rel @!p0 .LBB2_15-.Ltmp12, $1  }
0x145: {  	_ =	sdelay $0x3  }
0x146: {  	s15 =	simm.s32 $0x0  }
0x147: {  	v23 =	vmov s15  }
0x148: {  	v24 =	vld [tilespmem:$0x16900];
	v23 =	vand.u32 $0xF, v23  }
0x149: {  	vm1 =	vle.f32 v22, s0;
	v25 =	vbroadcast v23, $0x0  }
0x14a: {  	v22 =	vnsel vm1, $0x7F800000, v22  }
0x14b: {  	v26 =	vperm.xlane v22, v25;
	_ =	sdelay $0x1  }
0x14c: {  	v27 =	vld [tilespmem:$0x16980];
	vm1 =	veq.f32 v24, v26  }
0x14d: {  	s15 =	sor.u32 $0x10, s1;
	v28 =	vsel vm1, $0x3F800000, v6  }
0x14e: {  	v23 =	vor.u32 s15, v7;
	vm1 =	vlt.f32 v24, v26;
	v28 =	vtrunc.f32 v28  }
0x14f: {  	v29 =	vperm.xlane v23, v25;
	v25 =	vsel vm1, $0x3F800000, v6;
	v28 =	vcvt.f32.s32 v28  }
0x150: {  	v25 =	vtrunc.f32 v25  }
0x151: {  	vm1 =	vlt.s32 v27, v29;
	v25 =	vcvt.f32.s32 v25;
	v28 =	vand.u32 $0x1, v28  }
0x152: {  	v28 =	vnsel vm1, $0x0, v28  }
0x153: {  	v25 =	vor.u32 v25, v28  }
0x154: {  	s16 =	simm.s32 $0x1;
	v28 =	vperm.xlane v25, v8  }
0x155: {  	v30 =	vmov s16;
	vm1 =	veq.s32 v7, $0x0  }
0x156: {  	v30 =	vand.u32 $0xF, v30;
	v31 =	vsub.s32 $0x1, v25;
	v28 =	vsel vm1, $0x1, v28  }
0x157: {  	v30 =	vbroadcast v30, $0x0;
	v28 =	vand.u32 v28, v31;
	v31 =	vperm.xlane v24, v8  }
0x158: {  	vm2 =	vgt.s32 v28, $0x0  }
0x159: {  	vm3 =	vgt.s32 v25, $0x0;
	v25 =	vperm.xlane v22, v30;
	v26 =	vsel vm2, v26, v31  }
0x15a: {  	v24 =	vsel vm3, v24, v26  }
0x15b: {  	vm4 =	veq.f32 v24, v25  }
0x15c: {  	v28 =	vperm.xlane v27, v8;
	v31 =	vsel vm4, $0x3F800000, v6  }
0x15d: {  	v26 =	vperm.xlane v23, v30;
	vm15 =	vlt.f32 v24, v25;
	v30 =	vtrunc.f32 v31  }
0x15e: {  	v28 =	vsel vm2, v29, v28;
	v29 =	vsel vm15, $0x3F800000, v6;
	v30 =	vcvt.f32.s32 v30  }
0x15f: {  	v27 =	vsel vm3, v27, v28;
	v28 =	vtrunc.f32 v29  }
0x160: {  	vm2 =	vlt.s32 v27, v26;
	v28 =	vcvt.f32.s32 v28;
	v29 =	vand.u32 $0x1, v30  }
0x161: {  	v29 =	vnsel vm2, $0x0, v29  }
0x162: {  	s0 =	simm.s32 $0x2;
	v29 =	vor.u32 v28, v29  }
0x163: {  	v31 =	vmov s0;
	v30 =	vperm.xlane v29, v8  }
0x164: {  	s15 =	simm.s32 $0x4;
	v31 =	vand.u32 $0xF, v31;
	v28 =	vperm.xlane v27, v8  }
.LBB2_13:
0x165: {  	p0 =	sne.s32 s15, $0xE;
	v31 =	vbroadcast v31, $0x0;
	v30 =	vsel vm1, $0x1, v30;
	v32 =	vsub.s32 $0x1, v29  }
0x166: {  	v30 =	vand.u32 v30, v32;
	v32 =	vperm.xlane v24, v8  }
0x167: {  	v33 =	vperm.xlane v22, v31;
	vm2 =	vgt.s32 v30, $0x0  }
0x168: {  	vm3 =	vgt.s32 v29, $0x0;
	v25 =	vsel vm2, v25, v32;
	v26 =	vsel vm2, v26, v28  }
0x169: {  	v24 =	vsel vm3, v24, v25;
	v27 =	vsel vm3, v27, v26  }
0x16a: {  	vm2 =	veq.f32 v24, v33  }
0x16b: {  	v25 =	vsel vm2, $0x3F800000, v6  }
0x16c: {  	vm2 =	vlt.f32 v24, v33;
	v25 =	vtrunc.f32 v25  }
0x16d: {  	v28 =	vperm.xlane v23, v31;
	v26 =	vsel vm2, $0x3F800000, v6;
	v25 =	vcvt.f32.s32 v25  }
0x16e: {  	v26 =	vtrunc.f32 v26  }
0x16f: {  	vm2 =	vlt.s32 v27, v28;
	v26 =	vcvt.f32.s32 v26;
	v25 =	vand.u32 $0x1, v25  }
0x170: {  	v25 =	vnsel vm2, $0x0, v25  }
0x171: {  	v25 =	vor.u32 v26, v25  }
0x172: {  	s16 =	sadd.s32 $0x1, s0;
	s0 =	smov.u32 s15;
	v26 =	vperm.xlane v25, v8  }
0x173: {  	v29 =	vmov s16  }
0x174: {  	v29 =	vand.u32 $0xF, v29;
	v30 =	vsub.s32 $0x1, v25;
	v26 =	vsel vm1, $0x1, v26  }
0x175: {  	v29 =	vbroadcast v29, $0x0;
	v26 =	vand.u32 v26, v30;
	v30 =	vperm.xlane v24, v8  }
0x176: {  	vm2 =	vgt.s32 v26, $0x0  }
0x177: {  	vm3 =	vgt.s32 v25, $0x0;
	v25 =	vperm.xlane v22, v29;
	v26 =	vsel vm2, v33, v30  }
0x178: {  	v24 =	vsel vm3, v24, v26  }
0x179: {  	vm4 =	veq.f32 v24, v25  }
0x17a: {  	v30 =	vperm.xlane v27, v8;
	v31 =	vsel vm4, $0x3F800000, v6  }
0x17b: {  	v26 =	vperm.xlane v23, v29;
	vm4 =	vlt.f32 v24, v25;
	v29 =	vtrunc.f32 v31  }
0x17c: {  	v28 =	vsel vm2, v28, v30;
	v30 =	vsel vm4, $0x3F800000, v6;
	v29 =	vcvt.f32.s32 v29  }
0x17d: {  	v27 =	vsel vm3, v27, v28;
	v28 =	vtrunc.f32 v30  }
.Ltmp13:
0x17e: {  	vm2 =	vlt.s32 v27, v26;
	v30 =	vcvt.f32.s32 v28;
	v28 =	vand.u32 $0x1, v29;
	(pc) =	sbr.rel @p0 .LBB2_13-.Ltmp13, $4  }
0x17f: {  	v29 =	vnsel vm2, $0x0, v28;
	v28 =	vperm.xlane v27, v8  }
0x180: {  	v29 =	vor.u32 v30, v29  }
0x181: {  	v31 =	vmov s15;
	v30 =	vperm.xlane v29, v8  }
0x182: {  	s15 =	sadd.s32 $0x2, s15;
	v31 =	vand.u32 $0xF, v31  }
0x183: {  	v30 =	vsel vm1, $0x1, v30;
	v32 =	vsub.s32 $0x1, v29  }
0x184: {  	v31 =	vbroadcast v31, $0x0;
	v46 =	vperm.xlane v24, v8;
	v30 =	vand.u32 v30, v32  }
0x185: {  	vm1 =	vgt.s32 v30, $0x0  }
0x186: {  	vm2 =	vgt.s32 v29, $0x0;
	v47 =	vperm.xlane v22, v31;
	v25 =	vsel vm1, v25, v46  }
0x187: {  	v48 =	vsel vm2, v24, v25  }
0x188: {  	vm3 =	veq.f32 v48, v47  }
0x189: {  	v49 =	vsel vm3, $0x3F800000, v6  }
0x18a: {  	v26 =	vsel vm1, v26, v28;
	vm1 =	vlt.f32 v48, v47;
	v25 =	vtrunc.f32 v49  }
0x18b: {  	v50 =	vperm.xlane v23, v31;
	v51 =	vsel vm1, $0x3F800000, v6;
	v25 =	vcvt.f32.s32 v25  }
0x18c: {  	v26 =	vsel vm2, v27, v26;
	v52 =	vtrunc.f32 v51  }
0x18d: {  	vm1 =	vlt.s32 v26, v50;
	v27 =	vcvt.f32.s32 v52;
	v25 =	vand.u32 $0x1, v25  }
0x18e: {  	v25 =	vnsel vm1, $0x0, v25  }
0x18f: {  	v25 =	vor.u32 v27, v25  }
0x190: {  	s0 =	sadd.s32 $0x1, s0;
	v27 =	vperm.xlane v25, v8  }
0x191: {  	v53 =	vmov s0;
	vm1 =	veq.s32 v7, $0x0  }
0x192: {  	v29 =	vand.u32 $0xF, v53;
	v54 =	vsub.s32 $0x1, v25;
	v27 =	vsel vm1, $0x1, v27  }
0x193: {  	v29 =	vbroadcast v29, $0x0;
	v55 =	vperm.xlane v48, v8;
	v27 =	vand.u32 v27, v54  }
0x194: {  	vm2 =	vgt.s32 v27, $0x0  }
0x195: {  	v22 =	vperm.xlane v22, v29;
	vm3 =	vgt.s32 v25, $0x0;
	v56 =	vsel vm2, v47, v55  }
0x196: {  	v24 =	vsel vm3, v48, v56  }
0x197: {  	vm4 =	veq.f32 v24, v22  }
0x198: {  	v57 =	vperm.xlane v26, v8;
	v58 =	vsel vm4, $0x3F800000, v6  }
0x199: {  	v23 =	vperm.xlane v23, v29;
	vm15 =	vlt.f32 v24, v22;
	v27 =	vtrunc.f32 v58  }
0x19a: {  	v25 =	vsel vm2, v50, v57;
	v59 =	vsel vm15, $0x3F800000, v6;
	v27 =	vcvt.f32.s32 v27  }
0x19b: {  	v25 =	vsel vm3, v26, v25;
	v60 =	vtrunc.f32 v59  }
0x19c: {  	vm2 =	vlt.s32 v25, v23;
	v26 =	vcvt.f32.s32 v60;
	v27 =	vand.u32 $0x1, v27  }
0x19d: {  	v27 =	vnsel vm2, $0x0, v27  }
0x19e: {  	v26 =	vor.u32 v26, v27  }
0x19f: {  	v27 =	vperm.xlane v26, v8;
	_ =	sdelay $0x1  }
0x1a0: {  	v61 =	vsub.s32 $0x1, v26;
	v27 =	vsel vm1, $0x1, v27  }
0x1a1: {  	v62 =	vperm.xlane v24, v8;
	v27 =	vand.u32 v27, v61  }
0x1a2: {  	vm1 =	vgt.s32 v27, $0x0  }
0x1a3: {  	vm2 =	vgt.s32 v26, $0x0;
	v22 =	vsel vm1, v22, v62  }
0x1a4: {  	v22 =	vsel vm2, v24, v22  }
0x1a5: {  	(v2sf) =	vpush v22, $0xF;
	_ =	sdelay $0xe  }
0x1a6: {  	v63 =	vperm.xlane v25, v8;
	s16 =	spop (v2sf)  }
0x1a7: {  	p0 =	seq.f32 s16, $0.0e+00  }
0x1a8: {  	v23 =	vsel vm1, v23, v63;
	s0 =	smin.f32 s16, $6.250000000e-02  }
0x1a9: {  	v23 =	vsel vm2, v25, v23;
	[tilespmem:$0x16900] =	vst v22;
	s0 =	simm.s32 @p0 $0xBF800000  }
0x1aa: {  	[tilespmem:$0x16980] =	vst v23;
	[smem:$0x0] =	sst s0  }
.LBB2_15:
0x1ab: {  	v22 =	vperm.xlane v21, v1;
	_ =	sdelay $0x1  }
0x1ac: {  	v22 =	vmin.f32 v21, v22  }
0x1ad: {  	v23 =	vperm.xlane v22, v2;
	_ =	sdelay $0x1  }
0x1ae: {  	v22 =	vmin.f32 v22, v23  }
0x1af: {  	v23 =	vperm.xlane v22, v4;
	_ =	sdelay $0x1  }
0x1b0: {  	v22 =	vmin.f32 v22, v23  }
0x1b1: {  	v23 =	vperm.xlane v22, v5;
	_ =	sdelay $0x1  }
0x1b2: {  	v22 =	vmin.f32 v22, v23  }
0x1b3: {  	(v2sf) =	vpush v22, $0x0;
	_ =	sdelay $0xe  }
0x1b4: {  	s15 =	spop (v2sf)  }
0x1b5: {  	p0 =	sle.f32 s15, s0  }
.Ltmp14:
0x1b6: {  	_ = 	snop;
	(pc) =	sbr.rel @!p0 .LBB2_19-.Ltmp14, $1  }
0x1b7: {  	_ =	sdelay $0x3  }
0x1b8: {  	s15 =	simm.s32 $0x0  }
0x1b9: {  	v22 =	vmov s15  }
0x1ba: {  	v23 =	vld [tilespmem:$0x16900];
	v22 =	vand.u32 $0xF, v22  }
0x1bb: {  	vm1 =	vle.f32 v21, s0;
	v24 =	vbroadcast v22, $0x0  }
0x1bc: {  	v21 =	vnsel vm1, $0x7F800000, v21  }
0x1bd: {  	v25 =	vperm.xlane v21, v24;
	_ =	sdelay $0x1  }
0x1be: {  	v26 =	vld [tilespmem:$0x16980];
	vm1 =	veq.f32 v23, v25  }
0x1bf: {  	s15 =	sor.u32 $0x20, s1;
	v27 =	vsel vm1, $0x3F800000, v6  }
0x1c0: {  	v22 =	vor.u32 s15, v7;
	vm1 =	vlt.f32 v23, v25;
	v27 =	vtrunc.f32 v27  }
0x1c1: {  	v28 =	vperm.xlane v22, v24;
	v24 =	vsel vm1, $0x3F800000, v6;
	v27 =	vcvt.f32.s32 v27  }
0x1c2: {  	v24 =	vtrunc.f32 v24  }
0x1c3: {  	vm1 =	vlt.s32 v26, v28;
	v24 =	vcvt.f32.s32 v24;
	v27 =	vand.u32 $0x1, v27  }
0x1c4: {  	v27 =	vnsel vm1, $0x0, v27  }
0x1c5: {  	v24 =	vor.u32 v24, v27  }
0x1c6: {  	s16 =	simm.s32 $0x1;
	v27 =	vperm.xlane v24, v8  }
0x1c7: {  	v29 =	vmov s16;
	vm1 =	veq.s32 v7, $0x0  }
0x1c8: {  	v29 =	vand.u32 $0xF, v29;
	v30 =	vsub.s32 $0x1, v24;
	v27 =	vsel vm1, $0x1, v27  }
0x1c9: {  	v29 =	vbroadcast v29, $0x0;
	v27 =	vand.u32 v27, v30;
	v30 =	vperm.xlane v23, v8  }
0x1ca: {  	vm2 =	vgt.s32 v27, $0x0  }
0x1cb: {  	vm3 =	vgt.s32 v24, $0x0;
	v24 =	vperm.xlane v21, v29;
	v25 =	vsel vm2, v25, v30  }
0x1cc: {  	v23 =	vsel vm3, v23, v25  }
0x1cd: {  	vm4 =	veq.f32 v23, v24  }
0x1ce: {  	v27 =	vperm.xlane v26, v8;
	v30 =	vsel vm4, $0x3F800000, v6  }
0x1cf: {  	v25 =	vperm.xlane v22, v29;
	vm15 =	vlt.f32 v23, v24;
	v29 =	vtrunc.f32 v30  }
0x1d0: {  	v27 =	vsel vm2, v28, v27;
	v28 =	vsel vm15, $0x3F800000, v6;
	v29 =	vcvt.f32.s32 v29  }
0x1d1: {  	v26 =	vsel vm3, v26, v27;
	v27 =	vtrunc.f32 v28  }
0x1d2: {  	vm2 =	vlt.s32 v26, v25;
	v27 =	vcvt.f32.s32 v27;
	v28 =	vand.u32 $0x1, v29  }
0x1d3: {  	v28 =	vnsel vm2, $0x0, v28  }
0x1d4: {  	s0 =	simm.s32 $0x2;
	v28 =	vor.u32 v27, v28  }
0x1d5: {  	v30 =	vmov s0;
	v29 =	vperm.xlane v28, v8  }
0x1d6: {  	s15 =	simm.s32 $0x4;
	v30 =	vand.u32 $0xF, v30;
	v27 =	vperm.xlane v26, v8  }
.LBB2_17:
0x1d7: {  	p0 =	sne.s32 s15, $0xE;
	v30 =	vbroadcast v30, $0x0;
	v29 =	vsel vm1, $0x1, v29;
	v31 =	vsub.s32 $0x1, v28  }
0x1d8: {  	v29 =	vand.u32 v29, v31;
	v31 =	vperm.xlane v23, v8  }
0x1d9: {  	v32 =	vperm.xlane v21, v30;
	vm2 =	vgt.s32 v29, $0x0  }
0x1da: {  	vm3 =	vgt.s32 v28, $0x0;
	v24 =	vsel vm2, v24, v31;
	v25 =	vsel vm2, v25, v27  }
0x1db: {  	v23 =	vsel vm3, v23, v24;
	v26 =	vsel vm3, v26, v25  }
0x1dc: {  	vm2 =	veq.f32 v23, v32  }
0x1dd: {  	v24 =	vsel vm2, $0x3F800000, v6  }
0x1de: {  	vm2 =	vlt.f32 v23, v32;
	v24 =	vtrunc.f32 v24  }
0x1df: {  	v27 =	vperm.xlane v22, v30;
	v25 =	vsel vm2, $0x3F800000, v6;
	v24 =	vcvt.f32.s32 v24  }
0x1e0: {  	v25 =	vtrunc.f32 v25  }
0x1e1: {  	vm2 =	vlt.s32 v26, v27;
	v25 =	vcvt.f32.s32 v25;
	v24 =	vand.u32 $0x1, v24  }
0x1e2: {  	v24 =	vnsel vm2, $0x0, v24  }
0x1e3: {  	v24 =	vor.u32 v25, v24  }
0x1e4: {  	s16 =	sadd.s32 $0x1, s0;
	s0 =	smov.u32 s15;
	v25 =	vperm.xlane v24, v8  }
0x1e5: {  	v28 =	vmov s16  }
0x1e6: {  	v28 =	vand.u32 $0xF, v28;
	v29 =	vsub.s32 $0x1, v24;
	v25 =	vsel vm1, $0x1, v25  }
0x1e7: {  	v28 =	vbroadcast v28, $0x0;
	v25 =	vand.u32 v25, v29;
	v29 =	vperm.xlane v23, v8  }
0x1e8: {  	vm2 =	vgt.s32 v25, $0x0  }
0x1e9: {  	vm3 =	vgt.s32 v24, $0x0;
	v24 =	vperm.xlane v21, v28;
	v25 =	vsel vm2, v32, v29  }
0x1ea: {  	v23 =	vsel vm3, v23, v25  }
0x1eb: {  	vm4 =	veq.f32 v23, v24  }
0x1ec: {  	v29 =	vperm.xlane v26, v8;
	v30 =	vsel vm4, $0x3F800000, v6  }
0x1ed: {  	v25 =	vperm.xlane v22, v28;
	vm4 =	vlt.f32 v23, v24;
	v28 =	vtrunc.f32 v30  }
0x1ee: {  	v27 =	vsel vm2, v27, v29;
	v29 =	vsel vm4, $0x3F800000, v6;
	v28 =	vcvt.f32.s32 v28  }
0x1ef: {  	v26 =	vsel vm3, v26, v27;
	v27 =	vtrunc.f32 v29  }
.Ltmp15:
0x1f0: {  	vm2 =	vlt.s32 v26, v25;
	v29 =	vcvt.f32.s32 v27;
	v27 =	vand.u32 $0x1, v28;
	(pc) =	sbr.rel @p0 .LBB2_17-.Ltmp15, $4  }
0x1f1: {  	v28 =	vnsel vm2, $0x0, v27;
	v27 =	vperm.xlane v26, v8  }
0x1f2: {  	v28 =	vor.u32 v29, v28  }
0x1f3: {  	v30 =	vmov s15;
	v29 =	vperm.xlane v28, v8  }
0x1f4: {  	s15 =	sadd.s32 $0x2, s15;
	v30 =	vand.u32 $0xF, v30  }
0x1f5: {  	v29 =	vsel vm1, $0x1, v29;
	v31 =	vsub.s32 $0x1, v28  }
0x1f6: {  	v30 =	vbroadcast v30, $0x0;
	v48 =	vperm.xlane v23, v8;
	v29 =	vand.u32 v29, v31  }
0x1f7: {  	vm1 =	vgt.s32 v29, $0x0  }
0x1f8: {  	vm2 =	vgt.s32 v28, $0x0;
	v49 =	vperm.xlane v21, v30;
	v24 =	vsel vm1, v24, v48  }
0x1f9: {  	v23 =	vsel vm2, v23, v24  }
0x1fa: {  	vm3 =	veq.f32 v23, v49  }
0x1fb: {  	v50 =	vsel vm3, $0x3F800000, v6  }
0x1fc: {  	v25 =	vsel vm1, v25, v27;
	vm1 =	vlt.f32 v23, v49;
	v24 =	vtrunc.f32 v50  }
0x1fd: {  	v51 =	vperm.xlane v22, v30;
	v52 =	vsel vm1, $0x3F800000, v6;
	v24 =	vcvt.f32.s32 v24  }
0x1fe: {  	v25 =	vsel vm2, v26, v25;
	v53 =	vtrunc.f32 v52  }
0x1ff: {  	vm1 =	vlt.s32 v25, v51;
	v26 =	vcvt.f32.s32 v53;
	v24 =	vand.u32 $0x1, v24  }
0x200: {  	v24 =	vnsel vm1, $0x0, v24  }
0x201: {  	v24 =	vor.u32 v26, v24  }
0x202: {  	s0 =	sadd.s32 $0x1, s0;
	v26 =	vperm.xlane v24, v8  }
0x203: {  	v54 =	vmov s0;
	vm1 =	veq.s32 v7, $0x0  }
0x204: {  	v28 =	vand.u32 $0xF, v54;
	v55 =	vsub.s32 $0x1, v24;
	v26 =	vsel vm1, $0x1, v26  }
0x205: {  	v28 =	vbroadcast v28, $0x0;
	v56 =	vperm.xlane v23, v8;
	v26 =	vand.u32 v26, v55  }
0x206: {  	vm2 =	vgt.s32 v26, $0x0  }
0x207: {  	v21 =	vperm.xlane v21, v28;
	vm3 =	vgt.s32 v24, $0x0;
	v57 =	vsel vm2, v49, v56  }
0x208: {  	v23 =	vsel vm3, v23, v57  }
0x209: {  	vm4 =	veq.f32 v23, v21  }
0x20a: {  	v58 =	vperm.xlane v25, v8;
	v59 =	vsel vm4, $0x3F800000, v6  }
0x20b: {  	v22 =	vperm.xlane v22, v28;
	vm15 =	vlt.f32 v23, v21;
	v26 =	vtrunc.f32 v59  }
0x20c: {  	v24 =	vsel vm2, v51, v58;
	v60 =	vsel vm15, $0x3F800000, v6;
	v26 =	vcvt.f32.s32 v26  }
0x20d: {  	v24 =	vsel vm3, v25, v24;
	v61 =	vtrunc.f32 v60  }
0x20e: {  	vm2 =	vlt.s32 v24, v22;
	v25 =	vcvt.f32.s32 v61;
	v26 =	vand.u32 $0x1, v26  }
0x20f: {  	v26 =	vnsel vm2, $0x0, v26  }
0x210: {  	v25 =	vor.u32 v25, v26  }
0x211: {  	v26 =	vperm.xlane v25, v8;
	_ =	sdelay $0x1  }
0x212: {  	v62 =	vsub.s32 $0x1, v25;
	v26 =	vsel vm1, $0x1, v26  }
0x213: {  	v63 =	vperm.xlane v23, v8;
	v26 =	vand.u32 v26, v62  }
0x214: {  	vm1 =	vgt.s32 v26, $0x0  }
0x215: {  	vm2 =	vgt.s32 v25, $0x0;
	v21 =	vsel vm1, v21, v63  }
0x216: {  	v21 =	vsel vm2, v23, v21  }
0x217: {  	(v2sf) =	vpush v21, $0xF;
	_ =	sdelay $0xe  }
0x218: {  	v23 =	vperm.xlane v24, v8;
	s16 =	spop (v2sf)  }
0x219: {  	p0 =	seq.f32 s16, $0.0e+00  }
0x21a: {  	v22 =	vsel vm1, v22, v23;
	s0 =	smin.f32 s16, $6.250000000e-02  }
0x21b: {  	[tilespmem:$0x16900] =	vst v21;
	v22 =	vsel vm2, v24, v22;
	s0 =	simm.s32 @p0 $0xBF800000  }
0x21c: {  	[tilespmem:$0x16980] =	vst v22;
	[smem:$0x0] =	sst s0  }
.LBB2_19:
0x21d: {  	v21 =	vperm.xlane v20, v1;
	_ =	sdelay $0x1  }
0x21e: {  	v21 =	vmin.f32 v20, v21  }
0x21f: {  	v22 =	vperm.xlane v21, v2;
	_ =	sdelay $0x1  }
0x220: {  	v21 =	vmin.f32 v21, v22  }
0x221: {  	v22 =	vperm.xlane v21, v4;
	_ =	sdelay $0x1  }
0x222: {  	v21 =	vmin.f32 v21, v22  }
0x223: {  	v22 =	vperm.xlane v21, v5;
	_ =	sdelay $0x1  }
0x224: {  	v21 =	vmin.f32 v21, v22  }
0x225: {  	(v2sf) =	vpush v21, $0x0;
	_ =	sdelay $0xe  }
0x226: {  	s15 =	spop (v2sf)  }
0x227: {  	p0 =	sle.f32 s15, s0  }
.Ltmp16:
0x228: {  	_ = 	snop;
	(pc) =	sbr.rel @!p0 .LBB2_23-.Ltmp16, $1  }
0x229: {  	_ =	sdelay $0x3  }
0x22a: {  	s15 =	simm.s32 $0x0  }
0x22b: {  	v21 =	vmov s15  }
0x22c: {  	v22 =	vld [tilespmem:$0x16900];
	v21 =	vand.u32 $0xF, v21  }
0x22d: {  	vm1 =	vle.f32 v20, s0;
	v23 =	vbroadcast v21, $0x0  }
0x22e: {  	v20 =	vnsel vm1, $0x7F800000, v20  }
0x22f: {  	v24 =	vperm.xlane v20, v23;
	_ =	sdelay $0x1  }
0x230: {  	v25 =	vld [tilespmem:$0x16980];
	vm1 =	veq.f32 v22, v24  }
0x231: {  	s15 =	sor.u32 $0x30, s1;
	v26 =	vsel vm1, $0x3F800000, v6  }
0x232: {  	v21 =	vor.u32 s15, v7;
	vm1 =	vlt.f32 v22, v24;
	v26 =	vtrunc.f32 v26  }
0x233: {  	v27 =	vperm.xlane v21, v23;
	v23 =	vsel vm1, $0x3F800000, v6;
	v26 =	vcvt.f32.s32 v26  }
0x234: {  	v23 =	vtrunc.f32 v23  }
0x235: {  	vm1 =	vlt.s32 v25, v27;
	v23 =	vcvt.f32.s32 v23;
	v26 =	vand.u32 $0x1, v26  }
0x236: {  	v26 =	vnsel vm1, $0x0, v26  }
0x237: {  	v23 =	vor.u32 v23, v26  }
0x238: {  	s16 =	simm.s32 $0x1;
	v26 =	vperm.xlane v23, v8  }
0x239: {  	v28 =	vmov s16;
	vm1 =	veq.s32 v7, $0x0  }
0x23a: {  	v28 =	vand.u32 $0xF, v28;
	v29 =	vsub.s32 $0x1, v23;
	v26 =	vsel vm1, $0x1, v26  }
0x23b: {  	v28 =	vbroadcast v28, $0x0;
	v26 =	vand.u32 v26, v29;
	v29 =	vperm.xlane v22, v8  }
0x23c: {  	vm2 =	vgt.s32 v26, $0x0  }
0x23d: {  	vm3 =	vgt.s32 v23, $0x0;
	v23 =	vperm.xlane v20, v28;
	v24 =	vsel vm2, v24, v29  }
0x23e: {  	v22 =	vsel vm3, v22, v24  }
0x23f: {  	vm4 =	veq.f32 v22, v23  }
0x240: {  	v26 =	vperm.xlane v25, v8;
	v29 =	vsel vm4, $0x3F800000, v6  }
0x241: {  	v24 =	vperm.xlane v21, v28;
	vm15 =	vlt.f32 v22, v23;
	v28 =	vtrunc.f32 v29  }
0x242: {  	v26 =	vsel vm2, v27, v26;
	v27 =	vsel vm15, $0x3F800000, v6;
	v28 =	vcvt.f32.s32 v28  }
0x243: {  	v25 =	vsel vm3, v25, v26;
	v26 =	vtrunc.f32 v27  }
0x244: {  	vm2 =	vlt.s32 v25, v24;
	v26 =	vcvt.f32.s32 v26;
	v27 =	vand.u32 $0x1, v28  }
0x245: {  	v27 =	vnsel vm2, $0x0, v27  }
0x246: {  	s0 =	simm.s32 $0x2;
	v27 =	vor.u32 v26, v27  }
0x247: {  	v29 =	vmov s0;
	v28 =	vperm.xlane v27, v8  }
0x248: {  	s15 =	simm.s32 $0x4;
	v29 =	vand.u32 $0xF, v29;
	v26 =	vperm.xlane v25, v8  }
.LBB2_21:
0x249: {  	p0 =	sne.s32 s15, $0xE;
	v29 =	vbroadcast v29, $0x0;
	v28 =	vsel vm1, $0x1, v28;
	v30 =	vsub.s32 $0x1, v27  }
0x24a: {  	v28 =	vand.u32 v28, v30;
	v30 =	vperm.xlane v22, v8  }
0x24b: {  	v31 =	vperm.xlane v20, v29;
	vm2 =	vgt.s32 v28, $0x0  }
0x24c: {  	vm3 =	vgt.s32 v27, $0x0;
	v23 =	vsel vm2, v23, v30;
	v24 =	vsel vm2, v24, v26  }
0x24d: {  	v22 =	vsel vm3, v22, v23;
	v25 =	vsel vm3, v25, v24  }
0x24e: {  	vm2 =	veq.f32 v22, v31  }
0x24f: {  	v23 =	vsel vm2, $0x3F800000, v6  }
0x250: {  	vm2 =	vlt.f32 v22, v31;
	v23 =	vtrunc.f32 v23  }
0x251: {  	v26 =	vperm.xlane v21, v29;
	v24 =	vsel vm2, $0x3F800000, v6;
	v23 =	vcvt.f32.s32 v23  }
0x252: {  	v24 =	vtrunc.f32 v24  }
0x253: {  	vm2 =	vlt.s32 v25, v26;
	v24 =	vcvt.f32.s32 v24;
	v23 =	vand.u32 $0x1, v23  }
0x254: {  	v23 =	vnsel vm2, $0x0, v23  }
0x255: {  	v23 =	vor.u32 v24, v23  }
0x256: {  	s16 =	sadd.s32 $0x1, s0;
	s0 =	smov.u32 s15;
	v24 =	vperm.xlane v23, v8  }
0x257: {  	v27 =	vmov s16  }
0x258: {  	v27 =	vand.u32 $0xF, v27;
	v28 =	vsub.s32 $0x1, v23;
	v24 =	vsel vm1, $0x1, v24  }
0x259: {  	v27 =	vbroadcast v27, $0x0;
	v24 =	vand.u32 v24, v28;
	v28 =	vperm.xlane v22, v8  }
0x25a: {  	vm2 =	vgt.s32 v24, $0x0  }
0x25b: {  	vm3 =	vgt.s32 v23, $0x0;
	v23 =	vperm.xlane v20, v27;
	v24 =	vsel vm2, v31, v28  }
0x25c: {  	v22 =	vsel vm3, v22, v24  }
0x25d: {  	vm4 =	veq.f32 v22, v23  }
0x25e: {  	v28 =	vperm.xlane v25, v8;
	v29 =	vsel vm4, $0x3F800000, v6  }
0x25f: {  	v24 =	vperm.xlane v21, v27;
	vm4 =	vlt.f32 v22, v23;
	v27 =	vtrunc.f32 v29  }
0x260: {  	v26 =	vsel vm2, v26, v28;
	v28 =	vsel vm4, $0x3F800000, v6;
	v27 =	vcvt.f32.s32 v27  }
0x261: {  	v25 =	vsel vm3, v25, v26;
	v26 =	vtrunc.f32 v28  }
.Ltmp17:
0x262: {  	vm2 =	vlt.s32 v25, v24;
	v28 =	vcvt.f32.s32 v26;
	v26 =	vand.u32 $0x1, v27;
	(pc) =	sbr.rel @p0 .LBB2_21-.Ltmp17, $4  }
0x263: {  	v27 =	vnsel vm2, $0x0, v26;
	v26 =	vperm.xlane v25, v8  }
0x264: {  	v27 =	vor.u32 v28, v27  }
0x265: {  	v29 =	vmov s15;
	v28 =	vperm.xlane v27, v8  }
0x266: {  	s15 =	sadd.s32 $0x2, s15;
	v29 =	vand.u32 $0xF, v29  }
0x267: {  	v28 =	vsel vm1, $0x1, v28;
	v30 =	vsub.s32 $0x1, v27  }
0x268: {  	v29 =	vbroadcast v29, $0x0;
	v45 =	vperm.xlane v22, v8;
	v28 =	vand.u32 v28, v30  }
0x269: {  	vm1 =	vgt.s32 v28, $0x0  }
0x26a: {  	vm2 =	vgt.s32 v27, $0x0;
	v46 =	vperm.xlane v20, v29;
	v23 =	vsel vm1, v23, v45  }
0x26b: {  	v47 =	vsel vm2, v22, v23  }
0x26c: {  	vm3 =	veq.f32 v47, v46  }
0x26d: {  	v48 =	vsel vm3, $0x3F800000, v6  }
0x26e: {  	v24 =	vsel vm1, v24, v26;
	vm1 =	vlt.f32 v47, v46;
	v23 =	vtrunc.f32 v48  }
0x26f: {  	v49 =	vperm.xlane v21, v29;
	v50 =	vsel vm1, $0x3F800000, v6;
	v23 =	vcvt.f32.s32 v23  }
0x270: {  	v24 =	vsel vm2, v25, v24;
	v51 =	vtrunc.f32 v50  }
0x271: {  	vm1 =	vlt.s32 v24, v49;
	v25 =	vcvt.f32.s32 v51;
	v23 =	vand.u32 $0x1, v23  }
0x272: {  	v23 =	vnsel vm1, $0x0, v23  }
0x273: {  	v23 =	vor.u32 v25, v23  }
0x274: {  	s0 =	sadd.s32 $0x1, s0;
	v25 =	vperm.xlane v23, v8  }
0x275: {  	v52 =	vmov s0;
	vm1 =	veq.s32 v7, $0x0  }
0x276: {  	v27 =	vand.u32 $0xF, v52;
	v53 =	vsub.s32 $0x1, v23;
	v25 =	vsel vm1, $0x1, v25  }
0x277: {  	v27 =	vbroadcast v27, $0x0;
	v54 =	vperm.xlane v47, v8;
	v25 =	vand.u32 v25, v53  }
0x278: {  	vm2 =	vgt.s32 v25, $0x0  }
0x279: {  	v20 =	vperm.xlane v20, v27;
	vm3 =	vgt.s32 v23, $0x0;
	v55 =	vsel vm2, v46, v54  }
0x27a: {  	v22 =	vsel vm3, v47, v55  }
0x27b: {  	vm4 =	veq.f32 v22, v20  }
0x27c: {  	v56 =	vperm.xlane v24, v8;
	v57 =	vsel vm4, $0x3F800000, v6  }
0x27d: {  	v58 =	vperm.xlane v21, v27;
	vm15 =	vlt.f32 v22, v20;
	v25 =	vtrunc.f32 v57  }
0x27e: {  	v23 =	vsel vm2, v49, v56;
	v59 =	vsel vm15, $0x3F800000, v6;
	v25 =	vcvt.f32.s32 v25  }
0x27f: {  	v23 =	vsel vm3, v24, v23;
	v60 =	vtrunc.f32 v59  }
0x280: {  	vm2 =	vlt.s32 v23, v58;
	v24 =	vcvt.f32.s32 v60;
	v25 =	vand.u32 $0x1, v25  }
0x281: {  	v25 =	vnsel vm2, $0x0, v25  }
0x282: {  	v24 =	vor.u32 v24, v25  }
0x283: {  	v25 =	vperm.xlane v24, v8;
	_ =	sdelay $0x1  }
0x284: {  	v61 =	vsub.s32 $0x1, v24;
	v25 =	vsel vm1, $0x1, v25  }
0x285: {  	v62 =	vperm.xlane v22, v8;
	v25 =	vand.u32 v25, v61  }
0x286: {  	vm1 =	vgt.s32 v25, $0x0  }
0x287: {  	vm2 =	vgt.s32 v24, $0x0;
	v20 =	vsel vm1, v20, v62  }
0x288: {  	v20 =	vsel vm2, v22, v20  }
0x289: {  	(v2sf) =	vpush v20, $0xF;
	_ =	sdelay $0xe  }
0x28a: {  	v63 =	vperm.xlane v23, v8;
	s16 =	spop (v2sf)  }
0x28b: {  	p0 =	seq.f32 s16, $0.0e+00  }
0x28c: {  	v21 =	vsel vm1, v58, v63;
	s0 =	smin.f32 s16, $6.250000000e-02  }
0x28d: {  	v21 =	vsel vm2, v23, v21;
	[tilespmem:$0x16900] =	vst v20;
	s0 =	simm.s32 @p0 $0xBF800000  }
0x28e: {  	[tilespmem:$0x16980] =	vst v21;
	[smem:$0x0] =	sst s0  }
.LBB2_23:
0x28f: {  	v20 =	vperm.xlane v19, v1;
	_ =	sdelay $0x1  }
0x290: {  	v20 =	vmin.f32 v19, v20  }
0x291: {  	v21 =	vperm.xlane v20, v2;
	_ =	sdelay $0x1  }
0x292: {  	v20 =	vmin.f32 v20, v21  }
0x293: {  	v21 =	vperm.xlane v20, v4;
	_ =	sdelay $0x1  }
0x294: {  	v20 =	vmin.f32 v20, v21  }
0x295: {  	v21 =	vperm.xlane v20, v5;
	_ =	sdelay $0x1  }
0x296: {  	v20 =	vmin.f32 v20, v21  }
0x297: {  	(v2sf) =	vpush v20, $0x0;
	_ =	sdelay $0xe  }
0x298: {  	s15 =	spop (v2sf)  }
0x299: {  	p0 =	sle.f32 s15, s0  }
.Ltmp18:
0x29a: {  	_ = 	snop;
	(pc) =	sbr.rel @!p0 .LBB2_27-.Ltmp18, $1  }
0x29b: {  	_ =	sdelay $0x3  }
0x29c: {  	s15 =	simm.s32 $0x0  }
0x29d: {  	v20 =	vmov s15  }
0x29e: {  	v21 =	vld [tilespmem:$0x16900];
	v20 =	vand.u32 $0xF, v20  }
0x29f: {  	vm1 =	vle.f32 v19, s0;
	v22 =	vbroadcast v20, $0x0  }
0x2a0: {  	v19 =	vnsel vm1, $0x7F800000, v19  }
0x2a1: {  	v23 =	vperm.xlane v19, v22;
	_ =	sdelay $0x1  }
0x2a2: {  	v24 =	vld [tilespmem:$0x16980];
	vm1 =	veq.f32 v21, v23  }
0x2a3: {  	s15 =	sor.u32 $0x40, s1;
	v25 =	vsel vm1, $0x3F800000, v6  }
0x2a4: {  	v20 =	vor.u32 s15, v7;
	vm1 =	vlt.f32 v21, v23;
	v25 =	vtrunc.f32 v25  }
0x2a5: {  	v26 =	vperm.xlane v20, v22;
	v22 =	vsel vm1, $0x3F800000, v6;
	v25 =	vcvt.f32.s32 v25  }
0x2a6: {  	v22 =	vtrunc.f32 v22  }
0x2a7: {  	vm1 =	vlt.s32 v24, v26;
	v22 =	vcvt.f32.s32 v22;
	v25 =	vand.u32 $0x1, v25  }
0x2a8: {  	v25 =	vnsel vm1, $0x0, v25  }
0x2a9: {  	v22 =	vor.u32 v22, v25  }
0x2aa: {  	s16 =	simm.s32 $0x1;
	v25 =	vperm.xlane v22, v8  }
0x2ab: {  	v27 =	vmov s16;
	vm1 =	veq.s32 v7, $0x0  }
0x2ac: {  	v27 =	vand.u32 $0xF, v27;
	v28 =	vsub.s32 $0x1, v22;
	v25 =	vsel vm1, $0x1, v25  }
0x2ad: {  	v27 =	vbroadcast v27, $0x0;
	v25 =	vand.u32 v25, v28;
	v28 =	vperm.xlane v21, v8  }
0x2ae: {  	vm2 =	vgt.s32 v25, $0x0  }
0x2af: {  	vm3 =	vgt.s32 v22, $0x0;
	v22 =	vperm.xlane v19, v27;
	v23 =	vsel vm2, v23, v28  }
0x2b0: {  	v21 =	vsel vm3, v21, v23  }
0x2b1: {  	vm4 =	veq.f32 v21, v22  }
0x2b2: {  	v25 =	vperm.xlane v24, v8;
	v28 =	vsel vm4, $0x3F800000, v6  }
0x2b3: {  	v23 =	vperm.xlane v20, v27;
	vm15 =	vlt.f32 v21, v22;
	v27 =	vtrunc.f32 v28  }
0x2b4: {  	v25 =	vsel vm2, v26, v25;
	v26 =	vsel vm15, $0x3F800000, v6;
	v27 =	vcvt.f32.s32 v27  }
0x2b5: {  	v24 =	vsel vm3, v24, v25;
	v25 =	vtrunc.f32 v26  }
0x2b6: {  	vm2 =	vlt.s32 v24, v23;
	v25 =	vcvt.f32.s32 v25;
	v26 =	vand.u32 $0x1, v27  }
0x2b7: {  	v26 =	vnsel vm2, $0x0, v26  }
0x2b8: {  	s0 =	simm.s32 $0x2;
	v26 =	vor.u32 v25, v26  }
0x2b9: {  	v28 =	vmov s0;
	v27 =	vperm.xlane v26, v8  }
0x2ba: {  	s15 =	simm.s32 $0x4;
	v28 =	vand.u32 $0xF, v28;
	v25 =	vperm.xlane v24, v8  }
.LBB2_25:
0x2bb: {  	p0 =	sne.s32 s15, $0xE;
	v28 =	vbroadcast v28, $0x0;
	v27 =	vsel vm1, $0x1, v27;
	v29 =	vsub.s32 $0x1, v26  }
0x2bc: {  	v27 =	vand.u32 v27, v29;
	v29 =	vperm.xlane v21, v8  }
0x2bd: {  	v30 =	vperm.xlane v19, v28;
	vm2 =	vgt.s32 v27, $0x0  }
0x2be: {  	vm3 =	vgt.s32 v26, $0x0;
	v22 =	vsel vm2, v22, v29;
	v23 =	vsel vm2, v23, v25  }
0x2bf: {  	v21 =	vsel vm3, v21, v22;
	v24 =	vsel vm3, v24, v23  }
0x2c0: {  	vm2 =	veq.f32 v21, v30  }
0x2c1: {  	v22 =	vsel vm2, $0x3F800000, v6  }
0x2c2: {  	vm2 =	vlt.f32 v21, v30;
	v22 =	vtrunc.f32 v22  }
0x2c3: {  	v25 =	vperm.xlane v20, v28;
	v23 =	vsel vm2, $0x3F800000, v6;
	v22 =	vcvt.f32.s32 v22  }
0x2c4: {  	v23 =	vtrunc.f32 v23  }
0x2c5: {  	vm2 =	vlt.s32 v24, v25;
	v23 =	vcvt.f32.s32 v23;
	v22 =	vand.u32 $0x1, v22  }
0x2c6: {  	v22 =	vnsel vm2, $0x0, v22  }
0x2c7: {  	v22 =	vor.u32 v23, v22  }
0x2c8: {  	s16 =	sadd.s32 $0x1, s0;
	s0 =	smov.u32 s15;
	v23 =	vperm.xlane v22, v8  }
0x2c9: {  	v26 =	vmov s16  }
0x2ca: {  	v26 =	vand.u32 $0xF, v26;
	v27 =	vsub.s32 $0x1, v22;
	v23 =	vsel vm1, $0x1, v23  }
0x2cb: {  	v26 =	vbroadcast v26, $0x0;
	v23 =	vand.u32 v23, v27;
	v27 =	vperm.xlane v21, v8  }
0x2cc: {  	vm2 =	vgt.s32 v23, $0x0  }
0x2cd: {  	vm3 =	vgt.s32 v22, $0x0;
	v22 =	vperm.xlane v19, v26;
	v23 =	vsel vm2, v30, v27  }
0x2ce: {  	v21 =	vsel vm3, v21, v23  }
0x2cf: {  	vm4 =	veq.f32 v21, v22  }
0x2d0: {  	v27 =	vperm.xlane v24, v8;
	v28 =	vsel vm4, $0x3F800000, v6  }
0x2d1: {  	v23 =	vperm.xlane v20, v26;
	vm4 =	vlt.f32 v21, v22;
	v26 =	vtrunc.f32 v28  }
0x2d2: {  	v25 =	vsel vm2, v25, v27;
	v27 =	vsel vm4, $0x3F800000, v6;
	v26 =	vcvt.f32.s32 v26  }
0x2d3: {  	v24 =	vsel vm3, v24, v25;
	v25 =	vtrunc.f32 v27  }
.Ltmp19:
0x2d4: {  	vm2 =	vlt.s32 v24, v23;
	v27 =	vcvt.f32.s32 v25;
	v25 =	vand.u32 $0x1, v26;
	(pc) =	sbr.rel @p0 .LBB2_25-.Ltmp19, $4  }
0x2d5: {  	v26 =	vnsel vm2, $0x0, v25;
	v25 =	vperm.xlane v24, v8  }
0x2d6: {  	v26 =	vor.u32 v27, v26  }
0x2d7: {  	v28 =	vmov s15;
	v27 =	vperm.xlane v26, v8  }
0x2d8: {  	s15 =	sadd.s32 $0x2, s15;
	v28 =	vand.u32 $0xF, v28  }
0x2d9: {  	v27 =	vsel vm1, $0x1, v27;
	v29 =	vsub.s32 $0x1, v26  }
0x2da: {  	v28 =	vbroadcast v28, $0x0;
	v46 =	vperm.xlane v21, v8;
	v27 =	vand.u32 v27, v29  }
0x2db: {  	vm1 =	vgt.s32 v27, $0x0  }
0x2dc: {  	vm2 =	vgt.s32 v26, $0x0;
	v47 =	vperm.xlane v19, v28;
	v22 =	vsel vm1, v22, v46  }
0x2dd: {  	v48 =	vsel vm2, v21, v22  }
0x2de: {  	vm3 =	veq.f32 v48, v47  }
0x2df: {  	v49 =	vsel vm3, $0x3F800000, v6  }
0x2e0: {  	v23 =	vsel vm1, v23, v25;
	vm1 =	vlt.f32 v48, v47;
	v22 =	vtrunc.f32 v49  }
0x2e1: {  	v50 =	vperm.xlane v20, v28;
	v51 =	vsel vm1, $0x3F800000, v6;
	v22 =	vcvt.f32.s32 v22  }
0x2e2: {  	v23 =	vsel vm2, v24, v23;
	v52 =	vtrunc.f32 v51  }
0x2e3: {  	vm1 =	vlt.s32 v23, v50;
	v24 =	vcvt.f32.s32 v52;
	v22 =	vand.u32 $0x1, v22  }
0x2e4: {  	v22 =	vnsel vm1, $0x0, v22  }
0x2e5: {  	v22 =	vor.u32 v24, v22  }
0x2e6: {  	s0 =	sadd.s32 $0x1, s0;
	v24 =	vperm.xlane v22, v8  }
0x2e7: {  	v53 =	vmov s0;
	vm1 =	veq.s32 v7, $0x0  }
0x2e8: {  	v26 =	vand.u32 $0xF, v53;
	v54 =	vsub.s32 $0x1, v22;
	v24 =	vsel vm1, $0x1, v24  }
0x2e9: {  	v26 =	vbroadcast v26, $0x0;
	v55 =	vperm.xlane v48, v8;
	v24 =	vand.u32 v24, v54  }
0x2ea: {  	vm2 =	vgt.s32 v24, $0x0  }
0x2eb: {  	v19 =	vperm.xlane v19, v26;
	vm3 =	vgt.s32 v22, $0x0;
	v56 =	vsel vm2, v47, v55  }
0x2ec: {  	v21 =	vsel vm3, v48, v56  }
0x2ed: {  	vm4 =	veq.f32 v21, v19  }
0x2ee: {  	v57 =	vperm.xlane v23, v8;
	v58 =	vsel vm4, $0x3F800000, v6  }
0x2ef: {  	v20 =	vperm.xlane v20, v26;
	vm15 =	vlt.f32 v21, v19;
	v24 =	vtrunc.f32 v58  }
0x2f0: {  	v22 =	vsel vm2, v50, v57;
	v59 =	vsel vm15, $0x3F800000, v6;
	v24 =	vcvt.f32.s32 v24  }
0x2f1: {  	v22 =	vsel vm3, v23, v22;
	v60 =	vtrunc.f32 v59  }
0x2f2: {  	vm2 =	vlt.s32 v22, v20;
	v23 =	vcvt.f32.s32 v60;
	v24 =	vand.u32 $0x1, v24  }
0x2f3: {  	v24 =	vnsel vm2, $0x0, v24  }
0x2f4: {  	v23 =	vor.u32 v23, v24  }
0x2f5: {  	v24 =	vperm.xlane v23, v8;
	_ =	sdelay $0x1  }
0x2f6: {  	v61 =	vsub.s32 $0x1, v23;
	v24 =	vsel vm1, $0x1, v24  }
0x2f7: {  	v62 =	vperm.xlane v21, v8;
	v24 =	vand.u32 v24, v61  }
0x2f8: {  	vm1 =	vgt.s32 v24, $0x0  }
0x2f9: {  	vm2 =	vgt.s32 v23, $0x0;
	v19 =	vsel vm1, v19, v62  }
0x2fa: {  	v19 =	vsel vm2, v21, v19  }
0x2fb: {  	(v2sf) =	vpush v19, $0xF;
	_ =	sdelay $0xe  }
0x2fc: {  	v63 =	vperm.xlane v22, v8;
	s16 =	spop (v2sf)  }
0x2fd: {  	p0 =	seq.f32 s16, $0.0e+00  }
0x2fe: {  	v20 =	vsel vm1, v20, v63;
	s0 =	smin.f32 s16, $6.250000000e-02  }
0x2ff: {  	v20 =	vsel vm2, v22, v20;
	[tilespmem:$0x16900] =	vst v19;
	s0 =	simm.s32 @p0 $0xBF800000  }
0x300: {  	[tilespmem:$0x16980] =	vst v20;
	[smem:$0x0] =	sst s0  }
.LBB2_27:
0x301: {  	v19 =	vperm.xlane v18, v1;
	_ =	sdelay $0x1  }
0x302: {  	v19 =	vmin.f32 v18, v19  }
0x303: {  	v20 =	vperm.xlane v19, v2;
	_ =	sdelay $0x1  }
0x304: {  	v19 =	vmin.f32 v19, v20  }
0x305: {  	v20 =	vperm.xlane v19, v4;
	_ =	sdelay $0x1  }
0x306: {  	v19 =	vmin.f32 v19, v20  }
0x307: {  	v20 =	vperm.xlane v19, v5;
	_ =	sdelay $0x1  }
0x308: {  	v19 =	vmin.f32 v19, v20  }
0x309: {  	(v2sf) =	vpush v19, $0x0;
	_ =	sdelay $0xe  }
0x30a: {  	s15 =	spop (v2sf)  }
0x30b: {  	p0 =	sle.f32 s15, s0  }
.Ltmp20:
0x30c: {  	_ = 	snop;
	(pc) =	sbr.rel @!p0 .LBB2_31-.Ltmp20, $1  }
0x30d: {  	_ =	sdelay $0x3  }
0x30e: {  	s15 =	simm.s32 $0x0  }
0x30f: {  	v19 =	vmov s15  }
0x310: {  	v20 =	vld [tilespmem:$0x16900];
	v19 =	vand.u32 $0xF, v19  }
0x311: {  	vm1 =	vle.f32 v18, s0;
	v21 =	vbroadcast v19, $0x0  }
0x312: {  	v18 =	vnsel vm1, $0x7F800000, v18  }
0x313: {  	v22 =	vperm.xlane v18, v21;
	_ =	sdelay $0x1  }
0x314: {  	v23 =	vld [tilespmem:$0x16980];
	vm1 =	veq.f32 v20, v22  }
0x315: {  	s15 =	sor.u32 $0x50, s1;
	v24 =	vsel vm1, $0x3F800000, v6  }
0x316: {  	v19 =	vor.u32 s15, v7;
	vm1 =	vlt.f32 v20, v22;
	v24 =	vtrunc.f32 v24  }
0x317: {  	v25 =	vperm.xlane v19, v21;
	v21 =	vsel vm1, $0x3F800000, v6;
	v24 =	vcvt.f32.s32 v24  }
0x318: {  	v21 =	vtrunc.f32 v21  }
0x319: {  	vm1 =	vlt.s32 v23, v25;
	v21 =	vcvt.f32.s32 v21;
	v24 =	vand.u32 $0x1, v24  }
0x31a: {  	v24 =	vnsel vm1, $0x0, v24  }
0x31b: {  	v21 =	vor.u32 v21, v24  }
0x31c: {  	s16 =	simm.s32 $0x1;
	v24 =	vperm.xlane v21, v8  }
0x31d: {  	v26 =	vmov s16;
	vm1 =	veq.s32 v7, $0x0  }
0x31e: {  	v26 =	vand.u32 $0xF, v26;
	v27 =	vsub.s32 $0x1, v21;
	v24 =	vsel vm1, $0x1, v24  }
0x31f: {  	v26 =	vbroadcast v26, $0x0;
	v24 =	vand.u32 v24, v27;
	v27 =	vperm.xlane v20, v8  }
0x320: {  	vm2 =	vgt.s32 v24, $0x0  }
0x321: {  	vm3 =	vgt.s32 v21, $0x0;
	v21 =	vperm.xlane v18, v26;
	v22 =	vsel vm2, v22, v27  }
0x322: {  	v20 =	vsel vm3, v20, v22  }
0x323: {  	vm4 =	veq.f32 v20, v21  }
0x324: {  	v24 =	vperm.xlane v23, v8;
	v27 =	vsel vm4, $0x3F800000, v6  }
0x325: {  	v22 =	vperm.xlane v19, v26;
	vm15 =	vlt.f32 v20, v21;
	v26 =	vtrunc.f32 v27  }
0x326: {  	v24 =	vsel vm2, v25, v24;
	v25 =	vsel vm15, $0x3F800000, v6;
	v26 =	vcvt.f32.s32 v26  }
0x327: {  	v23 =	vsel vm3, v23, v24;
	v24 =	vtrunc.f32 v25  }
0x328: {  	vm2 =	vlt.s32 v23, v22;
	v24 =	vcvt.f32.s32 v24;
	v25 =	vand.u32 $0x1, v26  }
0x329: {  	v25 =	vnsel vm2, $0x0, v25  }
0x32a: {  	s0 =	simm.s32 $0x2;
	v25 =	vor.u32 v24, v25  }
0x32b: {  	v27 =	vmov s0;
	v26 =	vperm.xlane v25, v8  }
0x32c: {  	s15 =	simm.s32 $0x4;
	v27 =	vand.u32 $0xF, v27;
	v24 =	vperm.xlane v23, v8  }
.LBB2_29:
0x32d: {  	p0 =	sne.s32 s15, $0xE;
	v27 =	vbroadcast v27, $0x0;
	v26 =	vsel vm1, $0x1, v26;
	v28 =	vsub.s32 $0x1, v25  }
0x32e: {  	v26 =	vand.u32 v26, v28;
	v28 =	vperm.xlane v20, v8  }
0x32f: {  	v29 =	vperm.xlane v18, v27;
	vm2 =	vgt.s32 v26, $0x0  }
0x330: {  	vm3 =	vgt.s32 v25, $0x0;
	v21 =	vsel vm2, v21, v28;
	v22 =	vsel vm2, v22, v24  }
0x331: {  	v20 =	vsel vm3, v20, v21;
	v23 =	vsel vm3, v23, v22  }
0x332: {  	vm2 =	veq.f32 v20, v29  }
0x333: {  	v21 =	vsel vm2, $0x3F800000, v6  }
0x334: {  	vm2 =	vlt.f32 v20, v29;
	v21 =	vtrunc.f32 v21  }
0x335: {  	v24 =	vperm.xlane v19, v27;
	v22 =	vsel vm2, $0x3F800000, v6;
	v21 =	vcvt.f32.s32 v21  }
0x336: {  	v22 =	vtrunc.f32 v22  }
0x337: {  	vm2 =	vlt.s32 v23, v24;
	v22 =	vcvt.f32.s32 v22;
	v21 =	vand.u32 $0x1, v21  }
0x338: {  	v21 =	vnsel vm2, $0x0, v21  }
0x339: {  	v21 =	vor.u32 v22, v21  }
0x33a: {  	s16 =	sadd.s32 $0x1, s0;
	s0 =	smov.u32 s15;
	v22 =	vperm.xlane v21, v8  }
0x33b: {  	v25 =	vmov s16  }
0x33c: {  	v25 =	vand.u32 $0xF, v25;
	v26 =	vsub.s32 $0x1, v21;
	v22 =	vsel vm1, $0x1, v22  }
0x33d: {  	v25 =	vbroadcast v25, $0x0;
	v22 =	vand.u32 v22, v26;
	v26 =	vperm.xlane v20, v8  }
0x33e: {  	vm2 =	vgt.s32 v22, $0x0  }
0x33f: {  	vm3 =	vgt.s32 v21, $0x0;
	v21 =	vperm.xlane v18, v25;
	v22 =	vsel vm2, v29, v26  }
0x340: {  	v20 =	vsel vm3, v20, v22  }
0x341: {  	vm4 =	veq.f32 v20, v21  }
0x342: {  	v26 =	vperm.xlane v23, v8;
	v27 =	vsel vm4, $0x3F800000, v6  }
0x343: {  	v22 =	vperm.xlane v19, v25;
	vm4 =	vlt.f32 v20, v21;
	v25 =	vtrunc.f32 v27  }
0x344: {  	v24 =	vsel vm2, v24, v26;
	v26 =	vsel vm4, $0x3F800000, v6;
	v25 =	vcvt.f32.s32 v25  }
0x345: {  	v23 =	vsel vm3, v23, v24;
	v24 =	vtrunc.f32 v26  }
.Ltmp21:
0x346: {  	vm2 =	vlt.s32 v23, v22;
	v26 =	vcvt.f32.s32 v24;
	v24 =	vand.u32 $0x1, v25;
	(pc) =	sbr.rel @p0 .LBB2_29-.Ltmp21, $4  }
0x347: {  	v25 =	vnsel vm2, $0x0, v24;
	v24 =	vperm.xlane v23, v8  }
0x348: {  	v25 =	vor.u32 v26, v25  }
0x349: {  	v27 =	vmov s15;
	v26 =	vperm.xlane v25, v8  }
0x34a: {  	s15 =	sadd.s32 $0x2, s15;
	v27 =	vand.u32 $0xF, v27  }
0x34b: {  	v26 =	vsel vm1, $0x1, v26;
	v28 =	vsub.s32 $0x1, v25  }
0x34c: {  	v27 =	vbroadcast v27, $0x0;
	v46 =	vperm.xlane v20, v8;
	v26 =	vand.u32 v26, v28  }
0x34d: {  	vm1 =	vgt.s32 v26, $0x0  }
0x34e: {  	vm2 =	vgt.s32 v25, $0x0;
	v47 =	vperm.xlane v18, v27;
	v21 =	vsel vm1, v21, v46  }
0x34f: {  	v48 =	vsel vm2, v20, v21  }
0x350: {  	vm3 =	veq.f32 v48, v47  }
0x351: {  	v49 =	vsel vm3, $0x3F800000, v6  }
0x352: {  	v22 =	vsel vm1, v22, v24;
	vm1 =	vlt.f32 v48, v47;
	v21 =	vtrunc.f32 v49  }
0x353: {  	v50 =	vperm.xlane v19, v27;
	v51 =	vsel vm1, $0x3F800000, v6;
	v21 =	vcvt.f32.s32 v21  }
0x354: {  	v22 =	vsel vm2, v23, v22;
	v52 =	vtrunc.f32 v51  }
0x355: {  	vm1 =	vlt.s32 v22, v50;
	v23 =	vcvt.f32.s32 v52;
	v21 =	vand.u32 $0x1, v21  }
0x356: {  	v21 =	vnsel vm1, $0x0, v21  }
0x357: {  	v21 =	vor.u32 v23, v21  }
0x358: {  	s0 =	sadd.s32 $0x1, s0;
	v23 =	vperm.xlane v21, v8  }
0x359: {  	v53 =	vmov s0;
	vm1 =	veq.s32 v7, $0x0  }
0x35a: {  	v25 =	vand.u32 $0xF, v53;
	v54 =	vsub.s32 $0x1, v21;
	v23 =	vsel vm1, $0x1, v23  }
0x35b: {  	v25 =	vbroadcast v25, $0x0;
	v55 =	vperm.xlane v48, v8;
	v23 =	vand.u32 v23, v54  }
0x35c: {  	vm2 =	vgt.s32 v23, $0x0  }
0x35d: {  	v18 =	vperm.xlane v18, v25;
	vm3 =	vgt.s32 v21, $0x0;
	v56 =	vsel vm2, v47, v55  }
0x35e: {  	v20 =	vsel vm3, v48, v56  }
0x35f: {  	vm4 =	veq.f32 v20, v18  }
0x360: {  	v57 =	vperm.xlane v22, v8;
	v58 =	vsel vm4, $0x3F800000, v6  }
0x361: {  	v19 =	vperm.xlane v19, v25;
	vm15 =	vlt.f32 v20, v18;
	v23 =	vtrunc.f32 v58  }
0x362: {  	v21 =	vsel vm2, v50, v57;
	v59 =	vsel vm15, $0x3F800000, v6;
	v23 =	vcvt.f32.s32 v23  }
0x363: {  	v21 =	vsel vm3, v22, v21;
	v60 =	vtrunc.f32 v59  }
0x364: {  	vm2 =	vlt.s32 v21, v19;
	v22 =	vcvt.f32.s32 v60;
	v23 =	vand.u32 $0x1, v23  }
0x365: {  	v23 =	vnsel vm2, $0x0, v23  }
0x366: {  	v22 =	vor.u32 v22, v23  }
0x367: {  	v23 =	vperm.xlane v22, v8;
	_ =	sdelay $0x1  }
0x368: {  	v61 =	vsub.s32 $0x1, v22;
	v23 =	vsel vm1, $0x1, v23  }
0x369: {  	v62 =	vperm.xlane v20, v8;
	v23 =	vand.u32 v23, v61  }
0x36a: {  	vm1 =	vgt.s32 v23, $0x0  }
0x36b: {  	vm2 =	vgt.s32 v22, $0x0;
	v18 =	vsel vm1, v18, v62  }
0x36c: {  	v18 =	vsel vm2, v20, v18  }
0x36d: {  	(v2sf) =	vpush v18, $0xF;
	_ =	sdelay $0xe  }
0x36e: {  	v63 =	vperm.xlane v21, v8;
	s16 =	spop (v2sf)  }
0x36f: {  	p0 =	seq.f32 s16, $0.0e+00  }
0x370: {  	v19 =	vsel vm1, v19, v63;
	s0 =	smin.f32 s16, $6.250000000e-02  }
0x371: {  	v19 =	vsel vm2, v21, v19;
	[tilespmem:$0x16900] =	vst v18;
	s0 =	simm.s32 @p0 $0xBF800000  }
0x372: {  	[tilespmem:$0x16980] =	vst v19;
	[smem:$0x0] =	sst s0  }
.LBB2_31:
0x373: {  	v18 =	vperm.xlane v17, v1;
	_ =	sdelay $0x1  }
0x374: {  	v18 =	vmin.f32 v17, v18  }
0x375: {  	v19 =	vperm.xlane v18, v2;
	_ =	sdelay $0x1  }
0x376: {  	v18 =	vmin.f32 v18, v19  }
0x377: {  	v19 =	vperm.xlane v18, v4;
	_ =	sdelay $0x1  }
0x378: {  	v18 =	vmin.f32 v18, v19  }
0x379: {  	v19 =	vperm.xlane v18, v5;
	_ =	sdelay $0x1  }
0x37a: {  	v18 =	vmin.f32 v18, v19  }
0x37b: {  	(v2sf) =	vpush v18, $0x0;
	_ =	sdelay $0xe  }
0x37c: {  	s15 =	spop (v2sf)  }
0x37d: {  	p0 =	sle.f32 s15, s0  }
.Ltmp22:
0x37e: {  	_ = 	snop;
	(pc) =	sbr.rel @!p0 .LBB2_35-.Ltmp22, $1  }
0x37f: {  	_ =	sdelay $0x3  }
0x380: {  	s15 =	simm.s32 $0x0  }
0x381: {  	v18 =	vmov s15  }
0x382: {  	v19 =	vld [tilespmem:$0x16900];
	v18 =	vand.u32 $0xF, v18  }
0x383: {  	vm1 =	vle.f32 v17, s0;
	v20 =	vbroadcast v18, $0x0  }
0x384: {  	v17 =	vnsel vm1, $0x7F800000, v17  }
0x385: {  	v21 =	vperm.xlane v17, v20;
	_ =	sdelay $0x1  }
0x386: {  	v22 =	vld [tilespmem:$0x16980];
	vm1 =	veq.f32 v19, v21  }
0x387: {  	s15 =	sor.u32 $0x60, s1;
	v23 =	vsel vm1, $0x3F800000, v6  }
0x388: {  	v18 =	vor.u32 s15, v7;
	vm1 =	vlt.f32 v19, v21;
	v23 =	vtrunc.f32 v23  }
0x389: {  	v24 =	vperm.xlane v18, v20;
	v20 =	vsel vm1, $0x3F800000, v6;
	v23 =	vcvt.f32.s32 v23  }
0x38a: {  	v20 =	vtrunc.f32 v20  }
0x38b: {  	vm1 =	vlt.s32 v22, v24;
	v20 =	vcvt.f32.s32 v20;
	v23 =	vand.u32 $0x1, v23  }
0x38c: {  	v23 =	vnsel vm1, $0x0, v23  }
0x38d: {  	v20 =	vor.u32 v20, v23  }
0x38e: {  	s16 =	simm.s32 $0x1;
	v23 =	vperm.xlane v20, v8  }
0x38f: {  	v25 =	vmov s16;
	vm1 =	veq.s32 v7, $0x0  }
0x390: {  	v25 =	vand.u32 $0xF, v25;
	v26 =	vsub.s32 $0x1, v20;
	v23 =	vsel vm1, $0x1, v23  }
0x391: {  	v25 =	vbroadcast v25, $0x0;
	v23 =	vand.u32 v23, v26;
	v26 =	vperm.xlane v19, v8  }
0x392: {  	vm2 =	vgt.s32 v23, $0x0  }
0x393: {  	vm3 =	vgt.s32 v20, $0x0;
	v20 =	vperm.xlane v17, v25;
	v21 =	vsel vm2, v21, v26  }
0x394: {  	v19 =	vsel vm3, v19, v21  }
0x395: {  	vm4 =	veq.f32 v19, v20  }
0x396: {  	v23 =	vperm.xlane v22, v8;
	v26 =	vsel vm4, $0x3F800000, v6  }
0x397: {  	v21 =	vperm.xlane v18, v25;
	vm15 =	vlt.f32 v19, v20;
	v25 =	vtrunc.f32 v26  }
0x398: {  	v23 =	vsel vm2, v24, v23;
	v24 =	vsel vm15, $0x3F800000, v6;
	v25 =	vcvt.f32.s32 v25  }
0x399: {  	v22 =	vsel vm3, v22, v23;
	v23 =	vtrunc.f32 v24  }
0x39a: {  	vm2 =	vlt.s32 v22, v21;
	v23 =	vcvt.f32.s32 v23;
	v24 =	vand.u32 $0x1, v25  }
0x39b: {  	v24 =	vnsel vm2, $0x0, v24  }
0x39c: {  	s0 =	simm.s32 $0x2;
	v24 =	vor.u32 v23, v24  }
0x39d: {  	v26 =	vmov s0;
	v25 =	vperm.xlane v24, v8  }
0x39e: {  	s15 =	simm.s32 $0x4;
	v26 =	vand.u32 $0xF, v26;
	v23 =	vperm.xlane v22, v8  }
.LBB2_33:
0x39f: {  	p0 =	sne.s32 s15, $0xE;
	v26 =	vbroadcast v26, $0x0;
	v25 =	vsel vm1, $0x1, v25;
	v27 =	vsub.s32 $0x1, v24  }
0x3a0: {  	v25 =	vand.u32 v25, v27;
	v27 =	vperm.xlane v19, v8  }
0x3a1: {  	v28 =	vperm.xlane v17, v26;
	vm2 =	vgt.s32 v25, $0x0  }
0x3a2: {  	vm3 =	vgt.s32 v24, $0x0;
	v20 =	vsel vm2, v20, v27;
	v21 =	vsel vm2, v21, v23  }
0x3a3: {  	v19 =	vsel vm3, v19, v20;
	v22 =	vsel vm3, v22, v21  }
0x3a4: {  	vm2 =	veq.f32 v19, v28  }
0x3a5: {  	v20 =	vsel vm2, $0x3F800000, v6  }
0x3a6: {  	vm2 =	vlt.f32 v19, v28;
	v20 =	vtrunc.f32 v20  }
0x3a7: {  	v23 =	vperm.xlane v18, v26;
	v21 =	vsel vm2, $0x3F800000, v6;
	v20 =	vcvt.f32.s32 v20  }
0x3a8: {  	v21 =	vtrunc.f32 v21  }
0x3a9: {  	vm2 =	vlt.s32 v22, v23;
	v21 =	vcvt.f32.s32 v21;
	v20 =	vand.u32 $0x1, v20  }
0x3aa: {  	v20 =	vnsel vm2, $0x0, v20  }
0x3ab: {  	v20 =	vor.u32 v21, v20  }
0x3ac: {  	s16 =	sadd.s32 $0x1, s0;
	s0 =	smov.u32 s15;
	v21 =	vperm.xlane v20, v8  }
0x3ad: {  	v24 =	vmov s16  }
0x3ae: {  	v24 =	vand.u32 $0xF, v24;
	v25 =	vsub.s32 $0x1, v20;
	v21 =	vsel vm1, $0x1, v21  }
0x3af: {  	v24 =	vbroadcast v24, $0x0;
	v21 =	vand.u32 v21, v25;
	v25 =	vperm.xlane v19, v8  }
0x3b0: {  	vm2 =	vgt.s32 v21, $0x0  }
0x3b1: {  	vm3 =	vgt.s32 v20, $0x0;
	v20 =	vperm.xlane v17, v24;
	v21 =	vsel vm2, v28, v25  }
0x3b2: {  	v19 =	vsel vm3, v19, v21  }
0x3b3: {  	vm4 =	veq.f32 v19, v20  }
0x3b4: {  	v25 =	vperm.xlane v22, v8;
	v26 =	vsel vm4, $0x3F800000, v6  }
0x3b5: {  	v21 =	vperm.xlane v18, v24;
	vm4 =	vlt.f32 v19, v20;
	v24 =	vtrunc.f32 v26  }
0x3b6: {  	v23 =	vsel vm2, v23, v25;
	v25 =	vsel vm4, $0x3F800000, v6;
	v24 =	vcvt.f32.s32 v24  }
0x3b7: {  	v22 =	vsel vm3, v22, v23;
	v23 =	vtrunc.f32 v25  }
.Ltmp23:
0x3b8: {  	vm2 =	vlt.s32 v22, v21;
	v25 =	vcvt.f32.s32 v23;
	v23 =	vand.u32 $0x1, v24;
	(pc) =	sbr.rel @p0 .LBB2_33-.Ltmp23, $4  }
0x3b9: {  	v24 =	vnsel vm2, $0x0, v23;
	v23 =	vperm.xlane v22, v8  }
0x3ba: {  	v24 =	vor.u32 v25, v24  }
0x3bb: {  	v26 =	vmov s15;
	v25 =	vperm.xlane v24, v8  }
0x3bc: {  	s15 =	sadd.s32 $0x2, s15;
	v26 =	vand.u32 $0xF, v26  }
0x3bd: {  	v25 =	vsel vm1, $0x1, v25;
	v27 =	vsub.s32 $0x1, v24  }
0x3be: {  	v26 =	vbroadcast v26, $0x0;
	v48 =	vperm.xlane v19, v8;
	v25 =	vand.u32 v25, v27  }
0x3bf: {  	vm1 =	vgt.s32 v25, $0x0  }
0x3c0: {  	vm2 =	vgt.s32 v24, $0x0;
	v49 =	vperm.xlane v17, v26;
	v20 =	vsel vm1, v20, v48  }
0x3c1: {  	v19 =	vsel vm2, v19, v20  }
0x3c2: {  	vm3 =	veq.f32 v19, v49  }
0x3c3: {  	v50 =	vsel vm3, $0x3F800000, v6  }
0x3c4: {  	v21 =	vsel vm1, v21, v23;
	vm1 =	vlt.f32 v19, v49;
	v20 =	vtrunc.f32 v50  }
0x3c5: {  	v51 =	vperm.xlane v18, v26;
	v52 =	vsel vm1, $0x3F800000, v6;
	v20 =	vcvt.f32.s32 v20  }
0x3c6: {  	v21 =	vsel vm2, v22, v21;
	v53 =	vtrunc.f32 v52  }
0x3c7: {  	vm1 =	vlt.s32 v21, v51;
	v22 =	vcvt.f32.s32 v53;
	v20 =	vand.u32 $0x1, v20  }
0x3c8: {  	v20 =	vnsel vm1, $0x0, v20  }
0x3c9: {  	v20 =	vor.u32 v22, v20  }
0x3ca: {  	s0 =	sadd.s32 $0x1, s0;
	v22 =	vperm.xlane v20, v8  }
0x3cb: {  	v54 =	vmov s0;
	vm1 =	veq.s32 v7, $0x0  }
0x3cc: {  	v24 =	vand.u32 $0xF, v54;
	v55 =	vsub.s32 $0x1, v20;
	v22 =	vsel vm1, $0x1, v22  }
0x3cd: {  	v24 =	vbroadcast v24, $0x0;
	v56 =	vperm.xlane v19, v8;
	v22 =	vand.u32 v22, v55  }
0x3ce: {  	vm2 =	vgt.s32 v22, $0x0  }
0x3cf: {  	v17 =	vperm.xlane v17, v24;
	vm3 =	vgt.s32 v20, $0x0;
	v57 =	vsel vm2, v49, v56  }
0x3d0: {  	v19 =	vsel vm3, v19, v57  }
0x3d1: {  	vm4 =	veq.f32 v19, v17  }
0x3d2: {  	v58 =	vperm.xlane v21, v8;
	v59 =	vsel vm4, $0x3F800000, v6  }
0x3d3: {  	v18 =	vperm.xlane v18, v24;
	vm15 =	vlt.f32 v19, v17;
	v22 =	vtrunc.f32 v59  }
0x3d4: {  	v20 =	vsel vm2, v51, v58;
	v60 =	vsel vm15, $0x3F800000, v6;
	v22 =	vcvt.f32.s32 v22  }
0x3d5: {  	v20 =	vsel vm3, v21, v20;
	v61 =	vtrunc.f32 v60  }
0x3d6: {  	vm2 =	vlt.s32 v20, v18;
	v21 =	vcvt.f32.s32 v61;
	v22 =	vand.u32 $0x1, v22  }
0x3d7: {  	v22 =	vnsel vm2, $0x0, v22  }
0x3d8: {  	v21 =	vor.u32 v21, v22  }
0x3d9: {  	v22 =	vperm.xlane v21, v8;
	_ =	sdelay $0x1  }
0x3da: {  	v62 =	vsub.s32 $0x1, v21;
	v22 =	vsel vm1, $0x1, v22  }
0x3db: {  	v63 =	vperm.xlane v19, v8;
	v22 =	vand.u32 v22, v62  }
0x3dc: {  	vm1 =	vgt.s32 v22, $0x0  }
0x3dd: {  	vm2 =	vgt.s32 v21, $0x0;
	v17 =	vsel vm1, v17, v63  }
0x3de: {  	v17 =	vsel vm2, v19, v17  }
0x3df: {  	(v2sf) =	vpush v17, $0xF;
	_ =	sdelay $0xe  }
0x3e0: {  	v19 =	vperm.xlane v20, v8;
	s16 =	spop (v2sf)  }
0x3e1: {  	p0 =	seq.f32 s16, $0.0e+00  }
0x3e2: {  	v18 =	vsel vm1, v18, v19;
	s0 =	smin.f32 s16, $6.250000000e-02  }
0x3e3: {  	[tilespmem:$0x16900] =	vst v17;
	v18 =	vsel vm2, v20, v18;
	s0 =	simm.s32 @p0 $0xBF800000  }
0x3e4: {  	[tilespmem:$0x16980] =	vst v18;
	[smem:$0x0] =	sst s0  }
.LBB2_35:
0x3e5: {  	v17 =	vperm.xlane v16, v1;
	_ =	sdelay $0x1  }
0x3e6: {  	v17 =	vmin.f32 v16, v17  }
0x3e7: {  	v18 =	vperm.xlane v17, v2;
	_ =	sdelay $0x1  }
0x3e8: {  	v17 =	vmin.f32 v17, v18  }
0x3e9: {  	v18 =	vperm.xlane v17, v4;
	_ =	sdelay $0x1  }
0x3ea: {  	v17 =	vmin.f32 v17, v18  }
0x3eb: {  	v18 =	vperm.xlane v17, v5;
	_ =	sdelay $0x1  }
0x3ec: {  	v17 =	vmin.f32 v17, v18  }
0x3ed: {  	(v2sf) =	vpush v17, $0x0;
	_ =	sdelay $0xe  }
0x3ee: {  	s15 =	spop (v2sf)  }
0x3ef: {  	p0 =	sle.f32 s15, s0  }
.Ltmp24:
0x3f0: {  	_ = 	snop;
	(pc) =	sbr.rel @!p0 .LBB2_39-.Ltmp24, $1  }
0x3f1: {  	_ =	sdelay $0x3  }
0x3f2: {  	s15 =	simm.s32 $0x0  }
0x3f3: {  	v17 =	vmov s15  }
0x3f4: {  	v18 =	vld [tilespmem:$0x16900];
	v17 =	vand.u32 $0xF, v17  }
0x3f5: {  	vm1 =	vle.f32 v16, s0;
	v19 =	vbroadcast v17, $0x0  }
0x3f6: {  	v16 =	vnsel vm1, $0x7F800000, v16  }
0x3f7: {  	v20 =	vperm.xlane v16, v19;
	_ =	sdelay $0x1  }
0x3f8: {  	v21 =	vld [tilespmem:$0x16980];
	vm1 =	veq.f32 v18, v20  }
0x3f9: {  	s15 =	sor.u32 $0x70, s1;
	v22 =	vsel vm1, $0x3F800000, v6  }
0x3fa: {  	v17 =	vor.u32 s15, v7;
	vm1 =	vlt.f32 v18, v20;
	v22 =	vtrunc.f32 v22  }
0x3fb: {  	v23 =	vperm.xlane v17, v19;
	v19 =	vsel vm1, $0x3F800000, v6;
	v22 =	vcvt.f32.s32 v22  }
0x3fc: {  	v19 =	vtrunc.f32 v19  }
0x3fd: {  	vm1 =	vlt.s32 v21, v23;
	v19 =	vcvt.f32.s32 v19;
	v22 =	vand.u32 $0x1, v22  }
0x3fe: {  	v22 =	vnsel vm1, $0x0, v22  }
0x3ff: {  	v19 =	vor.u32 v19, v22  }
0x400: {  	s16 =	simm.s32 $0x1;
	v22 =	vperm.xlane v19, v8  }
0x401: {  	v24 =	vmov s16;
	vm1 =	veq.s32 v7, $0x0  }
0x402: {  	v24 =	vand.u32 $0xF, v24;
	v25 =	vsub.s32 $0x1, v19;
	v22 =	vsel vm1, $0x1, v22  }
0x403: {  	v24 =	vbroadcast v24, $0x0;
	v22 =	vand.u32 v22, v25;
	v25 =	vperm.xlane v18, v8  }
0x404: {  	vm2 =	vgt.s32 v22, $0x0  }
0x405: {  	vm3 =	vgt.s32 v19, $0x0;
	v19 =	vperm.xlane v16, v24;
	v20 =	vsel vm2, v20, v25  }
0x406: {  	v18 =	vsel vm3, v18, v20  }
0x407: {  	vm4 =	veq.f32 v18, v19  }
0x408: {  	v22 =	vperm.xlane v21, v8;
	v25 =	vsel vm4, $0x3F800000, v6  }
0x409: {  	v20 =	vperm.xlane v17, v24;
	vm15 =	vlt.f32 v18, v19;
	v24 =	vtrunc.f32 v25  }
0x40a: {  	v22 =	vsel vm2, v23, v22;
	v23 =	vsel vm15, $0x3F800000, v6;
	v24 =	vcvt.f32.s32 v24  }
0x40b: {  	v21 =	vsel vm3, v21, v22;
	v22 =	vtrunc.f32 v23  }
0x40c: {  	vm2 =	vlt.s32 v21, v20;
	v22 =	vcvt.f32.s32 v22;
	v23 =	vand.u32 $0x1, v24  }
0x40d: {  	v23 =	vnsel vm2, $0x0, v23  }
0x40e: {  	s0 =	simm.s32 $0x2;
	v23 =	vor.u32 v22, v23  }
0x40f: {  	v25 =	vmov s0;
	v24 =	vperm.xlane v23, v8  }
0x410: {  	s1 =	simm.s32 $0x4;
	v25 =	vand.u32 $0xF, v25;
	v22 =	vperm.xlane v21, v8  }
.LBB2_37:
0x411: {  	p0 =	sne.s32 s1, $0xE;
	v25 =	vbroadcast v25, $0x0;
	v24 =	vsel vm1, $0x1, v24;
	v26 =	vsub.s32 $0x1, v23  }
0x412: {  	v24 =	vand.u32 v24, v26;
	v26 =	vperm.xlane v18, v8  }
0x413: {  	v27 =	vperm.xlane v16, v25;
	vm2 =	vgt.s32 v24, $0x0  }
0x414: {  	vm3 =	vgt.s32 v23, $0x0;
	v19 =	vsel vm2, v19, v26;
	v20 =	vsel vm2, v20, v22  }
0x415: {  	v18 =	vsel vm3, v18, v19;
	v21 =	vsel vm3, v21, v20  }
0x416: {  	vm2 =	veq.f32 v18, v27  }
0x417: {  	v19 =	vsel vm2, $0x3F800000, v6  }
0x418: {  	vm2 =	vlt.f32 v18, v27;
	v19 =	vtrunc.f32 v19  }
0x419: {  	v22 =	vperm.xlane v17, v25;
	v20 =	vsel vm2, $0x3F800000, v6;
	v19 =	vcvt.f32.s32 v19  }
0x41a: {  	v20 =	vtrunc.f32 v20  }
0x41b: {  	vm2 =	vlt.s32 v21, v22;
	v20 =	vcvt.f32.s32 v20;
	v19 =	vand.u32 $0x1, v19  }
0x41c: {  	v19 =	vnsel vm2, $0x0, v19  }
0x41d: {  	v19 =	vor.u32 v20, v19  }
0x41e: {  	s15 =	sadd.s32 $0x1, s0;
	s0 =	smov.u32 s1;
	v20 =	vperm.xlane v19, v8  }
0x41f: {  	v23 =	vmov s15  }
0x420: {  	v23 =	vand.u32 $0xF, v23;
	v24 =	vsub.s32 $0x1, v19;
	v20 =	vsel vm1, $0x1, v20  }
0x421: {  	v23 =	vbroadcast v23, $0x0;
	v20 =	vand.u32 v20, v24;
	v24 =	vperm.xlane v18, v8  }
0x422: {  	vm2 =	vgt.s32 v20, $0x0  }
0x423: {  	vm3 =	vgt.s32 v19, $0x0;
	v19 =	vperm.xlane v16, v23;
	v20 =	vsel vm2, v27, v24  }
0x424: {  	v18 =	vsel vm3, v18, v20  }
0x425: {  	vm4 =	veq.f32 v18, v19  }
0x426: {  	v24 =	vperm.xlane v21, v8;
	v25 =	vsel vm4, $0x3F800000, v6  }
0x427: {  	v20 =	vperm.xlane v17, v23;
	vm4 =	vlt.f32 v18, v19;
	v23 =	vtrunc.f32 v25  }
0x428: {  	v22 =	vsel vm2, v22, v24;
	v24 =	vsel vm4, $0x3F800000, v6;
	v23 =	vcvt.f32.s32 v23  }
0x429: {  	v21 =	vsel vm3, v21, v22;
	v22 =	vtrunc.f32 v24  }
.Ltmp25:
0x42a: {  	vm2 =	vlt.s32 v21, v20;
	v24 =	vcvt.f32.s32 v22;
	v22 =	vand.u32 $0x1, v23;
	(pc) =	sbr.rel @p0 .LBB2_37-.Ltmp25, $4  }
0x42b: {  	v23 =	vnsel vm2, $0x0, v22;
	v22 =	vperm.xlane v21, v8  }
0x42c: {  	v23 =	vor.u32 v24, v23  }
0x42d: {  	v25 =	vmov s1;
	v24 =	vperm.xlane v23, v8  }
0x42e: {  	s1 =	sadd.s32 $0x2, s1;
	v25 =	vand.u32 $0xF, v25  }
0x42f: {  	v24 =	vsel vm1, $0x1, v24;
	v26 =	vsub.s32 $0x1, v23  }
0x430: {  	v25 =	vbroadcast v25, $0x0;
	v46 =	vperm.xlane v18, v8;
	v24 =	vand.u32 v24, v26  }
0x431: {  	vm1 =	vgt.s32 v24, $0x0  }
0x432: {  	vm2 =	vgt.s32 v23, $0x0;
	v47 =	vperm.xlane v16, v25;
	v19 =	vsel vm1, v19, v46  }
0x433: {  	v48 =	vsel vm2, v18, v19  }
0x434: {  	vm3 =	veq.f32 v48, v47  }
0x435: {  	v49 =	vsel vm3, $0x3F800000, v6  }
0x436: {  	v20 =	vsel vm1, v20, v22;
	vm1 =	vlt.f32 v48, v47;
	v19 =	vtrunc.f32 v49  }
0x437: {  	v50 =	vperm.xlane v17, v25;
	v51 =	vsel vm1, $0x3F800000, v6;
	v19 =	vcvt.f32.s32 v19  }
0x438: {  	v20 =	vsel vm2, v21, v20;
	v52 =	vtrunc.f32 v51  }
0x439: {  	vm1 =	vlt.s32 v20, v50;
	v21 =	vcvt.f32.s32 v52;
	v19 =	vand.u32 $0x1, v19  }
0x43a: {  	v19 =	vnsel vm1, $0x0, v19  }
0x43b: {  	v19 =	vor.u32 v21, v19  }
0x43c: {  	s0 =	sadd.s32 $0x1, s0;
	v21 =	vperm.xlane v19, v8  }
0x43d: {  	v53 =	vmov s0;
	vm1 =	veq.s32 v7, $0x0  }
0x43e: {  	v23 =	vand.u32 $0xF, v53;
	v54 =	vsub.s32 $0x1, v19;
	v21 =	vsel vm1, $0x1, v21  }
0x43f: {  	v23 =	vbroadcast v23, $0x0;
	v55 =	vperm.xlane v48, v8;
	v21 =	vand.u32 v21, v54  }
0x440: {  	vm2 =	vgt.s32 v21, $0x0  }
0x441: {  	v16 =	vperm.xlane v16, v23;
	vm3 =	vgt.s32 v19, $0x0;
	v56 =	vsel vm2, v47, v55  }
0x442: {  	v18 =	vsel vm3, v48, v56  }
0x443: {  	vm4 =	veq.f32 v18, v16  }
0x444: {  	v57 =	vperm.xlane v20, v8;
	v58 =	vsel vm4, $0x3F800000, v6  }
0x445: {  	v17 =	vperm.xlane v17, v23;
	vm15 =	vlt.f32 v18, v16;
	v21 =	vtrunc.f32 v58  }
0x446: {  	v19 =	vsel vm2, v50, v57;
	v59 =	vsel vm15, $0x3F800000, v6;
	v21 =	vcvt.f32.s32 v21  }
0x447: {  	v19 =	vsel vm3, v20, v19;
	v60 =	vtrunc.f32 v59  }
0x448: {  	vm2 =	vlt.s32 v19, v17;
	v20 =	vcvt.f32.s32 v60;
	v21 =	vand.u32 $0x1, v21  }
0x449: {  	v21 =	vnsel vm2, $0x0, v21  }
0x44a: {  	v20 =	vor.u32 v20, v21  }
0x44b: {  	v21 =	vperm.xlane v20, v8;
	_ =	sdelay $0x1  }
0x44c: {  	v61 =	vsub.s32 $0x1, v20;
	v21 =	vsel vm1, $0x1, v21  }
0x44d: {  	v62 =	vperm.xlane v18, v8;
	v21 =	vand.u32 v21, v61  }
0x44e: {  	vm1 =	vgt.s32 v21, $0x0  }
0x44f: {  	vm2 =	vgt.s32 v20, $0x0;
	v16 =	vsel vm1, v16, v62  }
0x450: {  	v16 =	vsel vm2, v18, v16  }
0x451: {  	(v2sf) =	vpush v16, $0xF;
	_ =	sdelay $0xe  }
.Ltmp26:
0x452: {  	v63 =	vperm.xlane v19, v8;
	s16 =	spop (v2sf);
	(pc) =	sbr.rel .LBB2_39-.Ltmp26, $4  }
0x453: {  	p0 =	seq.f32 s16, $0.0e+00  }
0x454: {  	v17 =	vsel vm1, v17, v63;
	s0 =	smin.f32 s16, $6.250000000e-02  }
0x455: {  	v17 =	vsel vm2, v19, v17;
	[tilespmem:$0x16900] =	vst v16;
	s0 =	simm.s32 @p0 $0xBF800000  }
0x456: {  	[tilespmem:$0x16980] =	vst v17;
	[smem:$0x0] =	sst s0  }
.LBB2_43:
0x457: {  	_ =	sfence.sel $0x180000  }
0x458: {  	[bflag:$0x0] =	sbarrier.arrive $0xFFFF  }
0x459: {  	_ =	strace $0x90000047  }
0x45a: {  	s0 =	stileid.u32;
	[bflag:$0x2] =	sbarrier.arrive $0xFFFF  }
0x45b: {  	p0 =	sne.s32 s0, $0x0;
	s0 =	rddreg [dreg:$0x3]  }
0x45c: {  	s0 =	sadd.s32 @!p0 $0x100000, s0  }
0x45d: {  	[sflag:s0] =	ssyncadd.tile.s32 @!p0 $0x1;
	_ =	shalt  }
.Lfunc_end2:
_tile_overlayer_lowered:
.L_overlay_start_2:
0x45e: {  	(tag) =	ssettag $0x2  }
0x45f: {  	s0 =	rddreg [dreg:$0x0];
	s2 =	stileid.u32  }
0x460: {  	s1 =	rddreg [dreg:$0x1];
	p0 =	sne.s32 s2, $0x0  }
0x461: {  	s3 =	rddreg [dreg:$0x2];
	[bflag:$0x3] =	sbarrier.arrive $0xFFFF;
	s2 =	simm.s32 @!p0 $0x1C02  }
0x462: {  	[timem:s3], [sflag:s2] =	dma.local @!p0 [hbm:s0], s1  }
0x463: {  	s0 =	simm.s32 @!p0 $0x2  }
0x464: {  	_ =	swait.ge @!p0 [sflag:s0], s1  }
0x465: {  	s1 =	ssub.s32 @!p0 $0x0, s1;
	[sflag:s0] =	ssyncset.done @!p0 $0x0  }
0x466: {  	[sflag:s0] =	ssyncadd.s32 @!p0 s1  }
0x467: {  	[bflag:$0x3] =	sbarrier.arrive $0xFFFF  }
0x468: {  	_ =	shalt  }

</sc_bundles>
